<compile_context>
chip_gen: v7x
topology: tpu7x:2x2x1
jax: 0.10.2.dev20260603
libtpu: 0.0.44.dev20260713+nightly
codegen_flags: <defaults>
</compile_context>

<pallas_src>
import functools

import jax
import jax.numpy as jnp
from jax import lax
from jax.experimental import pallas as pl
from jax.experimental.pallas import tpu as pltpu
from jax.experimental.pallas import tpu_sc as plsc

N_OBJ = 1000
N_REL = 10000
HIDDEN = 512
NUM_OBJ_CLS = 151
NUM_REL_CLS = 51
IOU_THR = 0.3
NEG = -1e30

C_PAD = 152
B_PAD = 1024
NUM_WORKERS = 32
REL_PAD = 10240
ROWS_PER_W = REL_PAD // NUM_WORKERS
CHUNK = 40
NCHUNK = ROWS_PER_W // CHUNK


def _fold_body(wrel_ref, wv_ref, brel_ref, bg_ref, wrv_ref, bias_ref):
    wrv = jnp.dot(wrel_ref[...].astype(jnp.bfloat16),
                  wv_ref[...].astype(jnp.bfloat16),
                  preferred_element_type=jnp.float32)
    wrv_ref[...] = wrv.astype(jnp.bfloat16)
    bias_ref[...] = (
        jnp.dot(brel_ref[...], wv_ref[...], preferred_element_type=jnp.float32)
        + bg_ref[...]
    )


def _obj_body(fmaps_ref, wobj_ref, bobj_ref, logits_ref, ws_ref, wo_ref,
              wps_ref, wpo_ref, probs_ref, ts_ref, to_ref):
    logits = logits_ref[...]
    m = jnp.max(logits, axis=1, keepdims=True)
    e = jnp.exp(logits - m)
    probs = e / jnp.sum(e, axis=1, keepdims=True)
    probs_ref[...] = probs
    obj_f = jnp.dot(fmaps_ref[...].astype(jnp.bfloat16),
                    wobj_ref[...].astype(jnp.bfloat16),
                    preferred_element_type=jnp.float32) + bobj_ref[...]
    objf_bf = obj_f.astype(jnp.bfloat16)
    probs_bf = probs.astype(jnp.bfloat16)
    ts_ref[...] = (
        jnp.dot(objf_bf, ws_ref[...].astype(jnp.bfloat16),
                preferred_element_type=jnp.float32)
        + jnp.dot(probs_bf, wps_ref[...].astype(jnp.bfloat16),
                  preferred_element_type=jnp.float32))
    to_ref[...] = (
        jnp.dot(objf_bf, wo_ref[...].astype(jnp.bfloat16),
                preferred_element_type=jnp.float32)
        + jnp.dot(probs_bf, wpo_ref[...].astype(jnp.bfloat16),
                  preferred_element_type=jnp.float32))


def _sc_gather(ts, to, s_idx, o_idx):
    mesh = plsc.VectorSubcoreMesh(core_axis_name="c", subcore_axis_name="s")

    @functools.partial(
        pl.kernel,
        mesh=mesh,
        out_type=(
            jax.ShapeDtypeStruct((REL_PAD, HIDDEN), jnp.float32),
            jax.ShapeDtypeStruct((REL_PAD, HIDDEN), jnp.float32),
        ),
        scratch_types=[
            pltpu.VMEM((ROWS_PER_W,), jnp.int32),
            pltpu.VMEM((ROWS_PER_W,), jnp.int32),
            pltpu.VMEM((CHUNK, HIDDEN), jnp.float32),
            pltpu.VMEM((CHUNK, HIDDEN), jnp.float32),
            pltpu.VMEM((CHUNK, HIDDEN), jnp.float32),
            pltpu.VMEM((CHUNK, HIDDEN), jnp.float32),
            pltpu.SemaphoreType.DMA,
            pltpu.SemaphoreType.DMA,
            pltpu.SemaphoreType.DMA,
            pltpu.SemaphoreType.DMA,
            pltpu.SemaphoreType.DMA,
            pltpu.SemaphoreType.DMA,
            pltpu.SemaphoreType.DMA,
            pltpu.SemaphoreType.DMA,
        ],
    )
    def body(ts_hbm, to_hbm, sidx_hbm, oidx_hbm, gs_hbm, go_hbm,
             sidx_v, oidx_v, bufs0, bufs1, bufo0, bufo1,
             gs0, gs1, go0, go1, ws0, ws1, wo0, wo1):
        wid = lax.axis_index("s") * 2 + lax.axis_index("c")
        base = wid * ROWS_PER_W
        pltpu.sync_copy(sidx_hbm.at[pl.ds(base, ROWS_PER_W)], sidx_v)
        pltpu.sync_copy(oidx_hbm.at[pl.ds(base, ROWS_PER_W)], oidx_v)
        bufs = (bufs0, bufs1)
        bufo = (bufo0, bufo1)
        gsem = (gs0, gs1)
        osem = (go0, go1)
        wssem = (ws0, ws1)
        wosem = (wo0, wo1)

        def gstart(k):
            b = k % 2
            isl = pl.ds(k * CHUNK, CHUNK)
            return (
                pltpu.async_copy(ts_hbm.at[sidx_v.at[isl]], bufs[b], gsem[b]),
                pltpu.async_copy(to_hbm.at[oidx_v.at[isl]], bufo[b], osem[b]),
            )

        gd = [None] * NCHUNK
        wd = [None] * NCHUNK
        gd[0] = gstart(0)
        for k in range(NCHUNK):
            b = k % 2
            if k + 1 < NCHUNK:
                if k >= 1:
                    for w in wd[k - 1]:
                        w.wait()
                gd[k + 1] = gstart(k + 1)
            for g in gd[k]:
                g.wait()
            rows = pl.ds(base + k * CHUNK, CHUNK)
            wd[k] = (
                pltpu.async_copy(bufs[b], gs_hbm.at[rows], wssem[b]),
                pltpu.async_copy(bufo[b], go_hbm.at[rows], wosem[b]),
            )
        for k in (NCHUNK - 2, NCHUNK - 1):
            for w in wd[k]:
                w.wait()

    return body(ts, to, s_idx, o_idx)


def _rel_body(vr_ref, wrv_ref, gs_ref, go_ref, bias_ref, wcls_ref, bcls_ref,
              out_ref):
    acc = jnp.dot(vr_ref[...].astype(jnp.bfloat16), wrv_ref[...],
                  preferred_element_type=jnp.float32)
    h = jnp.maximum(acc + gs_ref[...] + go_ref[...] + bias_ref[0:1, :], 0.0)
    out_ref[...] = (
        jnp.dot(h, wcls_ref[...], preferred_element_type=jnp.float32)
        + bcls_ref[...])


def _nms_body(boxes_ref, probs_t_ref, pred_ref):
    x1 = boxes_ref[0]
    y1 = boxes_ref[1]
    x2 = boxes_ref[2]
    y2 = boxes_ref[3]
    lane = lax.broadcasted_iota(jnp.int32, (C_PAD, B_PAD), 1)
    row = lax.broadcasted_iota(jnp.int32, (C_PAD, B_PAD), 0)
    valid = (row >= 1) & (row <= 150) & (lane < N_OBJ)
    probs_t = probs_t_ref[...]
    mscore0 = jnp.where(valid, probs_t, NEG)
    areas = (x2 - x1) * (y2 - y1)

    def cond(c):
        return c[1]

    def body(c):
        mscore, _ = c
        m = jnp.max(mscore, axis=1, keepdims=True)
        active = m > 0.0
        eq = mscore == m
        sel_idx = jnp.min(jnp.where(eq, lane, 1023), axis=1, keepdims=True)
        sel = lane == sel_idx

        def pick(a):
            return jnp.sum(jnp.where(sel, a, 0.0), axis=1, keepdims=True)

        x1s = pick(x1)
        y1s = pick(y1)
        x2s = pick(x2)
        y2s = pick(y2)
        ars = (x2s - x1s) * (y2s - y1s)
        iw = jnp.maximum(jnp.minimum(x2s, x2) - jnp.maximum(x1s, x1), 0.0)
        ih = jnp.maximum(jnp.minimum(y2s, y2) - jnp.maximum(y1s, y1), 0.0)
        inter = iw * ih
        union = ars + areas - inter
        iou = inter / jnp.maximum(union, 1e-10)
        supm = (iou > IOU_THR) & active
        selm = sel & active
        mscore = jnp.where(selm, -m, jnp.where(supm, NEG, mscore))
        return mscore, jnp.any(active)

    def body8(c):
        for _ in range(8):
            c = body(c)
        return c

    mscore, _ = lax.while_loop(cond, body8, (mscore0, True))

    masked = jnp.where(mscore > -1e29, probs_t, 0.0)
    mv = jnp.where(valid, masked, -1.0)
    m2 = jnp.max(mv, axis=0, keepdims=True)
    cls = jnp.min(jnp.where(mv == m2, row, 2048), axis=0, keepdims=True)
    pred_ref[...] = jnp.broadcast_to(cls, (8, B_PAD))


def kernel(im_inds, obj_fmaps, obj_logits, rel_inds, vr, boxes_per_cls,
           W_obj_proj, b_obj_proj, W_rel_proj, b_rel_proj,
           W_s, W_o, W_v, W_ps, W_po, b_g, W_cls, b_cls):
    f32 = jnp.float32

    brel2d = jnp.broadcast_to(b_rel_proj[None, :], (8, HIDDEN))
    bg2d = jnp.broadcast_to(b_g[None, :], (8, HIDDEN))
    wrv_bf, bias_h = pl.pallas_call(
        _fold_body,
        out_shape=(
            jax.ShapeDtypeStruct((4096, HIDDEN), jnp.bfloat16),
            jax.ShapeDtypeStruct((8, HIDDEN), f32),
        ),
    )(W_rel_proj, W_v, brel2d, bg2d)

    probs, ts, to = pl.pallas_call(
        _obj_body,
        out_shape=(
            jax.ShapeDtypeStruct((N_OBJ, NUM_OBJ_CLS), f32),
            jax.ShapeDtypeStruct((N_OBJ, HIDDEN), f32),
            jax.ShapeDtypeStruct((N_OBJ, HIDDEN), f32),
        ),
    )(obj_fmaps, W_obj_proj, b_obj_proj[None, :], obj_logits,
      W_s, W_o, W_ps, W_po)

    pad = jnp.zeros((REL_PAD - N_REL,), jnp.int32)
    s_idx = jnp.concatenate([rel_inds[:, 1], pad])
    o_idx = jnp.concatenate([rel_inds[:, 2], pad])
    gs, go = _sc_gather(ts, to, s_idx, o_idx)

    rblk = 400
    rel_logits = pl.pallas_call(
        _rel_body,
        grid=(N_REL // rblk,),
        in_specs=[
            pl.BlockSpec((rblk, 4096), lambda i: (i, 0)),
            pl.BlockSpec((4096, HIDDEN), lambda i: (0, 0)),
            pl.BlockSpec((rblk, HIDDEN), lambda i: (i, 0)),
            pl.BlockSpec((rblk, HIDDEN), lambda i: (i, 0)),
            pl.BlockSpec((8, HIDDEN), lambda i: (0, 0)),
            pl.BlockSpec((HIDDEN, NUM_REL_CLS), lambda i: (0, 0)),
            pl.BlockSpec((1, NUM_REL_CLS), lambda i: (0, 0)),
        ],
        out_specs=pl.BlockSpec((rblk, NUM_REL_CLS), lambda i: (i, 0)),
        out_shape=jax.ShapeDtypeStruct((N_REL, NUM_REL_CLS), f32),
    )(vr, wrv_bf, gs, go, bias_h, W_cls, b_cls[None, :])

    probs_t = jnp.pad(probs.T, ((0, C_PAD - NUM_OBJ_CLS), (0, B_PAD - N_OBJ)))
    boxes_t = jnp.pad(jnp.transpose(boxes_per_cls, (2, 1, 0)),
                      ((0, 0), (0, C_PAD - NUM_OBJ_CLS), (0, B_PAD - N_OBJ)))
    pred8 = pl.pallas_call(
        _nms_body,
        out_shape=jax.ShapeDtypeStruct((8, B_PAD), jnp.int32),
    )(boxes_t, probs_t)
    obj_preds = pred8[0, :N_OBJ]

    return obj_logits, obj_preds, rel_logits

# --- scband reference (transcript-rebuilt; emitter-appended) ---
"""Pipeline reference for scband-ggnnrel-reason-1529008357654 (READ-ONLY COPY).

The authoritative reference and input builder live on the scoring server;
editing this copy changes nothing except your own understanding.
"""

import jax, jax.numpy as jnp
import numpy as np

N_OBJ = 1000
N_REL = 10000
OBJ_DIM = 4096
REL_DIM = 4096
HIDDEN = 512
NUM_OBJ_CLS = 151
NUM_REL_CLS = 51
IOU_THRESHOLD = 0.3


def setup_inputs(seed: int = 0):
    key = jax.random.key(seed)
    ks = jax.random.split(key, 24)
    im_inds = jnp.zeros((N_OBJ,), dtype=jnp.int32)  # single image
    obj_fmaps = jax.random.normal(ks[0], (N_OBJ, OBJ_DIM), dtype=jnp.float32)
    obj_logits = jax.random.normal(ks[1], (N_OBJ, NUM_OBJ_CLS), dtype=jnp.float32)
    pair = jax.random.randint(ks[2], (N_REL, 2), 0, N_OBJ, dtype=jnp.int32)
    rel_inds = jnp.concatenate([jnp.zeros((N_REL, 1), dtype=jnp.int32), pair], axis=1)
    vr = jax.random.normal(ks[3], (N_REL, REL_DIM), dtype=jnp.float32)
    x1 = jax.random.uniform(ks[4], (N_OBJ, NUM_OBJ_CLS)) * 500.0
    y1 = jax.random.uniform(ks[5], (N_OBJ, NUM_OBJ_CLS)) * 500.0
    w = jax.random.uniform(ks[6], (N_OBJ, NUM_OBJ_CLS)) * 100.0 + 1.0
    h = jax.random.uniform(ks[7], (N_OBJ, NUM_OBJ_CLS)) * 100.0 + 1.0
    boxes_per_cls = jnp.stack([x1, y1, x1 + w, y1 + h], axis=-1).astype(jnp.float32)
    sc = lambda k, shape, s: (jax.random.normal(k, shape, dtype=jnp.float32) * s)
    W_obj_proj = sc(ks[8], (OBJ_DIM, HIDDEN), 1.0 / np.sqrt(OBJ_DIM))
    b_obj_proj = jnp.zeros((HIDDEN,), dtype=jnp.float32)
    W_rel_proj = sc(ks[9], (REL_DIM, HIDDEN), 1.0 / np.sqrt(REL_DIM))
    b_rel_proj = jnp.zeros((HIDDEN,), dtype=jnp.float32)
    W_s = sc(ks[10], (HIDDEN, HIDDEN), 1.0 / np.sqrt(HIDDEN))
    W_o = sc(ks[11], (HIDDEN, HIDDEN), 1.0 / np.sqrt(HIDDEN))
    W_v = sc(ks[12], (HIDDEN, HIDDEN), 1.0 / np.sqrt(HIDDEN))
    W_ps = sc(ks[13], (NUM_OBJ_CLS, HIDDEN), 1.0 / np.sqrt(NUM_OBJ_CLS))
    W_po = sc(ks[14], (NUM_OBJ_CLS, HIDDEN), 1.0 / np.sqrt(NUM_OBJ_CLS))
    b_g = jnp.zeros((HIDDEN,), dtype=jnp.float32)
    W_cls = sc(ks[15], (HIDDEN, NUM_REL_CLS), 1.0 / np.sqrt(HIDDEN))
    b_cls = jnp.zeros((NUM_REL_CLS,), dtype=jnp.float32)
    return {
        'im_inds': im_inds, 'obj_fmaps': obj_fmaps, 'obj_logits': obj_logits,
        'rel_inds': rel_inds, 'vr': vr, 'boxes_per_cls': boxes_per_cls,
        'W_obj_proj': W_obj_proj, 'b_obj_proj': b_obj_proj,
        'W_rel_proj': W_rel_proj, 'b_rel_proj': b_rel_proj,
        'W_s': W_s, 'W_o': W_o, 'W_v': W_v, 'W_ps': W_ps, 'W_po': W_po,
        'b_g': b_g, 'W_cls': W_cls, 'b_cls': b_cls,
    }


def _pairwise_iou(b):
    x1, y1, x2, y2 = b[:, 0], b[:, 1], b[:, 2], b[:, 3]
    areas = (x2 - x1) * (y2 - y1)
    ix1 = jnp.maximum(x1[:, None], x1[None, :])
    iy1 = jnp.maximum(y1[:, None], y1[None, :])
    ix2 = jnp.minimum(x2[:, None], x2[None, :])
    iy2 = jnp.minimum(y2[:, None], y2[None, :])
    iw = jnp.clip(ix2 - ix1, 0.0)
    ih = jnp.clip(iy2 - iy1, 0.0)
    inter = iw * ih
    union = areas[:, None] + areas[None, :] - inter
    return inter / jnp.maximum(union, 1e-10)


def _nms_mask_one_class(boxes, scores):
    # Greedy NMS (matches torchvision.ops.nms semantics), returns a 0/1 keep
    # mask in ORIGINAL box ordering (equivalent to nms_mask[:, c][keep] = 1).
    n = scores.shape[0]
    order = jnp.argsort(-scores)
    iou = _pairwise_iou(boxes[order])
    idx = jnp.arange(n)

    def body(i, suppressed):
        keep_i = jnp.logical_not(suppressed[i])
        new_sup = (iou[i] > IOU_THRESHOLD) & (idx > i) & keep_i
        return suppressed | new_sup

    suppressed = jax.lax.fori_loop(0, n, body, jnp.zeros((n,), dtype=bool))
    keep_sorted = jnp.logical_not(suppressed)
    mask = jnp.zeros((n,), dtype=jnp.float32).at[order].set(keep_sorted.astype(jnp.float32))
    return mask


def reference(im_inds, obj_fmaps, obj_logits, rel_inds, vr, boxes_per_cls,
              W_obj_proj, b_obj_proj, W_rel_proj, b_rel_proj,
              W_s, W_o, W_v, W_ps, W_po, b_g, W_cls, b_cls):
    # mode == 'sgdet', eval mode, single image (im_inds all zero).
    obj_probs = jax.nn.softmax(obj_logits, axis=1)
    obj_f = obj_fmaps @ W_obj_proj + b_obj_proj            # obj_proj
    vr_p = vr @ W_rel_proj + b_rel_proj                    # rel_proj
    s = rel_inds[:, 1]
    o = rel_inds[:, 2]
    # GGNN relation reasoning (stand-in: fused subject/object/visual message + classifier)
    h = jax.nn.relu(obj_f[s] @ W_s + obj_f[o] @ W_o + vr_p @ W_v
                    + obj_probs[s] @ W_ps + obj_probs[o] @ W_po + b_g)
    rel_logits = h @ W_cls + b_cls
    # refine_obj_cls=False -> obj_logits unchanged
    # Per-class NMS over classes 1..150 (class 0 = background skipped)
    boxes_c = jnp.transpose(boxes_per_cls, (1, 0, 2))[1:]  # [150, N, 4]
    scores_c = obj_probs.T[1:]                             # [150, N]
    masks = jax.lax.map(lambda bs: _nms_mask_one_class(bs[0], bs[1]), (boxes_c, scores_c))
    n = obj_probs.shape[0]
    nms_mask = jnp.concatenate([jnp.zeros((n, 1), dtype=jnp.float32), masks.T], axis=1)
    masked = nms_mask * obj_probs
    obj_preds = jnp.argmax(masked[:, 1:], axis=1) + 1
    return obj_logits, obj_preds, rel_logits

if __name__ == "__main__":
    import jax
    _d = setup_inputs()
    print(jax.jit(kernel)(*tuple(_d.values())))

</pallas_src>

<mosaic_0001>
#map = affine_map<(d0, d1) -> (0, 0)>
#map1 = affine_map<(d0, d1) -> (0)>
module attributes {stable_mosaic.version = 14 : i64} {
  func.func @body(%arg0: i32, %arg1: i32, %arg2: memref<1000x512xf32, #tpu.memory_space<hbm>>, %arg3: memref<1000x512xf32, #tpu.memory_space<hbm>>, %arg4: memref<10240xi32, #tpu.memory_space<hbm>>, %arg5: memref<10240xi32, #tpu.memory_space<hbm>>, %arg6: memref<10240x512xf32, #tpu.memory_space<hbm>>, %arg7: memref<10240x512xf32, #tpu.memory_space<hbm>>, %arg8: memref<320xi32, #tpu.memory_space<vmem>>, %arg9: memref<320xi32, #tpu.memory_space<vmem>>, %arg10: memref<40x512xf32, #tpu.memory_space<vmem>>, %arg11: memref<40x512xf32, #tpu.memory_space<vmem>>, %arg12: memref<40x512xf32, #tpu.memory_space<vmem>>, %arg13: memref<40x512xf32, #tpu.memory_space<vmem>>, %arg14: memref<!tpu.dma_semaphore, #tpu.memory_space<semaphore_mem>>, %arg15: memref<!tpu.dma_semaphore, #tpu.memory_space<semaphore_mem>>, %arg16: memref<!tpu.dma_semaphore, #tpu.memory_space<semaphore_mem>>, %arg17: memref<!tpu.dma_semaphore, #tpu.memory_space<semaphore_mem>>, %arg18: memref<!tpu.dma_semaphore, #tpu.memory_space<semaphore_mem>>, %arg19: memref<!tpu.dma_semaphore, #tpu.memory_space<semaphore_mem>>, %arg20: memref<!tpu.dma_semaphore, #tpu.memory_space<semaphore_mem>>, %arg21: memref<!tpu.dma_semaphore, #tpu.memory_space<semaphore_mem>>) attributes {dimension_semantics = [#tpu.dimension_semantics<core_parallel>, #tpu.dimension_semantics<subcore_parallel>], iteration_bounds = array<i64: 2, 16>, scalar_prefetch = 0 : i64, scratch_operands = 14 : i64, tpu.core_type = #tpu.core_type<sc_vector_subcore>, window_params = [{transform_indices = #map}, {transform_indices = #map}, {transform_indices = #map1}, {transform_indices = #map1}, {transform_indices = #map}, {transform_indices = #map}]} {
    %mul3A = arith.constant 2 : i32
    %mul3A_0 = arith.muli %arg1, %mul3A : i32
    %add3A = arith.addi %mul3A_0, %arg0 : i32
    %mul3A_1 = arith.constant 320 : i32
    %mul3A_2 = arith.muli %add3A, %mul3A_1 : i32
    "tpu.region"() ({
      %run_scoped3A = tpu.sem_alloc : memref<!tpu.dma_semaphore, #tpu.memory_space<semaphore_mem>>
      %dma_start3A_305 = tpu.memref_slice %arg4[%mul3A_2] : memref<10240xi32, #tpu.memory_space<hbm>> -> memref<320xi32, #tpu.memory_space<hbm>>
      %dma_start3A_306 = tpu.memref_slice %arg4[%mul3A_2] : memref<10240xi32, #tpu.memory_space<hbm>> -> memref<320xi32, #tpu.memory_space<hbm>>
      tpu.enqueue_dma source(%dma_start3A_306 : memref<320xi32, #tpu.memory_space<hbm>>) target(%arg8 : memref<320xi32, #tpu.memory_space<vmem>>) target_semaphore(%run_scoped3A : memref<!tpu.dma_semaphore, #tpu.memory_space<semaphore_mem>>)
      %dma_wait3A_307 = tpu.memref_slice %arg4[%mul3A_2] : memref<10240xi32, #tpu.memory_space<hbm>> -> memref<320xi32, #tpu.memory_space<hbm>>
      %dma_wait3A_308 = tpu.memref_slice %arg4[%mul3A_2] : memref<10240xi32, #tpu.memory_space<hbm>> -> memref<320xi32, #tpu.memory_space<hbm>>
      tpu.wait_dma2 semaphore(%run_scoped3A : memref<!tpu.dma_semaphore, #tpu.memory_space<semaphore_mem>>) src(%dma_wait3A_308 : memref<320xi32, #tpu.memory_space<hbm>>) dst(%arg8 : memref<320xi32, #tpu.memory_space<vmem>>)
      tpu.yield
    }) : () -> ()
    "tpu.region"() ({
      %run_scoped3A = tpu.sem_alloc : memref<!tpu.dma_semaphore, #tpu.memory_space<semaphore_mem>>
      %dma_start3A_305 = tpu.memref_slice %arg5[%mul3A_2] : memref<10240xi32, #tpu.memory_space<hbm>> -> memref<320xi32, #tpu.memory_space<hbm>>
      %dma_start3A_306 = tpu.memref_slice %arg5[%mul3A_2] : memref<10240xi32, #tpu.memory_space<hbm>> -> memref<320xi32, #tpu.memory_space<hbm>>
      tpu.enqueue_dma source(%dma_start3A_306 : memref<320xi32, #tpu.memory_space<hbm>>) target(%arg9 : memref<320xi32, #tpu.memory_space<vmem>>) target_semaphore(%run_scoped3A : memref<!tpu.dma_semaphore, #tpu.memory_space<semaphore_mem>>)
      %dma_wait3A_307 = tpu.memref_slice %arg5[%mul3A_2] : memref<10240xi32, #tpu.memory_space<hbm>> -> memref<320xi32, #tpu.memory_space<hbm>>
      %dma_wait3A_308 = tpu.memref_slice %arg5[%mul3A_2] : memref<10240xi32, #tpu.memory_space<hbm>> -> memref<320xi32, #tpu.memory_space<hbm>>
      tpu.wait_dma2 semaphore(%run_scoped3A : memref<!tpu.dma_semaphore, #tpu.memory_space<semaphore_mem>>) src(%dma_wait3A_308 : memref<320xi32, #tpu.memory_space<hbm>>) dst(%arg9 : memref<320xi32, #tpu.memory_space<vmem>>)
      tpu.yield
    }) : () -> ()
    %dma_start3A = arith.constant 0 : i32
    %dma_start3A_3 = tpu.memref_slice %arg8[%dma_start3A] : memref<320xi32, #tpu.memory_space<vmem>> -> memref<40xi32, #tpu.memory_space<vmem>>
    %dma_start3A_4 = arith.constant 0 : i32
    %dma_start3A_5 = arith.constant 0 : i32
    %dma_start3A_6 = tpu.memref_slice %arg2[%dma_start3A_4, %dma_start3A_5] : memref<1000x512xf32, #tpu.memory_space<hbm>> -> memref<1000x512xf32, #tpu.memory_space<hbm>>
    tpu.enqueue_indirect_dma source(%dma_start3A_6 : memref<1000x512xf32, #tpu.memory_space<hbm>>) target(%arg10 : memref<40x512xf32, #tpu.memory_space<vmem>>) offsets(%dma_start3A_3 : memref<40xi32, #tpu.memory_space<vmem>>) semaphore(%arg14 : memref<!tpu.dma_semaphore, #tpu.memory_space<semaphore_mem>>)
    %dma_start3A_7 = arith.constant 0 : i32
    %dma_start3A_8 = tpu.memref_slice %arg9[%dma_start3A_7] : memref<320xi32, #tpu.memory_space<vmem>> -> memref<40xi32, #tpu.memory_space<vmem>>
    %dma_start3A_9 = arith.constant 0 : i32
    %dma_start3A_10 = arith.constant 0 : i32
    %dma_start3A_11 = tpu.memref_slice %arg3[%dma_start3A_9, %dma_start3A_10] : memref<1000x512xf32, #tpu.memory_space<hbm>> -> memref<1000x512xf32, #tpu.memory_space<hbm>>
    tpu.enqueue_indirect_dma source(%dma_start3A_11 : memref<1000x512xf32, #tpu.memory_space<hbm>>) target(%arg12 : memref<40x512xf32, #tpu.memory_space<vmem>>) offsets(%dma_start3A_8 : memref<40xi32, #tpu.memory_space<vmem>>) semaphore(%arg16 : memref<!tpu.dma_semaphore, #tpu.memory_space<semaphore_mem>>)
    %dma_start3A_12 = arith.constant 40 : i32
    %dma_start3A_13 = tpu.memref_slice %arg8[%dma_start3A_12] : memref<320xi32, #tpu.memory_space<vmem>> -> memref<40xi32, #tpu.memory_space<vmem>>
    %dma_start3A_14 = arith.constant 0 : i32
    %dma_start3A_15 = arith.constant 0 : i32
    %dma_start3A_16 = tpu.memref_slice %arg2[%dma_start3A_14, %dma_start3A_15] : memref<1000x512xf32, #tpu.memory_space<hbm>> -> memref<1000x512xf32, #tpu.memory_space<hbm>>
    tpu.enqueue_indirect_dma source(%dma_start3A_16 : memref<1000x512xf32, #tpu.memory_space<hbm>>) target(%arg11 : memref<40x512xf32, #tpu.memory_space<vmem>>) offsets(%dma_start3A_13 : memref<40xi32, #tpu.memory_space<vmem>>) semaphore(%arg15 : memref<!tpu.dma_semaphore, #tpu.memory_space<semaphore_mem>>)
    %dma_start3A_17 = arith.constant 40 : i32
    %dma_start3A_18 = tpu.memref_slice %arg9[%dma_start3A_17] : memref<320xi32, #tpu.memory_space<vmem>> -> memref<40xi32, #tpu.memory_space<vmem>>
    %dma_start3A_19 = arith.constant 0 : i32
    %dma_start3A_20 = arith.constant 0 : i32
    %dma_start3A_21 = tpu.memref_slice %arg3[%dma_start3A_19, %dma_start3A_20] : memref<1000x512xf32, #tpu.memory_space<hbm>> -> memref<1000x512xf32, #tpu.memory_space<hbm>>
    tpu.enqueue_indirect_dma source(%dma_start3A_21 : memref<1000x512xf32, #tpu.memory_space<hbm>>) target(%arg13 : memref<40x512xf32, #tpu.memory_space<vmem>>) offsets(%dma_start3A_18 : memref<40xi32, #tpu.memory_space<vmem>>) semaphore(%arg17 : memref<!tpu.dma_semaphore, #tpu.memory_space<semaphore_mem>>)
    %dma_wait3A = arith.constant 0 : i32
    %dma_wait3A_22 = tpu.memref_slice %arg8[%dma_wait3A] : memref<320xi32, #tpu.memory_space<vmem>> -> memref<40xi32, #tpu.memory_space<vmem>>
    %dma_wait3A_23 = arith.constant 0 : i32
    %dma_wait3A_24 = arith.constant 0 : i32
    %dma_wait3A_25 = tpu.memref_slice %arg2[%dma_wait3A_23, %dma_wait3A_24] : memref<1000x512xf32, #tpu.memory_space<hbm>> -> memref<1000x512xf32, #tpu.memory_space<hbm>>
    tpu.wait_indirect_dma semaphore(%arg14 : memref<!tpu.dma_semaphore, #tpu.memory_space<semaphore_mem>>) src(%dma_wait3A_25 : memref<1000x512xf32, #tpu.memory_space<hbm>>) dst(%arg10 : memref<40x512xf32, #tpu.memory_space<vmem>>)
    %dma_wait3A_26 = arith.constant 0 : i32
    %dma_wait3A_27 = tpu.memref_slice %arg9[%dma_wait3A_26] : memref<320xi32, #tpu.memory_space<vmem>> -> memref<40xi32, #tpu.memory_space<vmem>>
    %dma_wait3A_28 = arith.constant 0 : i32
    %dma_wait3A_29 = arith.constant 0 : i32
    %dma_wait3A_30 = tpu.memref_slice %arg3[%dma_wait3A_28, %dma_wait3A_29] : memref<1000x512xf32, #tpu.memory_space<hbm>> -> memref<1000x512xf32, #tpu.memory_space<hbm>>
    tpu.wait_indirect_dma semaphore(%arg16 : memref<!tpu.dma_semaphore, #tpu.memory_space<semaphore_mem>>) src(%dma_wait3A_30 : memref<1000x512xf32, #tpu.memory_space<hbm>>) dst(%arg12 : memref<40x512xf32, #tpu.memory_space<vmem>>)
    %add3A_31 = arith.constant 0 : i32
    %add3A_32 = arith.addi %mul3A_2, %add3A_31 : i32
    %dma_start3A_33 = arith.constant 0 : i32
    %dma_start3A_34 = tpu.memref_slice %arg6[%add3A_32, %dma_start3A_33] : memref<10240x512xf32, #tpu.memory_space<hbm>> -> memref<40x512xf32, #tpu.memory_space<hbm>>
    %dma_start3A_35 = arith.constant 0 : i32
    %dma_start3A_36 = tpu.memref_slice %arg6[%add3A_32, %dma_start3A_35] : memref<10240x512xf32, #tpu.memory_space<hbm>> -> memref<40x512xf32, #tpu.memory_space<hbm>>
    tpu.enqueue_dma source(%arg10 : memref<40x512xf32, #tpu.memory_space<vmem>>) target(%dma_start3A_36 : memref<40x512xf32, #tpu.memory_space<hbm>>) target_semaphore(%arg18 : memref<!tpu.dma_semaphore, #tpu.memory_space<semaphore_mem>>)
    %dma_start3A_37 = arith.constant 0 : i32
    %dma_start3A_38 = tpu.memref_slice %arg7[%add3A_32, %dma_start3A_37] : memref<10240x512xf32, #tpu.memory_space<hbm>> -> memref<40x512xf32, #tpu.memory_space<hbm>>
    %dma_start3A_39 = arith.constant 0 : i32
    %dma_start3A_40 = tpu.memref_slice %arg7[%add3A_32, %dma_start3A_39] : memref<10240x512xf32, #tpu.memory_space<hbm>> -> memref<40x512xf32, #tpu.memory_space<hbm>>
    tpu.enqueue_dma source(%arg12 : memref<40x512xf32, #tpu.memory_space<vmem>>) target(%dma_start3A_40 : memref<40x512xf32, #tpu.memory_space<hbm>>) target_semaphore(%arg20 : memref<!tpu.dma_semaphore, #tpu.memory_space<semaphore_mem>>)
    %dma_wait3A_41 = arith.constant 0 : i32
    %dma_wait3A_42 = tpu.memref_slice %arg6[%add3A_32, %dma_wait3A_41] : memref<10240x512xf32, #tpu.memory_space<hbm>> -> memref<40x512xf32, #tpu.memory_space<hbm>>
    %dma_wait3A_43 = arith.constant 0 : i32
    %dma_wait3A_44 = tpu.memref_slice %arg6[%add3A_32, %dma_wait3A_43] : memref<10240x512xf32, #tpu.memory_space<hbm>> -> memref<40x512xf32, #tpu.memory_space<hbm>>
    tpu.wait_dma2 semaphore(%arg18 : memref<!tpu.dma_semaphore, #tpu.memory_space<semaphore_mem>>) src(%arg10 : memref<40x512xf32, #tpu.memory_space<vmem>>) dst(%dma_wait3A_44 : memref<40x512xf32, #tpu.memory_space<hbm>>)
    %dma_wait3A_45 = arith.constant 0 : i32
    %dma_wait3A_46 = tpu.memref_slice %arg7[%add3A_32, %dma_wait3A_45] : memref<10240x512xf32, #tpu.memory_space<hbm>> -> memref<40x512xf32, #tpu.memory_space<hbm>>
    %dma_wait3A_47 = arith.constant 0 : i32
    %dma_wait3A_48 = tpu.memref_slice %arg7[%add3A_32, %dma_wait3A_47] : memref<10240x512xf32, #tpu.memory_space<hbm>> -> memref<40x512xf32, #tpu.memory_space<hbm>>
    tpu.wait_dma2 semaphore(%arg20 : memref<!tpu.dma_semaphore, #tpu.memory_space<semaphore_mem>>) src(%arg12 : memref<40x512xf32, #tpu.memory_space<vmem>>) dst(%dma_wait3A_48 : memref<40x512xf32, #tpu.memory_space<hbm>>)
    %dma_start3A_49 = arith.constant 80 : i32
    %dma_start3A_50 = tpu.memref_slice %arg8[%dma_start3A_49] : memref<320xi32, #tpu.memory_space<vmem>> -> memref<40xi32, #tpu.memory_space<vmem>>
    %dma_start3A_51 = arith.constant 0 : i32
    %dma_start3A_52 = arith.constant 0 : i32
    %dma_start3A_53 = tpu.memref_slice %arg2[%dma_start3A_51, %dma_start3A_52] : memref<1000x512xf32, #tpu.memory_space<hbm>> -> memref<1000x512xf32, #tpu.memory_space<hbm>>
    tpu.enqueue_indirect_dma source(%dma_start3A_53 : memref<1000x512xf32, #tpu.memory_space<hbm>>) target(%arg10 : memref<40x512xf32, #tpu.memory_space<vmem>>) offsets(%dma_start3A_50 : memref<40xi32, #tpu.memory_space<vmem>>) semaphore(%arg14 : memref<!tpu.dma_semaphore, #tpu.memory_space<semaphore_mem>>)
    %dma_start3A_54 = arith.constant 80 : i32
    %dma_start3A_55 = tpu.memref_slice %arg9[%dma_start3A_54] : memref<320xi32, #tpu.memory_space<vmem>> -> memref<40xi32, #tpu.memory_space<vmem>>
    %dma_start3A_56 = arith.constant 0 : i32
    %dma_start3A_57 = arith.constant 0 : i32
    %dma_start3A_58 = tpu.memref_slice %arg3[%dma_start3A_56, %dma_start3A_57] : memref<1000x512xf32, #tpu.memory_space<hbm>> -> memref<1000x512xf32, #tpu.memory_space<hbm>>
    tpu.enqueue_indirect_dma source(%dma_start3A_58 : memref<1000x512xf32, #tpu.memory_space<hbm>>) target(%arg12 : memref<40x512xf32, #tpu.memory_space<vmem>>) offsets(%dma_start3A_55 : memref<40xi32, #tpu.memory_space<vmem>>) semaphore(%arg16 : memref<!tpu.dma_semaphore, #tpu.memory_space<semaphore_mem>>)
    %dma_wait3A_59 = arith.constant 40 : i32
    %dma_wait3A_60 = tpu.memref_slice %arg8[%dma_wait3A_59] : memref<320xi32, #tpu.memory_space<vmem>> -> memref<40xi32, #tpu.memory_space<vmem>>
    %dma_wait3A_61 = arith.constant 0 : i32
    %dma_wait3A_62 = arith.constant 0 : i32
    %dma_wait3A_63 = tpu.memref_slice %arg2[%dma_wait3A_61, %dma_wait3A_62] : memref<1000x512xf32, #tpu.memory_space<hbm>> -> memref<1000x512xf32, #tpu.memory_space<hbm>>
    tpu.wait_indirect_dma semaphore(%arg15 : memref<!tpu.dma_semaphore, #tpu.memory_space<semaphore_mem>>) src(%dma_wait3A_63 : memref<1000x512xf32, #tpu.memory_space<hbm>>) dst(%arg11 : memref<40x512xf32, #tpu.memory_space<vmem>>)
    %dma_wait3A_64 = arith.constant 40 : i32
    %dma_wait3A_65 = tpu.memref_slice %arg9[%dma_wait3A_64] : memref<320xi32, #tpu.memory_space<vmem>> -> memref<40xi32, #tpu.memory_space<vmem>>
    %dma_wait3A_66 = arith.constant 0 : i32
    %dma_wait3A_67 = arith.constant 0 : i32
    %dma_wait3A_68 = tpu.memref_slice %arg3[%dma_wait3A_66, %dma_wait3A_67] : memref<1000x512xf32, #tpu.memory_space<hbm>> -> memref<1000x512xf32, #tpu.memory_space<hbm>>
    tpu.wait_indirect_dma semaphore(%arg17 : memref<!tpu.dma_semaphore, #tpu.memory_space<semaphore_mem>>) src(%dma_wait3A_68 : memref<1000x512xf32, #tpu.memory_space<hbm>>) dst(%arg13 : memref<40x512xf32, #tpu.memory_space<vmem>>)
    %add3A_69 = arith.constant 40 : i32
    %add3A_70 = arith.addi %mul3A_2, %add3A_69 : i32
    %dma_start3A_71 = arith.constant 0 : i32
    %dma_start3A_72 = tpu.memref_slice %arg6[%add3A_70, %dma_start3A_71] : memref<10240x512xf32, #tpu.memory_space<hbm>> -> memref<40x512xf32, #tpu.memory_space<hbm>>
    %dma_start3A_73 = arith.constant 0 : i32
    %dma_start3A_74 = tpu.memref_slice %arg6[%add3A_70, %dma_start3A_73] : memref<10240x512xf32, #tpu.memory_space<hbm>> -> memref<40x512xf32, #tpu.memory_space<hbm>>
    tpu.enqueue_dma source(%arg11 : memref<40x512xf32, #tpu.memory_space<vmem>>) target(%dma_start3A_74 : memref<40x512xf32, #tpu.memory_space<hbm>>) target_semaphore(%arg19 : memref<!tpu.dma_semaphore, #tpu.memory_space<semaphore_mem>>)
    %dma_start3A_75 = arith.constant 0 : i32
    %dma_start3A_76 = tpu.memref_slice %arg7[%add3A_70, %dma_start3A_75] : memref<10240x512xf32, #tpu.memory_space<hbm>> -> memref<40x512xf32, #tpu.memory_space<hbm>>
    %dma_start3A_77 = arith.constant 0 : i32
    %dma_start3A_78 = tpu.memref_slice %arg7[%add3A_70, %dma_start3A_77] : memref<10240x512xf32, #tpu.memory_space<hbm>> -> memref<40x512xf32, #tpu.memory_space<hbm>>
    tpu.enqueue_dma source(%arg13 : memref<40x512xf32, #tpu.memory_space<vmem>>) target(%dma_start3A_78 : memref<40x512xf32, #tpu.memory_space<hbm>>) target_semaphore(%arg21 : memref<!tpu.dma_semaphore, #tpu.memory_space<semaphore_mem>>)
    %dma_wait3A_79 = arith.constant 0 : i32
    %dma_wait3A_80 = tpu.memref_slice %arg6[%add3A_70, %dma_wait3A_79] : memref<10240x512xf32, #tpu.memory_space<hbm>> -> memref<40x512xf32, #tpu.memory_space<hbm>>
    %dma_wait3A_81 = arith.constant 0 : i32
    %dma_wait3A_82 = tpu.memref_slice %arg6[%add3A_70, %dma_wait3A_81] : memref<10240x512xf32, #tpu.memory_space<hbm>> -> memref<40x512xf32, #tpu.memory_space<hbm>>
    tpu.wait_dma2 semaphore(%arg19 : memref<!tpu.dma_semaphore, #tpu.memory_space<semaphore_mem>>) src(%arg11 : memref<40x512xf32, #tpu.memory_space<vmem>>) dst(%dma_wait3A_82 : memref<40x512xf32, #tpu.memory_space<hbm>>)
    %dma_wait3A_83 = arith.constant 0 : i32
    %dma_wait3A_84 = tpu.memref_slice %arg7[%add3A_70, %dma_wait3A_83] : memref<10240x512xf32, #tpu.memory_space<hbm>> -> memref<40x512xf32, #tpu.memory_space<hbm>>
    %dma_wait3A_85 = arith.constant 0 : i32
    %dma_wait3A_86 = tpu.memref_slice %arg7[%add3A_70, %dma_wait3A_85] : memref<10240x512xf32, #tpu.memory_space<hbm>> -> memref<40x512xf32, #tpu.memory_space<hbm>>
    tpu.wait_dma2 semaphore(%arg21 : memref<!tpu.dma_semaphore, #tpu.memory_space<semaphore_mem>>) src(%arg13 : memref<40x512xf32, #tpu.memory_space<vmem>>) dst(%dma_wait3A_86 : memref<40x512xf32, #tpu.memory_space<hbm>>)
    %dma_start3A_87 = arith.constant 120 : i32
    %dma_start3A_88 = tpu.memref_slice %arg8[%dma_start3A_87] : memref<320xi32, #tpu.memory_space<vmem>> -> memref<40xi32, #tpu.memory_space<vmem>>
    %dma_start3A_89 = arith.constant 0 : i32
    %dma_start3A_90 = arith.constant 0 : i32
    %dma_start3A_91 = tpu.memref_slice %arg2[%dma_start3A_89, %dma_start3A_90] : memref<1000x512xf32, #tpu.memory_space<hbm>> -> memref<1000x512xf32, #tpu.memory_space<hbm>>
    tpu.enqueue_indirect_dma source(%dma_start3A_91 : memref<1000x512xf32, #tpu.memory_space<hbm>>) target(%arg11 : memref<40x512xf32, #tpu.memory_space<vmem>>) offsets(%dma_start3A_88 : memref<40xi32, #tpu.memory_space<vmem>>) semaphore(%arg15 : memref<!tpu.dma_semaphore, #tpu.memory_space<semaphore_mem>>)
    %dma_start3A_92 = arith.constant 120 : i32
    %dma_start3A_93 = tpu.memref_slice %arg9[%dma_start3A_92] : memref<320xi32, #tpu.memory_space<vmem>> -> memref<40xi32, #tpu.memory_space<vmem>>
    %dma_start3A_94 = arith.constant 0 : i32
    %dma_start3A_95 = arith.constant 0 : i32
    %dma_start3A_96 = tpu.memref_slice %arg3[%dma_start3A_94, %dma_start3A_95] : memref<1000x512xf32, #tpu.memory_space<hbm>> -> memref<1000x512xf32, #tpu.memory_space<hbm>>
    tpu.enqueue_indirect_dma source(%dma_start3A_96 : memref<1000x512xf32, #tpu.memory_space<hbm>>) target(%arg13 : memref<40x512xf32, #tpu.memory_space<vmem>>) offsets(%dma_start3A_93 : memref<40xi32, #tpu.memory_space<vmem>>) semaphore(%arg17 : memref<!tpu.dma_semaphore, #tpu.memory_space<semaphore_mem>>)
    %dma_wait3A_97 = arith.constant 80 : i32
    %dma_wait3A_98 = tpu.memref_slice %arg8[%dma_wait3A_97] : memref<320xi32, #tpu.memory_space<vmem>> -> memref<40xi32, #tpu.memory_space<vmem>>
    %dma_wait3A_99 = arith.constant 0 : i32
    %dma_wait3A_100 = arith.constant 0 : i32
    %dma_wait3A_101 = tpu.memref_slice %arg2[%dma_wait3A_99, %dma_wait3A_100] : memref<1000x512xf32, #tpu.memory_space<hbm>> -> memref<1000x512xf32, #tpu.memory_space<hbm>>
    tpu.wait_indirect_dma semaphore(%arg14 : memref<!tpu.dma_semaphore, #tpu.memory_space<semaphore_mem>>) src(%dma_wait3A_101 : memref<1000x512xf32, #tpu.memory_space<hbm>>) dst(%arg10 : memref<40x512xf32, #tpu.memory_space<vmem>>)
    %dma_wait3A_102 = arith.constant 80 : i32
    %dma_wait3A_103 = tpu.memref_slice %arg9[%dma_wait3A_102] : memref<320xi32, #tpu.memory_space<vmem>> -> memref<40xi32, #tpu.memory_space<vmem>>
    %dma_wait3A_104 = arith.constant 0 : i32
    %dma_wait3A_105 = arith.constant 0 : i32
    %dma_wait3A_106 = tpu.memref_slice %arg3[%dma_wait3A_104, %dma_wait3A_105] : memref<1000x512xf32, #tpu.memory_space<hbm>> -> memref<1000x512xf32, #tpu.memory_space<hbm>>
    tpu.wait_indirect_dma semaphore(%arg16 : memref<!tpu.dma_semaphore, #tpu.memory_space<semaphore_mem>>) src(%dma_wait3A_106 : memref<1000x512xf32, #tpu.memory_space<hbm>>) dst(%arg12 : memref<40x512xf32, #tpu.memory_space<vmem>>)
    %add3A_107 = arith.constant 80 : i32
    %add3A_108 = arith.addi %mul3A_2, %add3A_107 : i32
    %dma_start3A_109 = arith.constant 0 : i32
    %dma_start3A_110 = tpu.memref_slice %arg6[%add3A_108, %dma_start3A_109] : memref<10240x512xf32, #tpu.memory_space<hbm>> -> memref<40x512xf32, #tpu.memory_space<hbm>>
    %dma_start3A_111 = arith.constant 0 : i32
    %dma_start3A_112 = tpu.memref_slice %arg6[%add3A_108, %dma_start3A_111] : memref<10240x512xf32, #tpu.memory_space<hbm>> -> memref<40x512xf32, #tpu.memory_space<hbm>>
    tpu.enqueue_dma source(%arg10 : memref<40x512xf32, #tpu.memory_space<vmem>>) target(%dma_start3A_112 : memref<40x512xf32, #tpu.memory_space<hbm>>) target_semaphore(%arg18 : memref<!tpu.dma_semaphore, #tpu.memory_space<semaphore_mem>>)
    %dma_start3A_113 = arith.constant 0 : i32
    %dma_start3A_114 = tpu.memref_slice %arg7[%add3A_108, %dma_start3A_113] : memref<10240x512xf32, #tpu.memory_space<hbm>> -> memref<40x512xf32, #tpu.memory_space<hbm>>
    %dma_start3A_115 = arith.constant 0 : i32
    %dma_start3A_116 = tpu.memref_slice %arg7[%add3A_108, %dma_start3A_115] : memref<10240x512xf32, #tpu.memory_space<hbm>> -> memref<40x512xf32, #tpu.memory_space<hbm>>
    tpu.enqueue_dma source(%arg12 : memref<40x512xf32, #tpu.memory_space<vmem>>) target(%dma_start3A_116 : memref<40x512xf32, #tpu.memory_space<hbm>>) target_semaphore(%arg20 : memref<!tpu.dma_semaphore, #tpu.memory_space<semaphore_mem>>)
    %dma_wait3A_117 = arith.constant 0 : i32
    %dma_wait3A_118 = tpu.memref_slice %arg6[%add3A_108, %dma_wait3A_117] : memref<10240x512xf32, #tpu.memory_space<hbm>> -> memref<40x512xf32, #tpu.memory_space<hbm>>
    %dma_wait3A_119 = arith.constant 0 : i32
    %dma_wait3A_120 = tpu.memref_slice %arg6[%add3A_108, %dma_wait3A_119] : memref<10240x512xf32, #tpu.memory_space<hbm>> -> memref<40x512xf32, #tpu.memory_space<hbm>>
    tpu.wait_dma2 semaphore(%arg18 : memref<!tpu.dma_semaphore, #tpu.memory_space<semaphore_mem>>) src(%arg10 : memref<40x512xf32, #tpu.memory_space<vmem>>) dst(%dma_wait3A_120 : memref<40x512xf32, #tpu.memory_space<hbm>>)
    %dma_wait3A_121 = arith.constant 0 : i32
    %dma_wait3A_122 = tpu.memref_slice %arg7[%add3A_108, %dma_wait3A_121] : memref<10240x512xf32, #tpu.memory_space<hbm>> -> memref<40x512xf32, #tpu.memory_space<hbm>>
    %dma_wait3A_123 = arith.constant 0 : i32
    %dma_wait3A_124 = tpu.memref_slice %arg7[%add3A_108, %dma_wait3A_123] : memref<10240x512xf32, #tpu.memory_space<hbm>> -> memref<40x512xf32, #tpu.memory_space<hbm>>
    tpu.wait_dma2 semaphore(%arg20 : memref<!tpu.dma_semaphore, #tpu.memory_space<semaphore_mem>>) src(%arg12 : memref<40x512xf32, #tpu.memory_space<vmem>>) dst(%dma_wait3A_124 : memref<40x512xf32, #tpu.memory_space<hbm>>)
    %dma_start3A_125 = arith.constant 160 : i32
    %dma_start3A_126 = tpu.memref_slice %arg8[%dma_start3A_125] : memref<320xi32, #tpu.memory_space<vmem>> -> memref<40xi32, #tpu.memory_space<vmem>>
    %dma_start3A_127 = arith.constant 0 : i32
    %dma_start3A_128 = arith.constant 0 : i32
    %dma_start3A_129 = tpu.memref_slice %arg2[%dma_start3A_127, %dma_start3A_128] : memref<1000x512xf32, #tpu.memory_space<hbm>> -> memref<1000x512xf32, #tpu.memory_space<hbm>>
    tpu.enqueue_indirect_dma source(%dma_start3A_129 : memref<1000x512xf32, #tpu.memory_space<hbm>>) target(%arg10 : memref<40x512xf32, #tpu.memory_space<vmem>>) offsets(%dma_start3A_126 : memref<40xi32, #tpu.memory_space<vmem>>) semaphore(%arg14 : memref<!tpu.dma_semaphore, #tpu.memory_space<semaphore_mem>>)
    %dma_start3A_130 = arith.constant 160 : i32
    %dma_start3A_131 = tpu.memref_slice %arg9[%dma_start3A_130] : memref<320xi32, #tpu.memory_space<vmem>> -> memref<40xi32, #tpu.memory_space<vmem>>
    %dma_start3A_132 = arith.constant 0 : i32
    %dma_start3A_133 = arith.constant 0 : i32
    %dma_start3A_134 = tpu.memref_slice %arg3[%dma_start3A_132, %dma_start3A_133] : memref<1000x512xf32, #tpu.memory_space<hbm>> -> memref<1000x512xf32, #tpu.memory_space<hbm>>
    tpu.enqueue_indirect_dma source(%dma_start3A_134 : memref<1000x512xf32, #tpu.memory_space<hbm>>) target(%arg12 : memref<40x512xf32, #tpu.memory_space<vmem>>) offsets(%dma_start3A_131 : memref<40xi32, #tpu.memory_space<vmem>>) semaphore(%arg16 : memref<!tpu.dma_semaphore, #tpu.memory_space<semaphore_mem>>)
    %dma_wait3A_135 = arith.constant 120 : i32
    %dma_wait3A_136 = tpu.memref_slice %arg8[%dma_wait3A_135] : memref<320xi32, #tpu.memory_space<vmem>> -> memref<40xi32, #tpu.memory_space<vmem>>
    %dma_wait3A_137 = arith.constant 0 : i32
    %dma_wait3A_138 = arith.constant 0 : i32
    %dma_wait3A_139 = tpu.memref_slice %arg2[%dma_wait3A_137, %dma_wait3A_138] : memref<1000x512xf32, #tpu.memory_space<hbm>> -> memref<1000x512xf32, #tpu.memory_space<hbm>>
    tpu.wait_indirect_dma semaphore(%arg15 : memref<!tpu.dma_semaphore, #tpu.memory_space<semaphore_mem>>) src(%dma_wait3A_139 : memref<1000x512xf32, #tpu.memory_space<hbm>>) dst(%arg11 : memref<40x512xf32, #tpu.memory_space<vmem>>)
    %dma_wait3A_140 = arith.constant 120 : i32
    %dma_wait3A_141 = tpu.memref_slice %arg9[%dma_wait3A_140] : memref<320xi32, #tpu.memory_space<vmem>> -> memref<40xi32, #tpu.memory_space<vmem>>
    %dma_wait3A_142 = arith.constant 0 : i32
    %dma_wait3A_143 = arith.constant 0 : i32
    %dma_wait3A_144 = tpu.memref_slice %arg3[%dma_wait3A_142, %dma_wait3A_143] : memref<1000x512xf32, #tpu.memory_space<hbm>> -> memref<1000x512xf32, #tpu.memory_space<hbm>>
    tpu.wait_indirect_dma semaphore(%arg17 : memref<!tpu.dma_semaphore, #tpu.memory_space<semaphore_mem>>) src(%dma_wait3A_144 : memref<1000x512xf32, #tpu.memory_space<hbm>>) dst(%arg13 : memref<40x512xf32, #tpu.memory_space<vmem>>)
    %add3A_145 = arith.constant 120 : i32
    %add3A_146 = arith.addi %mul3A_2, %add3A_145 : i32
    %dma_start3A_147 = arith.constant 0 : i32
    %dma_start3A_148 = tpu.memref_slice %arg6[%add3A_146, %dma_start3A_147] : memref<10240x512xf32, #tpu.memory_space<hbm>> -> memref<40x512xf32, #tpu.memory_space<hbm>>
    %dma_start3A_149 = arith.constant 0 : i32
    %dma_start3A_150 = tpu.memref_slice %arg6[%add3A_146, %dma_start3A_149] : memref<10240x512xf32, #tpu.memory_space<hbm>> -> memref<40x512xf32, #tpu.memory_space<hbm>>
    tpu.enqueue_dma source(%arg11 : memref<40x512xf32, #tpu.memory_space<vmem>>) target(%dma_start3A_150 : memref<40x512xf32, #tpu.memory_space<hbm>>) target_semaphore(%arg19 : memref<!tpu.dma_semaphore, #tpu.memory_space<semaphore_mem>>)
    %dma_start3A_151 = arith.constant 0 : i32
    %dma_start3A_152 = tpu.memref_slice %arg7[%add3A_146, %dma_start3A_151] : memref<10240x512xf32, #tpu.memory_space<hbm>> -> memref<40x512xf32, #tpu.memory_space<hbm>>
    %dma_start3A_153 = arith.constant 0 : i32
    %dma_start3A_154 = tpu.memref_slice %arg7[%add3A_146, %dma_start3A_153] : memref<10240x512xf32, #tpu.memory_space<hbm>> -> memref<40x512xf32, #tpu.memory_space<hbm>>
    tpu.enqueue_dma source(%arg13 : memref<40x512xf32, #tpu.memory_space<vmem>>) target(%dma_start3A_154 : memref<40x512xf32, #tpu.memory_space<hbm>>) target_semaphore(%arg21 : memref<!tpu.dma_semaphore, #tpu.memory_space<semaphore_mem>>)
    %dma_wait3A_155 = arith.constant 0 : i32
    %dma_wait3A_156 = tpu.memref_slice %arg6[%add3A_146, %dma_wait3A_155] : memref<10240x512xf32, #tpu.memory_space<hbm>> -> memref<40x512xf32, #tpu.memory_space<hbm>>
    %dma_wait3A_157 = arith.constant 0 : i32
    %dma_wait3A_158 = tpu.memref_slice %arg6[%add3A_146, %dma_wait3A_157] : memref<10240x512xf32, #tpu.memory_space<hbm>> -> memref<40x512xf32, #tpu.memory_space<hbm>>
    tpu.wait_dma2 semaphore(%arg19 : memref<!tpu.dma_semaphore, #tpu.memory_space<semaphore_mem>>) src(%arg11 : memref<40x512xf32, #tpu.memory_space<vmem>>) dst(%dma_wait3A_158 : memref<40x512xf32, #tpu.memory_space<hbm>>)
    %dma_wait3A_159 = arith.constant 0 : i32
    %dma_wait3A_160 = tpu.memref_slice %arg7[%add3A_146, %dma_wait3A_159] : memref<10240x512xf32, #tpu.memory_space<hbm>> -> memref<40x512xf32, #tpu.memory_space<hbm>>
    %dma_wait3A_161 = arith.constant 0 : i32
    %dma_wait3A_162 = tpu.memref_slice %arg7[%add3A_146, %dma_wait3A_161] : memref<10240x512xf32, #tpu.memory_space<hbm>> -> memref<40x512xf32, #tpu.memory_space<hbm>>
    tpu.wait_dma2 semaphore(%arg21 : memref<!tpu.dma_semaphore, #tpu.memory_space<semaphore_mem>>) src(%arg13 : memref<40x512xf32, #tpu.memory_space<vmem>>) dst(%dma_wait3A_162 : memref<40x512xf32, #tpu.memory_space<hbm>>)
    %dma_start3A_163 = arith.constant 200 : i32
    %dma_start3A_164 = tpu.memref_slice %arg8[%dma_start3A_163] : memref<320xi32, #tpu.memory_space<vmem>> -> memref<40xi32, #tpu.memory_space<vmem>>
    %dma_start3A_165 = arith.constant 0 : i32
    %dma_start3A_166 = arith.constant 0 : i32
    %dma_start3A_167 = tpu.memref_slice %arg2[%dma_start3A_165, %dma_start3A_166] : memref<1000x512xf32, #tpu.memory_space<hbm>> -> memref<1000x512xf32, #tpu.memory_space<hbm>>
    tpu.enqueue_indirect_dma source(%dma_start3A_167 : memref<1000x512xf32, #tpu.memory_space<hbm>>) target(%arg11 : memref<40x512xf32, #tpu.memory_space<vmem>>) offsets(%dma_start3A_164 : memref<40xi32, #tpu.memory_space<vmem>>) semaphore(%arg15 : memref<!tpu.dma_semaphore, #tpu.memory_space<semaphore_mem>>)
    %dma_start3A_168 = arith.constant 200 : i32
    %dma_start3A_169 = tpu.memref_slice %arg9[%dma_start3A_168] : memref<320xi32, #tpu.memory_space<vmem>> -> memref<40xi32, #tpu.memory_space<vmem>>
    %dma_start3A_170 = arith.constant 0 : i32
    %dma_start3A_171 = arith.constant 0 : i32
    %dma_start3A_172 = tpu.memref_slice %arg3[%dma_start3A_170, %dma_start3A_171] : memref<1000x512xf32, #tpu.memory_space<hbm>> -> memref<1000x512xf32, #tpu.memory_space<hbm>>
    tpu.enqueue_indirect_dma source(%dma_start3A_172 : memref<1000x512xf32, #tpu.memory_space<hbm>>) target(%arg13 : memref<40x512xf32, #tpu.memory_space<vmem>>) offsets(%dma_start3A_169 : memref<40xi32, #tpu.memory_space<vmem>>) semaphore(%arg17 : memref<!tpu.dma_semaphore, #tpu.memory_space<semaphore_mem>>)
    %dma_wait3A_173 = arith.constant 160 : i32
    %dma_wait3A_174 = tpu.memref_slice %arg8[%dma_wait3A_173] : memref<320xi32, #tpu.memory_space<vmem>> -> memref<40xi32, #tpu.memory_space<vmem>>
    %dma_wait3A_175 = arith.constant 0 : i32
    %dma_wait3A_176 = arith.constant 0 : i32
    %dma_wait3A_177 = tpu.memref_slice %arg2[%dma_wait3A_175, %dma_wait3A_176] : memref<1000x512xf32, #tpu.memory_space<hbm>> -> memref<1000x512xf32, #tpu.memory_space<hbm>>
    tpu.wait_indirect_dma semaphore(%arg14 : memref<!tpu.dma_semaphore, #tpu.memory_space<semaphore_mem>>) src(%dma_wait3A_177 : memref<1000x512xf32, #tpu.memory_space<hbm>>) dst(%arg10 : memref<40x512xf32, #tpu.memory_space<vmem>>)
    %dma_wait3A_178 = arith.constant 160 : i32
    %dma_wait3A_179 = tpu.memref_slice %arg9[%dma_wait3A_178] : memref<320xi32, #tpu.memory_space<vmem>> -> memref<40xi32, #tpu.memory_space<vmem>>
    %dma_wait3A_180 = arith.constant 0 : i32
    %dma_wait3A_181 = arith.constant 0 : i32
    %dma_wait3A_182 = tpu.memref_slice %arg3[%dma_wait3A_180, %dma_wait3A_181] : memref<1000x512xf32, #tpu.memory_space<hbm>> -> memref<1000x512xf32, #tpu.memory_space<hbm>>
    tpu.wait_indirect_dma semaphore(%arg16 : memref<!tpu.dma_semaphore, #tpu.memory_space<semaphore_mem>>) src(%dma_wait3A_182 : memref<1000x512xf32, #tpu.memory_space<hbm>>) dst(%arg12 : memref<40x512xf32, #tpu.memory_space<vmem>>)
    %add3A_183 = arith.constant 160 : i32
    %add3A_184 = arith.addi %mul3A_2, %add3A_183 : i32
    %dma_start3A_185 = arith.constant 0 : i32
    %dma_start3A_186 = tpu.memref_slice %arg6[%add3A_184, %dma_start3A_185] : memref<10240x512xf32, #tpu.memory_space<hbm>> -> memref<40x512xf32, #tpu.memory_space<hbm>>
    %dma_start3A_187 = arith.constant 0 : i32
    %dma_start3A_188 = tpu.memref_slice %arg6[%add3A_184, %dma_start3A_187] : memref<10240x512xf32, #tpu.memory_space<hbm>> -> memref<40x512xf32, #tpu.memory_space<hbm>>
    tpu.enqueue_dma source(%arg10 : memref<40x512xf32, #tpu.memory_space<vmem>>) target(%dma_start3A_188 : memref<40x512xf32, #tpu.memory_space<hbm>>) target_semaphore(%arg18 : memref<!tpu.dma_semaphore, #tpu.memory_space<semaphore_mem>>)
    %dma_start3A_189 = arith.constant 0 : i32
    %dma_start3A_190 = tpu.memref_slice %arg7[%add3A_184, %dma_start3A_189] : memref<10240x512xf32, #tpu.memory_space<hbm>> -> memref<40x512xf32, #tpu.memory_space<hbm>>
    %dma_start3A_191 = arith.constant 0 : i32
    %dma_start3A_192 = tpu.memref_slice %arg7[%add3A_184, %dma_start3A_191] : memref<10240x512xf32, #tpu.memory_space<hbm>> -> memref<40x512xf32, #tpu.memory_space<hbm>>
    tpu.enqueue_dma source(%arg12 : memref<40x512xf32, #tpu.memory_space<vmem>>) target(%dma_start3A_192 : memref<40x512xf32, #tpu.memory_space<hbm>>) target_semaphore(%arg20 : memref<!tpu.dma_semaphore, #tpu.memory_space<semaphore_mem>>)
    %dma_wait3A_193 = arith.constant 0 : i32
    %dma_wait3A_194 = tpu.memref_slice %arg6[%add3A_184, %dma_wait3A_193] : memref<10240x512xf32, #tpu.memory_space<hbm>> -> memref<40x512xf32, #tpu.memory_space<hbm>>
    %dma_wait3A_195 = arith.constant 0 : i32
    %dma_wait3A_196 = tpu.memref_slice %arg6[%add3A_184, %dma_wait3A_195] : memref<10240x512xf32, #tpu.memory_space<hbm>> -> memref<40x512xf32, #tpu.memory_space<hbm>>
    tpu.wait_dma2 semaphore(%arg18 : memref<!tpu.dma_semaphore, #tpu.memory_space<semaphore_mem>>) src(%arg10 : memref<40x512xf32, #tpu.memory_space<vmem>>) dst(%dma_wait3A_196 : memref<40x512xf32, #tpu.memory_space<hbm>>)
    %dma_wait3A_197 = arith.constant 0 : i32
    %dma_wait3A_198 = tpu.memref_slice %arg7[%add3A_184, %dma_wait3A_197] : memref<10240x512xf32, #tpu.memory_space<hbm>> -> memref<40x512xf32, #tpu.memory_space<hbm>>
    %dma_wait3A_199 = arith.constant 0 : i32
    %dma_wait3A_200 = tpu.memref_slice %arg7[%add3A_184, %dma_wait3A_199] : memref<10240x512xf32, #tpu.memory_space<hbm>> -> memref<40x512xf32, #tpu.memory_space<hbm>>
    tpu.wait_dma2 semaphore(%arg20 : memref<!tpu.dma_semaphore, #tpu.memory_space<semaphore_mem>>) src(%arg12 : memref<40x512xf32, #tpu.memory_space<vmem>>) dst(%dma_wait3A_200 : memref<40x512xf32, #tpu.memory_space<hbm>>)
    %dma_start3A_201 = arith.constant 240 : i32
    %dma_start3A_202 = tpu.memref_slice %arg8[%dma_start3A_201] : memref<320xi32, #tpu.memory_space<vmem>> -> memref<40xi32, #tpu.memory_space<vmem>>
    %dma_start3A_203 = arith.constant 0 : i32
    %dma_start3A_204 = arith.constant 0 : i32
    %dma_start3A_205 = tpu.memref_slice %arg2[%dma_start3A_203, %dma_start3A_204] : memref<1000x512xf32, #tpu.memory_space<hbm>> -> memref<1000x512xf32, #tpu.memory_space<hbm>>
    tpu.enqueue_indirect_dma source(%dma_start3A_205 : memref<1000x512xf32, #tpu.memory_space<hbm>>) target(%arg10 : memref<40x512xf32, #tpu.memory_space<vmem>>) offsets(%dma_start3A_202 : memref<40xi32, #tpu.memory_space<vmem>>) semaphore(%arg14 : memref<!tpu.dma_semaphore, #tpu.memory_space<semaphore_mem>>)
    %dma_start3A_206 = arith.constant 240 : i32
    %dma_start3A_207 = tpu.memref_slice %arg9[%dma_start3A_206] : memref<320xi32, #tpu.memory_space<vmem>> -> memref<40xi32, #tpu.memory_space<vmem>>
    %dma_start3A_208 = arith.constant 0 : i32
    %dma_start3A_209 = arith.constant 0 : i32
    %dma_start3A_210 = tpu.memref_slice %arg3[%dma_start3A_208, %dma_start3A_209] : memref<1000x512xf32, #tpu.memory_space<hbm>> -> memref<1000x512xf32, #tpu.memory_space<hbm>>
    tpu.enqueue_indirect_dma source(%dma_start3A_210 : memref<1000x512xf32, #tpu.memory_space<hbm>>) target(%arg12 : memref<40x512xf32, #tpu.memory_space<vmem>>) offsets(%dma_start3A_207 : memref<40xi32, #tpu.memory_space<vmem>>) semaphore(%arg16 : memref<!tpu.dma_semaphore, #tpu.memory_space<semaphore_mem>>)
    %dma_wait3A_211 = arith.constant 200 : i32
    %dma_wait3A_212 = tpu.memref_slice %arg8[%dma_wait3A_211] : memref<320xi32, #tpu.memory_space<vmem>> -> memref<40xi32, #tpu.memory_space<vmem>>
    %dma_wait3A_213 = arith.constant 0 : i32
    %dma_wait3A_214 = arith.constant 0 : i32
    %dma_wait3A_215 = tpu.memref_slice %arg2[%dma_wait3A_213, %dma_wait3A_214] : memref<1000x512xf32, #tpu.memory_space<hbm>> -> memref<1000x512xf32, #tpu.memory_space<hbm>>
    tpu.wait_indirect_dma semaphore(%arg15 : memref<!tpu.dma_semaphore, #tpu.memory_space<semaphore_mem>>) src(%dma_wait3A_215 : memref<1000x512xf32, #tpu.memory_space<hbm>>) dst(%arg11 : memref<40x512xf32, #tpu.memory_space<vmem>>)
    %dma_wait3A_216 = arith.constant 200 : i32
    %dma_wait3A_217 = tpu.memref_slice %arg9[%dma_wait3A_216] : memref<320xi32, #tpu.memory_space<vmem>> -> memref<40xi32, #tpu.memory_space<vmem>>
    %dma_wait3A_218 = arith.constant 0 : i32
    %dma_wait3A_219 = arith.constant 0 : i32
    %dma_wait3A_220 = tpu.memref_slice %arg3[%dma_wait3A_218, %dma_wait3A_219] : memref<1000x512xf32, #tpu.memory_space<hbm>> -> memref<1000x512xf32, #tpu.memory_space<hbm>>
    tpu.wait_indirect_dma semaphore(%arg17 : memref<!tpu.dma_semaphore, #tpu.memory_space<semaphore_mem>>) src(%dma_wait3A_220 : memref<1000x512xf32, #tpu.memory_space<hbm>>) dst(%arg13 : memref<40x512xf32, #tpu.memory_space<vmem>>)
    %add3A_221 = arith.constant 200 : i32
    %add3A_222 = arith.addi %mul3A_2, %add3A_221 : i32
    %dma_start3A_223 = arith.constant 0 : i32
    %dma_start3A_224 = tpu.memref_slice %arg6[%add3A_222, %dma_start3A_223] : memref<10240x512xf32, #tpu.memory_space<hbm>> -> memref<40x512xf32, #tpu.memory_space<hbm>>
    %dma_start3A_225 = arith.constant 0 : i32
    %dma_start3A_226 = tpu.memref_slice %arg6[%add3A_222, %dma_start3A_225] : memref<10240x512xf32, #tpu.memory_space<hbm>> -> memref<40x512xf32, #tpu.memory_space<hbm>>
    tpu.enqueue_dma source(%arg11 : memref<40x512xf32, #tpu.memory_space<vmem>>) target(%dma_start3A_226 : memref<40x512xf32, #tpu.memory_space<hbm>>) target_semaphore(%arg19 : memref<!tpu.dma_semaphore, #tpu.memory_space<semaphore_mem>>)
    %dma_start3A_227 = arith.constant 0 : i32
    %dma_start3A_228 = tpu.memref_slice %arg7[%add3A_222, %dma_start3A_227] : memref<10240x512xf32, #tpu.memory_space<hbm>> -> memref<40x512xf32, #tpu.memory_space<hbm>>
    %dma_start3A_229 = arith.constant 0 : i32
    %dma_start3A_230 = tpu.memref_slice %arg7[%add3A_222, %dma_start3A_229] : memref<10240x512xf32, #tpu.memory_space<hbm>> -> memref<40x512xf32, #tpu.memory_space<hbm>>
    tpu.enqueue_dma source(%arg13 : memref<40x512xf32, #tpu.memory_space<vmem>>) target(%dma_start3A_230 : memref<40x512xf32, #tpu.memory_space<hbm>>) target_semaphore(%arg21 : memref<!tpu.dma_semaphore, #tpu.memory_space<semaphore_mem>>)
    %dma_wait3A_231 = arith.constant 0 : i32
    %dma_wait3A_232 = tpu.memref_slice %arg6[%add3A_222, %dma_wait3A_231] : memref<10240x512xf32, #tpu.memory_space<hbm>> -> memref<40x512xf32, #tpu.memory_space<hbm>>
    %dma_wait3A_233 = arith.constant 0 : i32
    %dma_wait3A_234 = tpu.memref_slice %arg6[%add3A_222, %dma_wait3A_233] : memref<10240x512xf32, #tpu.memory_space<hbm>> -> memref<40x512xf32, #tpu.memory_space<hbm>>
    tpu.wait_dma2 semaphore(%arg19 : memref<!tpu.dma_semaphore, #tpu.memory_space<semaphore_mem>>) src(%arg11 : memref<40x512xf32, #tpu.memory_space<vmem>>) dst(%dma_wait3A_234 : memref<40x512xf32, #tpu.memory_space<hbm>>)
    %dma_wait3A_235 = arith.constant 0 : i32
    %dma_wait3A_236 = tpu.memref_slice %arg7[%add3A_222, %dma_wait3A_235] : memref<10240x512xf32, #tpu.memory_space<hbm>> -> memref<40x512xf32, #tpu.memory_space<hbm>>
    %dma_wait3A_237 = arith.constant 0 : i32
    %dma_wait3A_238 = tpu.memref_slice %arg7[%add3A_222, %dma_wait3A_237] : memref<10240x512xf32, #tpu.memory_space<hbm>> -> memref<40x512xf32, #tpu.memory_space<hbm>>
    tpu.wait_dma2 semaphore(%arg21 : memref<!tpu.dma_semaphore, #tpu.memory_space<semaphore_mem>>) src(%arg13 : memref<40x512xf32, #tpu.memory_space<vmem>>) dst(%dma_wait3A_238 : memref<40x512xf32, #tpu.memory_space<hbm>>)
    %dma_start3A_239 = arith.constant 280 : i32
    %dma_start3A_240 = tpu.memref_slice %arg8[%dma_start3A_239] : memref<320xi32, #tpu.memory_space<vmem>> -> memref<40xi32, #tpu.memory_space<vmem>>
    %dma_start3A_241 = arith.constant 0 : i32
    %dma_start3A_242 = arith.constant 0 : i32
    %dma_start3A_243 = tpu.memref_slice %arg2[%dma_start3A_241, %dma_start3A_242] : memref<1000x512xf32, #tpu.memory_space<hbm>> -> memref<1000x512xf32, #tpu.memory_space<hbm>>
    tpu.enqueue_indirect_dma source(%dma_start3A_243 : memref<1000x512xf32, #tpu.memory_space<hbm>>) target(%arg11 : memref<40x512xf32, #tpu.memory_space<vmem>>) offsets(%dma_start3A_240 : memref<40xi32, #tpu.memory_space<vmem>>) semaphore(%arg15 : memref<!tpu.dma_semaphore, #tpu.memory_space<semaphore_mem>>)
    %dma_start3A_244 = arith.constant 280 : i32
    %dma_start3A_245 = tpu.memref_slice %arg9[%dma_start3A_244] : memref<320xi32, #tpu.memory_space<vmem>> -> memref<40xi32, #tpu.memory_space<vmem>>
    %dma_start3A_246 = arith.constant 0 : i32
    %dma_start3A_247 = arith.constant 0 : i32
    %dma_start3A_248 = tpu.memref_slice %arg3[%dma_start3A_246, %dma_start3A_247] : memref<1000x512xf32, #tpu.memory_space<hbm>> -> memref<1000x512xf32, #tpu.memory_space<hbm>>
    tpu.enqueue_indirect_dma source(%dma_start3A_248 : memref<1000x512xf32, #tpu.memory_space<hbm>>) target(%arg13 : memref<40x512xf32, #tpu.memory_space<vmem>>) offsets(%dma_start3A_245 : memref<40xi32, #tpu.memory_space<vmem>>) semaphore(%arg17 : memref<!tpu.dma_semaphore, #tpu.memory_space<semaphore_mem>>)
    %dma_wait3A_249 = arith.constant 240 : i32
    %dma_wait3A_250 = tpu.memref_slice %arg8[%dma_wait3A_249] : memref<320xi32, #tpu.memory_space<vmem>> -> memref<40xi32, #tpu.memory_space<vmem>>
    %dma_wait3A_251 = arith.constant 0 : i32
    %dma_wait3A_252 = arith.constant 0 : i32
    %dma_wait3A_253 = tpu.memref_slice %arg2[%dma_wait3A_251, %dma_wait3A_252] : memref<1000x512xf32, #tpu.memory_space<hbm>> -> memref<1000x512xf32, #tpu.memory_space<hbm>>
    tpu.wait_indirect_dma semaphore(%arg14 : memref<!tpu.dma_semaphore, #tpu.memory_space<semaphore_mem>>) src(%dma_wait3A_253 : memref<1000x512xf32, #tpu.memory_space<hbm>>) dst(%arg10 : memref<40x512xf32, #tpu.memory_space<vmem>>)
    %dma_wait3A_254 = arith.constant 240 : i32
    %dma_wait3A_255 = tpu.memref_slice %arg9[%dma_wait3A_254] : memref<320xi32, #tpu.memory_space<vmem>> -> memref<40xi32, #tpu.memory_space<vmem>>
    %dma_wait3A_256 = arith.constant 0 : i32
    %dma_wait3A_257 = arith.constant 0 : i32
    %dma_wait3A_258 = tpu.memref_slice %arg3[%dma_wait3A_256, %dma_wait3A_257] : memref<1000x512xf32, #tpu.memory_space<hbm>> -> memref<1000x512xf32, #tpu.memory_space<hbm>>
    tpu.wait_indirect_dma semaphore(%arg16 : memref<!tpu.dma_semaphore, #tpu.memory_space<semaphore_mem>>) src(%dma_wait3A_258 : memref<1000x512xf32, #tpu.memory_space<hbm>>) dst(%arg12 : memref<40x512xf32, #tpu.memory_space<vmem>>)
    %add3A_259 = arith.constant 240 : i32
    %add3A_260 = arith.addi %mul3A_2, %add3A_259 : i32
    %dma_start3A_261 = arith.constant 0 : i32
    %dma_start3A_262 = tpu.memref_slice %arg6[%add3A_260, %dma_start3A_261] : memref<10240x512xf32, #tpu.memory_space<hbm>> -> memref<40x512xf32, #tpu.memory_space<hbm>>
    %dma_start3A_263 = arith.constant 0 : i32
    %dma_start3A_264 = tpu.memref_slice %arg6[%add3A_260, %dma_start3A_263] : memref<10240x512xf32, #tpu.memory_space<hbm>> -> memref<40x512xf32, #tpu.memory_space<hbm>>
    tpu.enqueue_dma source(%arg10 : memref<40x512xf32, #tpu.memory_space<vmem>>) target(%dma_start3A_264 : memref<40x512xf32, #tpu.memory_space<hbm>>) target_semaphore(%arg18 : memref<!tpu.dma_semaphore, #tpu.memory_space<semaphore_mem>>)
    %dma_start3A_265 = arith.constant 0 : i32
    %dma_start3A_266 = tpu.memref_slice %arg7[%add3A_260, %dma_start3A_265] : memref<10240x512xf32, #tpu.memory_space<hbm>> -> memref<40x512xf32, #tpu.memory_space<hbm>>
    %dma_start3A_267 = arith.constant 0 : i32
    %dma_start3A_268 = tpu.memref_slice %arg7[%add3A_260, %dma_start3A_267] : memref<10240x512xf32, #tpu.memory_space<hbm>> -> memref<40x512xf32, #tpu.memory_space<hbm>>
    tpu.enqueue_dma source(%arg12 : memref<40x512xf32, #tpu.memory_space<vmem>>) target(%dma_start3A_268 : memref<40x512xf32, #tpu.memory_space<hbm>>) target_semaphore(%arg20 : memref<!tpu.dma_semaphore, #tpu.memory_space<semaphore_mem>>)
    %dma_wait3A_269 = arith.constant 280 : i32
    %dma_wait3A_270 = tpu.memref_slice %arg8[%dma_wait3A_269] : memref<320xi32, #tpu.memory_space<vmem>> -> memref<40xi32, #tpu.memory_space<vmem>>
    %dma_wait3A_271 = arith.constant 0 : i32
    %dma_wait3A_272 = arith.constant 0 : i32
    %dma_wait3A_273 = tpu.memref_slice %arg2[%dma_wait3A_271, %dma_wait3A_272] : memref<1000x512xf32, #tpu.memory_space<hbm>> -> memref<1000x512xf32, #tpu.memory_space<hbm>>
    tpu.wait_indirect_dma semaphore(%arg15 : memref<!tpu.dma_semaphore, #tpu.memory_space<semaphore_mem>>) src(%dma_wait3A_273 : memref<1000x512xf32, #tpu.memory_space<hbm>>) dst(%arg11 : memref<40x512xf32, #tpu.memory_space<vmem>>)
    %dma_wait3A_274 = arith.constant 280 : i32
    %dma_wait3A_275 = tpu.memref_slice %arg9[%dma_wait3A_274] : memref<320xi32, #tpu.memory_space<vmem>> -> memref<40xi32, #tpu.memory_space<vmem>>
    %dma_wait3A_276 = arith.constant 0 : i32
    %dma_wait3A_277 = arith.constant 0 : i32
    %dma_wait3A_278 = tpu.memref_slice %arg3[%dma_wait3A_276, %dma_wait3A_277] : memref<1000x512xf32, #tpu.memory_space<hbm>> -> memref<1000x512xf32, #tpu.memory_space<hbm>>
    tpu.wait_indirect_dma semaphore(%arg17 : memref<!tpu.dma_semaphore, #tpu.memory_space<semaphore_mem>>) src(%dma_wait3A_278 : memref<1000x512xf32, #tpu.memory_space<hbm>>) dst(%arg13 : memref<40x512xf32, #tpu.memory_space<vmem>>)
    %add3A_279 = arith.constant 280 : i32
    %add3A_280 = arith.addi %mul3A_2, %add3A_279 : i32
    %dma_start3A_281 = arith.constant 0 : i32
    %dma_start3A_282 = tpu.memref_slice %arg6[%add3A_280, %dma_start3A_281] : memref<10240x512xf32, #tpu.memory_space<hbm>> -> memref<40x512xf32, #tpu.memory_space<hbm>>
    %dma_start3A_283 = arith.constant 0 : i32
    %dma_start3A_284 = tpu.memref_slice %arg6[%add3A_280, %dma_start3A_283] : memref<10240x512xf32, #tpu.memory_space<hbm>> -> memref<40x512xf32, #tpu.memory_space<hbm>>
    tpu.enqueue_dma source(%arg11 : memref<40x512xf32, #tpu.memory_space<vmem>>) target(%dma_start3A_284 : memref<40x512xf32, #tpu.memory_space<hbm>>) target_semaphore(%arg19 : memref<!tpu.dma_semaphore, #tpu.memory_space<semaphore_mem>>)
    %dma_start3A_285 = arith.constant 0 : i32
    %dma_start3A_286 = tpu.memref_slice %arg7[%add3A_280, %dma_start3A_285] : memref<10240x512xf32, #tpu.memory_space<hbm>> -> memref<40x512xf32, #tpu.memory_space<hbm>>
    %dma_start3A_287 = arith.constant 0 : i32
    %dma_start3A_288 = tpu.memref_slice %arg7[%add3A_280, %dma_start3A_287] : memref<10240x512xf32, #tpu.memory_space<hbm>> -> memref<40x512xf32, #tpu.memory_space<hbm>>
    tpu.enqueue_dma source(%arg13 : memref<40x512xf32, #tpu.memory_space<vmem>>) target(%dma_start3A_288 : memref<40x512xf32, #tpu.memory_space<hbm>>) target_semaphore(%arg21 : memref<!tpu.dma_semaphore, #tpu.memory_space<semaphore_mem>>)
    %dma_wait3A_289 = arith.constant 0 : i32
    %dma_wait3A_290 = tpu.memref_slice %arg6[%add3A_260, %dma_wait3A_289] : memref<10240x512xf32, #tpu.memory_space<hbm>> -> memref<40x512xf32, #tpu.memory_space<hbm>>
    %dma_wait3A_291 = arith.constant 0 : i32
    %dma_wait3A_292 = tpu.memref_slice %arg6[%add3A_260, %dma_wait3A_291] : memref<10240x512xf32, #tpu.memory_space<hbm>> -> memref<40x512xf32, #tpu.memory_space<hbm>>
    tpu.wait_dma2 semaphore(%arg18 : memref<!tpu.dma_semaphore, #tpu.memory_space<semaphore_mem>>) src(%arg10 : memref<40x512xf32, #tpu.memory_space<vmem>>) dst(%dma_wait3A_292 : memref<40x512xf32, #tpu.memory_space<hbm>>)
    %dma_wait3A_293 = arith.constant 0 : i32
    %dma_wait3A_294 = tpu.memref_slice %arg7[%add3A_260, %dma_wait3A_293] : memref<10240x512xf32, #tpu.memory_space<hbm>> -> memref<40x512xf32, #tpu.memory_space<hbm>>
    %dma_wait3A_295 = arith.constant 0 : i32
    %dma_wait3A_296 = tpu.memref_slice %arg7[%add3A_260, %dma_wait3A_295] : memref<10240x512xf32, #tpu.memory_space<hbm>> -> memref<40x512xf32, #tpu.memory_space<hbm>>
    tpu.wait_dma2 semaphore(%arg20 : memref<!tpu.dma_semaphore, #tpu.memory_space<semaphore_mem>>) src(%arg12 : memref<40x512xf32, #tpu.memory_space<vmem>>) dst(%dma_wait3A_296 : memref<40x512xf32, #tpu.memory_space<hbm>>)
    %dma_wait3A_297 = arith.constant 0 : i32
    %dma_wait3A_298 = tpu.memref_slice %arg6[%add3A_280, %dma_wait3A_297] : memref<10240x512xf32, #tpu.memory_space<hbm>> -> memref<40x512xf32, #tpu.memory_space<hbm>>
    %dma_wait3A_299 = arith.constant 0 : i32
    %dma_wait3A_300 = tpu.memref_slice %arg6[%add3A_280, %dma_wait3A_299] : memref<10240x512xf32, #tpu.memory_space<hbm>> -> memref<40x512xf32, #tpu.memory_space<hbm>>
    tpu.wait_dma2 semaphore(%arg19 : memref<!tpu.dma_semaphore, #tpu.memory_space<semaphore_mem>>) src(%arg11 : memref<40x512xf32, #tpu.memory_space<vmem>>) dst(%dma_wait3A_300 : memref<40x512xf32, #tpu.memory_space<hbm>>)
    %dma_wait3A_301 = arith.constant 0 : i32
    %dma_wait3A_302 = tpu.memref_slice %arg7[%add3A_280, %dma_wait3A_301] : memref<10240x512xf32, #tpu.memory_space<hbm>> -> memref<40x512xf32, #tpu.memory_space<hbm>>
    %dma_wait3A_303 = arith.constant 0 : i32
    %dma_wait3A_304 = tpu.memref_slice %arg7[%add3A_280, %dma_wait3A_303] : memref<10240x512xf32, #tpu.memory_space<hbm>> -> memref<40x512xf32, #tpu.memory_space<hbm>>
    tpu.wait_dma2 semaphore(%arg21 : memref<!tpu.dma_semaphore, #tpu.memory_space<semaphore_mem>>) src(%arg13 : memref<40x512xf32, #tpu.memory_space<vmem>>) dst(%dma_wait3A_304 : memref<40x512xf32, #tpu.memory_space<hbm>>)
    return
  }
}

module attributes {stable_mosaic.version = 14 : i64} {
  func.func @_obj_body(%arg0: memref<1000x4096xf32, #tpu.memory_space<vmem>>, %arg1: memref<4096x512xf32, #tpu.memory_space<vmem>>, %arg2: memref<1x512xf32, #tpu.memory_space<vmem>>, %arg3: memref<1000x151xf32, #tpu.memory_space<vmem>>, %arg4: memref<512x512xf32, #tpu.memory_space<vmem>>, %arg5: memref<512x512xf32, #tpu.memory_space<vmem>>, %arg6: memref<151x512xf32, #tpu.memory_space<vmem>>, %arg7: memref<151x512xf32, #tpu.memory_space<vmem>>, %arg8: memref<1000x151xf32, #tpu.memory_space<vmem>>, %arg9: memref<1000x512xf32, #tpu.memory_space<vmem>>, %arg10: memref<1000x512xf32, #tpu.memory_space<vmem>>) attributes {dimension_semantics = [], scalar_prefetch = 0 : i64, scratch_operands = 0 : i64, tpu.core_type = #tpu.core_type<tc>} {
    %get3A = arith.constant 0 : index
    %get3A_0 = arith.constant 0 : index
    %get3A_1 = vector.load %arg3[%get3A, %get3A_0] : memref<1000x151xf32, #tpu.memory_space<vmem>>, vector<1000x151xf32>
    %reduce_max3A = arith.constant dense<0xFF800000> : vector<1000xf32>
    %reduce_max3A_2 = vector.multi_reduction <maximumf>, %get3A_1, %reduce_max3A [1] : vector<1000x151xf32> to vector<1000xf32>
    %broadcast_in_dim3A = vector.shape_cast %reduce_max3A_2 : vector<1000xf32> to vector<1000x1xf32>
    %sub3A = vector.broadcast %broadcast_in_dim3A : vector<1000x1xf32> to vector<1000x151xf32>
    %sub3A_3 = arith.subf %get3A_1, %sub3A : vector<1000x151xf32>
    %exp3A = math.exp %sub3A_3 : vector<1000x151xf32>
    %reduce_sum3A = arith.constant dense<0.000000e+00> : vector<1000xf32>
    %reduce_sum3A_4 = vector.multi_reduction <add>, %exp3A, %reduce_sum3A [1] : vector<1000x151xf32> to vector<1000xf32>
    %broadcast_in_dim3A_5 = vector.shape_cast %reduce_sum3A_4 : vector<1000xf32> to vector<1000x1xf32>
    %div3A = vector.broadcast %broadcast_in_dim3A_5 : vector<1000x1xf32> to vector<1000x151xf32>
    %div3A_6 = arith.divf %exp3A, %div3A : vector<1000x151xf32>
    %swap3A = arith.constant 0 : index
    %swap3A_7 = arith.constant 0 : index
    %swap3A_8 = vector.load %arg8[%swap3A, %swap3A_7] : memref<1000x151xf32, #tpu.memory_space<vmem>>, vector<1000x151xf32>
    tpu.vector_store %arg8[%swap3A, %swap3A_7], %div3A_6 {strides = array<i32>} : memref<1000x151xf32, #tpu.memory_space<vmem>>, vector<1000x151xf32>,
    %get3A_9 = arith.constant 0 : index
    %get3A_10 = arith.constant 0 : index
    %get3A_11 = vector.load %arg0[%get3A_9, %get3A_10] : memref<1000x4096xf32, #tpu.memory_space<vmem>>, vector<1000x4096xf32>
    %convert_element_type3A = arith.truncf %get3A_11 : vector<1000x4096xf32> to vector<1000x4096xbf16>
    %get3A_12 = arith.constant 0 : index
    %get3A_13 = arith.constant 0 : index
    %get3A_14 = vector.load %arg1[%get3A_12, %get3A_13] : memref<4096x512xf32, #tpu.memory_space<vmem>>, vector<4096x512xf32>
    %convert_element_type3A_15 = arith.truncf %get3A_14 : vector<4096x512xf32> to vector<4096x512xbf16>
    %dot_general3A = arith.constant dense<0.000000e+00> : vector<1000x512xf32>
    %dot_general3A_16 = tpu.matmul %convert_element_type3A, %convert_element_type3A_15, %dot_general3A {dimension_numbers = #tpu.dot_dimension_numbers<[1], [0], [0], [1], [0, 0, 1, 1], [], []>, transpose_lhs_hint = false} : vector<1000x4096xbf16>, vector<4096x512xbf16>, vector<1000x512xf32> -> vector<1000x512xf32>
    %get3A_17 = arith.constant 0 : index
    %get3A_18 = arith.constant 0 : index
    %get3A_19 = vector.load %arg2[%get3A_17, %get3A_18] : memref<1x512xf32, #tpu.memory_space<vmem>>, vector<1x512xf32>
    %add3A = vector.broadcast %get3A_19 : vector<1x512xf32> to vector<1000x512xf32>
    %add3A_20 = arith.addf %dot_general3A_16, %add3A : vector<1000x512xf32>
    %convert_element_type3A_21 = arith.truncf %add3A_20 : vector<1000x512xf32> to vector<1000x512xbf16>
    %convert_element_type3A_22 = arith.truncf %div3A_6 : vector<1000x151xf32> to vector<1000x151xbf16>
    %get3A_23 = arith.constant 0 : index
    %get3A_24 = arith.constant 0 : index
    %get3A_25 = vector.load %arg4[%get3A_23, %get3A_24] : memref<512x512xf32, #tpu.memory_space<vmem>>, vector<512x512xf32>
    %convert_element_type3A_26 = arith.truncf %get3A_25 : vector<512x512xf32> to vector<512x512xbf16>
    %dot_general3A_27 = arith.constant dense<0.000000e+00> : vector<1000x512xf32>
    %dot_general3A_28 = tpu.matmul %convert_element_type3A_21, %convert_element_type3A_26, %dot_general3A_27 {dimension_numbers = #tpu.dot_dimension_numbers<[1], [0], [0], [1], [0, 0, 1, 1], [], []>, transpose_lhs_hint = false} : vector<1000x512xbf16>, vector<512x512xbf16>, vector<1000x512xf32> -> vector<1000x512xf32>
    %get3A_29 = arith.constant 0 : index
    %get3A_30 = arith.constant 0 : index
    %get3A_31 = vector.load %arg6[%get3A_29, %get3A_30] : memref<151x512xf32, #tpu.memory_space<vmem>>, vector<151x512xf32>
    %convert_element_type3A_32 = arith.truncf %get3A_31 : vector<151x512xf32> to vector<151x512xbf16>
    %dot_general3A_33 = arith.constant dense<0.000000e+00> : vector<1000x512xf32>
    %dot_general3A_34 = tpu.matmul %convert_element_type3A_22, %convert_element_type3A_32, %dot_general3A_33 {dimension_numbers = #tpu.dot_dimension_numbers<[1], [0], [0], [1], [0, 0, 1, 1], [], []>, transpose_lhs_hint = false} : vector<1000x151xbf16>, vector<151x512xbf16>, vector<1000x512xf32> -> vector<1000x512xf32>
    %add3A_35 = arith.addf %dot_general3A_28, %dot_general3A_34 : vector<1000x512xf32>
    %swap3A_36 = arith.constant 0 : index
    %swap3A_37 = arith.constant 0 : index
    %swap3A_38 = vector.load %arg9[%swap3A_36, %swap3A_37] : memref<1000x512xf32, #tpu.memory_space<vmem>>, vector<1000x512xf32>
    tpu.vector_store %arg9[%swap3A_36, %swap3A_37], %add3A_35 {strides = array<i32>} : memref<1000x512xf32, #tpu.memory_space<vmem>>, vector<1000x512xf32>,
    %get3A_39 = arith.constant 0 : index
    %get3A_40 = arith.constant 0 : index
    %get3A_41 = vector.load %arg5[%get3A_39, %get3A_40] : memref<512x512xf32, #tpu.memory_space<vmem>>, vector<512x512xf32>
    %convert_element_type3A_42 = arith.truncf %get3A_41 : vector<512x512xf32> to vector<512x512xbf16>
    %dot_general3A_43 = arith.constant dense<0.000000e+00> : vector<1000x512xf32>
    %dot_general3A_44 = tpu.matmul %convert_element_type3A_21, %convert_element_type3A_42, %dot_general3A_43 {dimension_numbers = #tpu.dot_dimension_numbers<[1], [0], [0], [1], [0, 0, 1, 1], [], []>, transpose_lhs_hint = false} : vector<1000x512xbf16>, vector<512x512xbf16>, vector<1000x512xf32> -> vector<1000x512xf32>
    %get3A_45 = arith.constant 0 : index
    %get3A_46 = arith.constant 0 : index
    %get3A_47 = vector.load %arg7[%get3A_45, %get3A_46] : memref<151x512xf32, #tpu.memory_space<vmem>>, vector<151x512xf32>
    %convert_element_type3A_48 = arith.truncf %get3A_47 : vector<151x512xf32> to vector<151x512xbf16>
    %dot_general3A_49 = arith.constant dense<0.000000e+00> : vector<1000x512xf32>
    %dot_general3A_50 = tpu.matmul %convert_element_type3A_22, %convert_element_type3A_48, %dot_general3A_49 {dimension_numbers = #tpu.dot_dimension_numbers<[1], [0], [0], [1], [0, 0, 1, 1], [], []>, transpose_lhs_hint = false} : vector<1000x151xbf16>, vector<151x512xbf16>, vector<1000x512xf32> -> vector<1000x512xf32>
    %add3A_51 = arith.addf %dot_general3A_44, %dot_general3A_50 : vector<1000x512xf32>
    %swap3A_52 = arith.constant 0 : index
    %swap3A_53 = arith.constant 0 : index
    %swap3A_54 = vector.load %arg10[%swap3A_52, %swap3A_53] : memref<1000x512xf32, #tpu.memory_space<vmem>>, vector<1000x512xf32>
    tpu.vector_store %arg10[%swap3A_52, %swap3A_53], %add3A_51 {strides = array<i32>} : memref<1000x512xf32, #tpu.memory_space<vmem>>, vector<1000x512xf32>,
    return
  }
}

module attributes {stable_mosaic.version = 14 : i64} {
  func.func @_nms_body(%arg0: memref<4x152x1024xf32, #tpu.memory_space<vmem>>, %arg1: memref<152x1024xf32, #tpu.memory_space<vmem>>, %arg2: memref<8x1024xi32, #tpu.memory_space<vmem>>) attributes {dimension_semantics = [], scalar_prefetch = 0 : i64, scratch_operands = 0 : i64, tpu.core_type = #tpu.core_type<tc>} {
    %get3A = arith.constant 0 : index
    %get3A_0 = arith.constant 0 : index
    %get3A_1 = arith.constant 0 : index
    %get3A_2 = vector.load %arg0[%get3A, %get3A_0, %get3A_1] : memref<4x152x1024xf32, #tpu.memory_space<vmem>>, vector<1x152x1024xf32>
    %get3A_3 = vector.shape_cast %get3A_2 : vector<1x152x1024xf32> to vector<152x1024xf32>
    %get3A_4 = arith.constant 1 : index
    %get3A_5 = arith.constant 0 : index
    %get3A_6 = arith.constant 0 : index
    %get3A_7 = vector.load %arg0[%get3A_4, %get3A_5, %get3A_6] : memref<4x152x1024xf32, #tpu.memory_space<vmem>>, vector<1x152x1024xf32>
    %get3A_8 = vector.shape_cast %get3A_7 : vector<1x152x1024xf32> to vector<152x1024xf32>
    %get3A_9 = arith.constant 2 : index
    %get3A_10 = arith.constant 0 : index
    %get3A_11 = arith.constant 0 : index
    %get3A_12 = vector.load %arg0[%get3A_9, %get3A_10, %get3A_11] : memref<4x152x1024xf32, #tpu.memory_space<vmem>>, vector<1x152x1024xf32>
    %get3A_13 = vector.shape_cast %get3A_12 : vector<1x152x1024xf32> to vector<152x1024xf32>
    %get3A_14 = arith.constant 3 : index
    %get3A_15 = arith.constant 0 : index
    %get3A_16 = arith.constant 0 : index
    %get3A_17 = vector.load %arg0[%get3A_14, %get3A_15, %get3A_16] : memref<4x152x1024xf32, #tpu.memory_space<vmem>>, vector<1x152x1024xf32>
    %get3A_18 = vector.shape_cast %get3A_17 : vector<1x152x1024xf32> to vector<152x1024xf32>
    %iota3A = tpu.iota {dimensions = array<i32: 1>} : vector<152x1024xi32>
    %iota3A_19 = tpu.iota {dimensions = array<i32: 0>} : vector<152x1024xi32>
    %ge3A = arith.constant 1 : i32
    %ge3A_20 = vector.broadcast %ge3A : i32 to vector<152x1024xi32>
    %ge3A_21 = arith.cmpi sge, %iota3A_19, %ge3A_20 : vector<152x1024xi32>
    %le3A = arith.constant 150 : i32
    %le3A_22 = vector.broadcast %le3A : i32 to vector<152x1024xi32>
    %le3A_23 = arith.cmpi sle, %iota3A_19, %le3A_22 : vector<152x1024xi32>
    %and3A = arith.andi %ge3A_21, %le3A_23 : vector<152x1024xi1>
    %lt3A = arith.constant 1000 : i32
    %lt3A_24 = vector.broadcast %lt3A : i32 to vector<152x1024xi32>
    %lt3A_25 = arith.cmpi slt, %iota3A, %lt3A_24 : vector<152x1024xi32>
    %and3A_26 = arith.andi %and3A, %lt3A_25 : vector<152x1024xi1>
    %get3A_27 = arith.constant 0 : index
    %get3A_28 = arith.constant 0 : index
    %get3A_29 = vector.load %arg1[%get3A_27, %get3A_28] : memref<152x1024xf32, #tpu.memory_space<vmem>>, vector<152x1024xf32>
    %jit3A = arith.constant -1.000000e+30 : f32
    %broadcast_in_dim3A = vector.broadcast %jit3A : f32 to vector<152x1024xf32>
    %select_n3A = arith.select %and3A_26, %get3A_29, %broadcast_in_dim3A : vector<152x1024xi1>, vector<152x1024xf32>
    %sub3A = arith.subf %get3A_13, %get3A_3 : vector<152x1024xf32>
    %sub3A_30 = arith.subf %get3A_18, %get3A_8 : vector<152x1024xf32>
    %mul3A = arith.mulf %sub3A, %sub3A_30 : vector<152x1024xf32>
    %while3A = arith.constant true
    %while3A_31:2 = scf.while (%while3A_52 = %select_n3A, %while3A_53 = %while3A) : (vector<152x1024xf32>, i1) -> (vector<152x1024xf32>, i1) {
      scf.condition(%while3A_53) %while3A_52, %while3A_53 : vector<152x1024xf32>, i1
    } do {
    ^bb0(%while3A_52: vector<152x1024xf32>, %while3A_53: i1):
      %reduce_max3A_54 = arith.constant dense<0xFF800000> : vector<152xf32>
      %reduce_max3A_55 = vector.multi_reduction <maximumf>, %while3A_52, %reduce_max3A_54 [1] : vector<152x1024xf32> to vector<152xf32>
      %broadcast_in_dim3A_56 = vector.shape_cast %reduce_max3A_55 : vector<152xf32> to vector<152x1xf32>
      %gt3A_57 = arith.constant 0.000000e+00 : f32
      %gt3A_58 = vector.broadcast %gt3A_57 : f32 to vector<152x1xf32>
      %gt3A_59 = arith.cmpf ogt, %broadcast_in_dim3A_56, %gt3A_58 : vector<152x1xf32>
      %eq3A_60 = vector.broadcast %broadcast_in_dim3A_56 : vector<152x1xf32> to vector<152x1024xf32>
      %eq3A_61 = arith.cmpf oeq, %while3A_52, %eq3A_60 : vector<152x1024xf32>
      %jit3A_62 = arith.constant 1023 : i32
      %broadcast_in_dim3A_63 = vector.broadcast %jit3A_62 : i32 to vector<152x1024xi32>
      %select_n3A_64 = arith.select %eq3A_61, %iota3A, %broadcast_in_dim3A_63 : vector<152x1024xi1>, vector<152x1024xi32>
      %reduce_min3A_65 = arith.constant dense<2147483647> : vector<152xi32>
      %reduce_min3A_66 = vector.multi_reduction <minsi>, %select_n3A_64, %reduce_min3A_65 [1] : vector<152x1024xi32> to vector<152xi32>
      %broadcast_in_dim3A_67 = vector.shape_cast %reduce_min3A_66 : vector<152xi32> to vector<152x1xi32>
      %eq3A_68 = vector.broadcast %broadcast_in_dim3A_67 : vector<152x1xi32> to vector<152x1024xi32>
      %eq3A_69 = arith.cmpi eq, %iota3A, %eq3A_68 : vector<152x1024xi32>
      %jit3A_70 = arith.constant 0.000000e+00 : f32
      %broadcast_in_dim3A_71 = vector.broadcast %jit3A_70 : f32 to vector<152x1024xf32>
      %select_n3A_72 = arith.select %eq3A_69, %get3A_3, %broadcast_in_dim3A_71 : vector<152x1024xi1>, vector<152x1024xf32>
      %reduce_sum3A = arith.constant dense<0.000000e+00> : vector<152xf32>
      %reduce_sum3A_73 = vector.multi_reduction <add>, %select_n3A_72, %reduce_sum3A [1] : vector<152x1024xf32> to vector<152xf32>
      %broadcast_in_dim3A_74 = vector.shape_cast %reduce_sum3A_73 : vector<152xf32> to vector<152x1xf32>
      %jit3A_75 = arith.constant 0.000000e+00 : f32
      %broadcast_in_dim3A_76 = vector.broadcast %jit3A_75 : f32 to vector<152x1024xf32>
      %select_n3A_77 = arith.select %eq3A_69, %get3A_8, %broadcast_in_dim3A_76 : vector<152x1024xi1>, vector<152x1024xf32>
      %reduce_sum3A_78 = arith.constant dense<0.000000e+00> : vector<152xf32>
      %reduce_sum3A_79 = vector.multi_reduction <add>, %select_n3A_77, %reduce_sum3A_78 [1] : vector<152x1024xf32> to vector<152xf32>
      %broadcast_in_dim3A_80 = vector.shape_cast %reduce_sum3A_79 : vector<152xf32> to vector<152x1xf32>
      %jit3A_81 = arith.constant 0.000000e+00 : f32
      %broadcast_in_dim3A_82 = vector.broadcast %jit3A_81 : f32 to vector<152x1024xf32>
      %select_n3A_83 = arith.select %eq3A_69, %get3A_13, %broadcast_in_dim3A_82 : vector<152x1024xi1>, vector<152x1024xf32>
      %reduce_sum3A_84 = arith.constant dense<0.000000e+00> : vector<152xf32>
      %reduce_sum3A_85 = vector.multi_reduction <add>, %select_n3A_83, %reduce_sum3A_84 [1] : vector<152x1024xf32> to vector<152xf32>
      %broadcast_in_dim3A_86 = vector.shape_cast %reduce_sum3A_85 : vector<152xf32> to vector<152x1xf32>
      %jit3A_87 = arith.constant 0.000000e+00 : f32
      %broadcast_in_dim3A_88 = vector.broadcast %jit3A_87 : f32 to vector<152x1024xf32>
      %select_n3A_89 = arith.select %eq3A_69, %get3A_18, %broadcast_in_dim3A_88 : vector<152x1024xi1>, vector<152x1024xf32>
      %reduce_sum3A_90 = arith.constant dense<0.000000e+00> : vector<152xf32>
      %reduce_sum3A_91 = vector.multi_reduction <add>, %select_n3A_89, %reduce_sum3A_90 [1] : vector<152x1024xf32> to vector<152xf32>
      %broadcast_in_dim3A_92 = vector.shape_cast %reduce_sum3A_91 : vector<152xf32> to vector<152x1xf32>
      %sub3A_93 = arith.subf %broadcast_in_dim3A_86, %broadcast_in_dim3A_74 : vector<152x1xf32>
      %sub3A_94 = arith.subf %broadcast_in_dim3A_92, %broadcast_in_dim3A_80 : vector<152x1xf32>
      %mul3A_95 = arith.mulf %sub3A_93, %sub3A_94 : vector<152x1xf32>
      %min3A = vector.broadcast %broadcast_in_dim3A_86 : vector<152x1xf32> to vector<152x1024xf32>
      %min3A_96 = arith.minimumf %min3A, %get3A_13 : vector<152x1024xf32>
      %max3A = vector.broadcast %broadcast_in_dim3A_74 : vector<152x1xf32> to vector<152x1024xf32>
      %max3A_97 = arith.maximumf %max3A, %get3A_3 : vector<152x1024xf32>
      %sub3A_98 = arith.subf %min3A_96, %max3A_97 : vector<152x1024xf32>
      %max3A_99 = arith.constant 0.000000e+00 : f32
      %max3A_100 = vector.broadcast %max3A_99 : f32 to vector<152x1024xf32>
      %max3A_101 = arith.maximumf %sub3A_98, %max3A_100 : vector<152x1024xf32>
      %min3A_102 = vector.broadcast %broadcast_in_dim3A_92 : vector<152x1xf32> to vector<152x1024xf32>
      %min3A_103 = arith.minimumf %min3A_102, %get3A_18 : vector<152x1024xf32>
      %max3A_104 = vector.broadcast %broadcast_in_dim3A_80 : vector<152x1xf32> to vector<152x1024xf32>
      %max3A_105 = arith.maximumf %max3A_104, %get3A_8 : vector<152x1024xf32>
      %sub3A_106 = arith.subf %min3A_103, %max3A_105 : vector<152x1024xf32>
      %max3A_107 = arith.constant 0.000000e+00 : f32
      %max3A_108 = vector.broadcast %max3A_107 : f32 to vector<152x1024xf32>
      %max3A_109 = arith.maximumf %sub3A_106, %max3A_108 : vector<152x1024xf32>
      %mul3A_110 = arith.mulf %max3A_101, %max3A_109 : vector<152x1024xf32>
      %add3A = vector.broadcast %mul3A_95 : vector<152x1xf32> to vector<152x1024xf32>
      %add3A_111 = arith.addf %add3A, %mul3A : vector<152x1024xf32>
      %sub3A_112 = arith.subf %add3A_111, %mul3A_110 : vector<152x1024xf32>
      %max3A_113 = arith.constant 1.000000e-10 : f32
      %max3A_114 = vector.broadcast %max3A_113 : f32 to vector<152x1024xf32>
      %max3A_115 = arith.maximumf %sub3A_112, %max3A_114 : vector<152x1024xf32>
      %div3A = arith.divf %mul3A_110, %max3A_115 : vector<152x1024xf32>
      %gt3A_116 = arith.constant 3.000000e-01 : f32
      %gt3A_117 = vector.broadcast %gt3A_116 : f32 to vector<152x1024xf32>
      %gt3A_118 = arith.cmpf ogt, %div3A, %gt3A_117 : vector<152x1024xf32>
      %and3A_119 = vector.broadcast %gt3A_59 : vector<152x1xi1> to vector<152x1024xi1>
      %and3A_120 = arith.andi %gt3A_118, %and3A_119 : vector<152x1024xi1>
      %and3A_121 = vector.broadcast %gt3A_59 : vector<152x1xi1> to vector<152x1024xi1>
      %and3A_122 = arith.andi %eq3A_69, %and3A_121 : vector<152x1024xi1>
      %neg3A = arith.constant 0.000000e+00 : f32
      %neg3A_123 = vector.broadcast %neg3A : f32 to vector<152x1xf32>
      %neg3A_124 = arith.subf %neg3A_123, %broadcast_in_dim3A_56 : vector<152x1xf32>
      %jit3A_125 = arith.constant -1.000000e+30 : f32
      %broadcast_in_dim3A_126 = vector.broadcast %jit3A_125 : f32 to vector<152x1024xf32>
      %select_n3A_127 = arith.select %and3A_120, %broadcast_in_dim3A_126, %while3A_52 : vector<152x1024xi1>, vector<152x1024xf32>
      %broadcast_in_dim3A_128 = vector.shape_cast %neg3A_124 : vector<152x1xf32> to vector<152x1xf32>
      %broadcast_in_dim3A_129 = vector.broadcast %broadcast_in_dim3A_128 : vector<152x1xf32> to vector<152x1024xf32>
      %select_n3A_130 = arith.select %and3A_122, %broadcast_in_dim3A_129, %select_n3A_127 : vector<152x1024xi1>, vector<152x1024xf32>
      %reduce_or3A = arith.constant 1.000000e+00 : f32
      %reduce_or3A_131 = arith.constant 0.000000e+00 : f32
      %reduce_or3A_132 = vector.broadcast %reduce_or3A : f32 to vector<152x1xf32>
      %reduce_or3A_133 = vector.broadcast %reduce_or3A_131 : f32 to vector<152x1xf32>
      %reduce_or3A_134 = arith.select %gt3A_59, %reduce_or3A_132, %reduce_or3A_133 : vector<152x1xi1>, vector<152x1xf32>
      %reduce_or3A_135 = vector.shape_cast %reduce_or3A_134 : vector<152x1xf32> to vector<1x152x1xf32>
      %reduce_or3A_136 = arith.constant dense<0xFF800000> : vector<1xf32>
      %reduce_or3A_137 = vector.multi_reduction <maximumf>, %reduce_or3A_135, %reduce_or3A_136 [1, 2] : vector<1x152x1xf32> to vector<1xf32>
      %reduce_or3A_138 = vector.shape_cast %reduce_or3A_137 : vector<1xf32> to vector<1x1x1xf32>
      %reduce_or3A_139 = vector.extract %reduce_or3A_138[0, 0, 0] : f32 from vector<1x1x1xf32>
      %reduce_or3A_140 = arith.constant 0.000000e+00 : f32
      %reduce_or3A_141 = arith.cmpf ogt, %reduce_or3A_139, %reduce_or3A_140 : f32
      %reduce_max3A_142 = arith.constant dense<0xFF800000> : vector<152xf32>
      %reduce_max3A_143 = vector.multi_reduction <maximumf>, %select_n3A_130, %reduce_max3A_142 [1] : vector<152x1024xf32> to vector<152xf32>
      %broadcast_in_dim3A_144 = vector.shape_cast %reduce_max3A_143 : vector<152xf32> to vector<152x1xf32>
      %gt3A_145 = arith.constant 0.000000e+00 : f32
      %gt3A_146 = vector.broadcast %gt3A_145 : f32 to vector<152x1xf32>
      %gt3A_147 = arith.cmpf ogt, %broadcast_in_dim3A_144, %gt3A_146 : vector<152x1xf32>
      %eq3A_148 = vector.broadcast %broadcast_in_dim3A_144 : vector<152x1xf32> to vector<152x1024xf32>
      %eq3A_149 = arith.cmpf oeq, %select_n3A_130, %eq3A_148 : vector<152x1024xf32>
      %jit3A_150 = arith.constant 1023 : i32
      %broadcast_in_dim3A_151 = vector.broadcast %jit3A_150 : i32 to vector<152x1024xi32>
      %select_n3A_152 = arith.select %eq3A_149, %iota3A, %broadcast_in_dim3A_151 : vector<152x1024xi1>, vector<152x1024xi32>
      %reduce_min3A_153 = arith.constant dense<2147483647> : vector<152xi32>
      %reduce_min3A_154 = vector.multi_reduction <minsi>, %select_n3A_152, %reduce_min3A_153 [1] : vector<152x1024xi32> to vector<152xi32>
      %broadcast_in_dim3A_155 = vector.shape_cast %reduce_min3A_154 : vector<152xi32> to vector<152x1xi32>
      %eq3A_156 = vector.broadcast %broadcast_in_dim3A_155 : vector<152x1xi32> to vector<152x1024xi32>
      %eq3A_157 = arith.cmpi eq, %iota3A, %eq3A_156 : vector<152x1024xi32>
      %jit3A_158 = arith.constant 0.000000e+00 : f32
      %broadcast_in_dim3A_159 = vector.broadcast %jit3A_158 : f32 to vector<152x1024xf32>
      %select_n3A_160 = arith.select %eq3A_157, %get3A_3, %broadcast_in_dim3A_159 : vector<152x1024xi1>, vector<152x1024xf32>
      %reduce_sum3A_161 = arith.constant dense<0.000000e+00> : vector<152xf32>
      %reduce_sum3A_162 = vector.multi_reduction <add>, %select_n3A_160, %reduce_sum3A_161 [1] : vector<152x1024xf32> to vector<152xf32>
      %broadcast_in_dim3A_163 = vector.shape_cast %reduce_sum3A_162 : vector<152xf32> to vector<152x1xf32>
      %jit3A_164 = arith.constant 0.000000e+00 : f32
      %broadcast_in_dim3A_165 = vector.broadcast %jit3A_164 : f32 to vector<152x1024xf32>
      %select_n3A_166 = arith.select %eq3A_157, %get3A_8, %broadcast_in_dim3A_165 : vector<152x1024xi1>, vector<152x1024xf32>
      %reduce_sum3A_167 = arith.constant dense<0.000000e+00> : vector<152xf32>
      %reduce_sum3A_168 = vector.multi_reduction <add>, %select_n3A_166, %reduce_sum3A_167 [1] : vector<152x1024xf32> to vector<152xf32>
      %broadcast_in_dim3A_169 = vector.shape_cast %reduce_sum3A_168 : vector<152xf32> to vector<152x1xf32>
      %jit3A_170 = arith.constant 0.000000e+00 : f32
      %broadcast_in_dim3A_171 = vector.broadcast %jit3A_170 : f32 to vector<152x1024xf32>
      %select_n3A_172 = arith.select %eq3A_157, %get3A_13, %broadcast_in_dim3A_171 : vector<152x1024xi1>, vector<152x1024xf32>
      %reduce_sum3A_173 = arith.constant dense<0.000000e+00> : vector<152xf32>
      %reduce_sum3A_174 = vector.multi_reduction <add>, %select_n3A_172, %reduce_sum3A_173 [1] : vector<152x1024xf32> to vector<152xf32>
      %broadcast_in_dim3A_175 = vector.shape_cast %reduce_sum3A_174 : vector<152xf32> to vector<152x1xf32>
      %jit3A_176 = arith.constant 0.000000e+00 : f32
      %broadcast_in_dim3A_177 = vector.broadcast %jit3A_176 : f32 to vector<152x1024xf32>
      %select_n3A_178 = arith.select %eq3A_157, %get3A_18, %broadcast_in_dim3A_177 : vector<152x1024xi1>, vector<152x1024xf32>
      %reduce_sum3A_179 = arith.constant dense<0.000000e+00> : vector<152xf32>
      %reduce_sum3A_180 = vector.multi_reduction <add>, %select_n3A_178, %reduce_sum3A_179 [1] : vector<152x1024xf32> to vector<152xf32>
      %broadcast_in_dim3A_181 = vector.shape_cast %reduce_sum3A_180 : vector<152xf32> to vector<152x1xf32>
      %sub3A_182 = arith.subf %broadcast_in_dim3A_175, %broadcast_in_dim3A_163 : vector<152x1xf32>
      %sub3A_183 = arith.subf %broadcast_in_dim3A_181, %broadcast_in_dim3A_169 : vector<152x1xf32>
      %mul3A_184 = arith.mulf %sub3A_182, %sub3A_183 : vector<152x1xf32>
      %min3A_185 = vector.broadcast %broadcast_in_dim3A_175 : vector<152x1xf32> to vector<152x1024xf32>
      %min3A_186 = arith.minimumf %min3A_185, %get3A_13 : vector<152x1024xf32>
      %max3A_187 = vector.broadcast %broadcast_in_dim3A_163 : vector<152x1xf32> to vector<152x1024xf32>
      %max3A_188 = arith.maximumf %max3A_187, %get3A_3 : vector<152x1024xf32>
      %sub3A_189 = arith.subf %min3A_186, %max3A_188 : vector<152x1024xf32>
      %max3A_190 = arith.constant 0.000000e+00 : f32
      %max3A_191 = vector.broadcast %max3A_190 : f32 to vector<152x1024xf32>
      %max3A_192 = arith.maximumf %sub3A_189, %max3A_191 : vector<152x1024xf32>
      %min3A_193 = vector.broadcast %broadcast_in_dim3A_181 : vector<152x1xf32> to vector<152x1024xf32>
      %min3A_194 = arith.minimumf %min3A_193, %get3A_18 : vector<152x1024xf32>
      %max3A_195 = vector.broadcast %broadcast_in_dim3A_169 : vector<152x1xf32> to vector<152x1024xf32>
      %max3A_196 = arith.maximumf %max3A_195, %get3A_8 : vector<152x1024xf32>
      %sub3A_197 = arith.subf %min3A_194, %max3A_196 : vector<152x1024xf32>
      %max3A_198 = arith.constant 0.000000e+00 : f32
      %max3A_199 = vector.broadcast %max3A_198 : f32 to vector<152x1024xf32>
      %max3A_200 = arith.maximumf %sub3A_197, %max3A_199 : vector<152x1024xf32>
      %mul3A_201 = arith.mulf %max3A_192, %max3A_200 : vector<152x1024xf32>
      %add3A_202 = vector.broadcast %mul3A_184 : vector<152x1xf32> to vector<152x1024xf32>
      %add3A_203 = arith.addf %add3A_202, %mul3A : vector<152x1024xf32>
      %sub3A_204 = arith.subf %add3A_203, %mul3A_201 : vector<152x1024xf32>
      %max3A_205 = arith.constant 1.000000e-10 : f32
      %max3A_206 = vector.broadcast %max3A_205 : f32 to vector<152x1024xf32>
      %max3A_207 = arith.maximumf %sub3A_204, %max3A_206 : vector<152x1024xf32>
      %div3A_208 = arith.divf %mul3A_201, %max3A_207 : vector<152x1024xf32>
      %gt3A_209 = arith.constant 3.000000e-01 : f32
      %gt3A_210 = vector.broadcast %gt3A_209 : f32 to vector<152x1024xf32>
      %gt3A_211 = arith.cmpf ogt, %div3A_208, %gt3A_210 : vector<152x1024xf32>
      %and3A_212 = vector.broadcast %gt3A_147 : vector<152x1xi1> to vector<152x1024xi1>
      %and3A_213 = arith.andi %gt3A_211, %and3A_212 : vector<152x1024xi1>
      %and3A_214 = vector.broadcast %gt3A_147 : vector<152x1xi1> to vector<152x1024xi1>
      %and3A_215 = arith.andi %eq3A_157, %and3A_214 : vector<152x1024xi1>
      %neg3A_216 = arith.constant 0.000000e+00 : f32
      %neg3A_217 = vector.broadcast %neg3A_216 : f32 to vector<152x1xf32>
      %neg3A_218 = arith.subf %neg3A_217, %broadcast_in_dim3A_144 : vector<152x1xf32>
      %jit3A_219 = arith.constant -1.000000e+30 : f32
      %broadcast_in_dim3A_220 = vector.broadcast %jit3A_219 : f32 to vector<152x1024xf32>
      %select_n3A_221 = arith.select %and3A_213, %broadcast_in_dim3A_220, %select_n3A_130 : vector<152x1024xi1>, vector<152x1024xf32>
      %broadcast_in_dim3A_222 = vector.shape_cast %neg3A_218 : vector<152x1xf32> to vector<152x1xf32>
      %broadcast_in_dim3A_223 = vector.broadcast %broadcast_in_dim3A_222 : vector<152x1xf32> to vector<152x1024xf32>
      %select_n3A_224 = arith.select %and3A_215, %broadcast_in_dim3A_223, %select_n3A_221 : vector<152x1024xi1>, vector<152x1024xf32>
      %reduce_or3A_225 = arith.constant 1.000000e+00 : f32
      %reduce_or3A_226 = arith.constant 0.000000e+00 : f32
      %reduce_or3A_227 = vector.broadcast %reduce_or3A_225 : f32 to vector<152x1xf32>
      %reduce_or3A_228 = vector.broadcast %reduce_or3A_226 : f32 to vector<152x1xf32>
      %reduce_or3A_229 = arith.select %gt3A_147, %reduce_or3A_227, %reduce_or3A_228 : vector<152x1xi1>, vector<152x1xf32>
      %reduce_or3A_230 = vector.shape_cast %reduce_or3A_229 : vector<152x1xf32> to vector<1x152x1xf32>
      %reduce_or3A_231 = arith.constant dense<0xFF800000> : vector<1xf32>
      %reduce_or3A_232 = vector.multi_reduction <maximumf>, %reduce_or3A_230, %reduce_or3A_231 [1, 2] : vector<1x152x1xf32> to vector<1xf32>
      %reduce_or3A_233 = vector.shape_cast %reduce_or3A_232 : vector<1xf32> to vector<1x1x1xf32>
      %reduce_or3A_234 = vector.extract %reduce_or3A_233[0, 0, 0] : f32 from vector<1x1x1xf32>
      %reduce_or3A_235 = arith.constant 0.000000e+00 : f32
      %reduce_or3A_236 = arith.cmpf ogt, %reduce_or3A_234, %reduce_or3A_235 : f32
      %reduce_max3A_237 = arith.constant dense<0xFF800000> : vector<152xf32>
      %reduce_max3A_238 = vector.multi_reduction <maximumf>, %select_n3A_224, %reduce_max3A_237 [1] : vector<152x1024xf32> to vector<152xf32>
      %broadcast_in_dim3A_239 = vector.shape_cast %reduce_max3A_238 : vector<152xf32> to vector<152x1xf32>
      %gt3A_240 = arith.constant 0.000000e+00 : f32
      %gt3A_241 = vector.broadcast %gt3A_240 : f32 to vector<152x1xf32>
      %gt3A_242 = arith.cmpf ogt, %broadcast_in_dim3A_239, %gt3A_241 : vector<152x1xf32>
      %eq3A_243 = vector.broadcast %broadcast_in_dim3A_239 : vector<152x1xf32> to vector<152x1024xf32>
      %eq3A_244 = arith.cmpf oeq, %select_n3A_224, %eq3A_243 : vector<152x1024xf32>
      %jit3A_245 = arith.constant 1023 : i32
      %broadcast_in_dim3A_246 = vector.broadcast %jit3A_245 : i32 to vector<152x1024xi32>
      %select_n3A_247 = arith.select %eq3A_244, %iota3A, %broadcast_in_dim3A_246 : vector<152x1024xi1>, vector<152x1024xi32>
      %reduce_min3A_248 = arith.constant dense<2147483647> : vector<152xi32>
      %reduce_min3A_249 = vector.multi_reduction <minsi>, %select_n3A_247, %reduce_min3A_248 [1] : vector<152x1024xi32> to vector<152xi32>
      %broadcast_in_dim3A_250 = vector.shape_cast %reduce_min3A_249 : vector<152xi32> to vector<152x1xi32>
      %eq3A_251 = vector.broadcast %broadcast_in_dim3A_250 : vector<152x1xi32> to vector<152x1024xi32>
      %eq3A_252 = arith.cmpi eq, %iota3A, %eq3A_251 : vector<152x1024xi32>
      %jit3A_253 = arith.constant 0.000000e+00 : f32
      %broadcast_in_dim3A_254 = vector.broadcast %jit3A_253 : f32 to vector<152x1024xf32>
      %select_n3A_255 = arith.select %eq3A_252, %get3A_3, %broadcast_in_dim3A_254 : vector<152x1024xi1>, vector<152x1024xf32>
      %reduce_sum3A_256 = arith.constant dense<0.000000e+00> : vector<152xf32>
      %reduce_sum3A_257 = vector.multi_reduction <add>, %select_n3A_255, %reduce_sum3A_256 [1] : vector<152x1024xf32> to vector<152xf32>
      %broadcast_in_dim3A_258 = vector.shape_cast %reduce_sum3A_257 : vector<152xf32> to vector<152x1xf32>
      %jit3A_259 = arith.constant 0.000000e+00 : f32
      %broadcast_in_dim3A_260 = vector.broadcast %jit3A_259 : f32 to vector<152x1024xf32>
      %select_n3A_261 = arith.select %eq3A_252, %get3A_8, %broadcast_in_dim3A_260 : vector<152x1024xi1>, vector<152x1024xf32>
      %reduce_sum3A_262 = arith.constant dense<0.000000e+00> : vector<152xf32>
      %reduce_sum3A_263 = vector.multi_reduction <add>, %select_n3A_261, %reduce_sum3A_262 [1] : vector<152x1024xf32> to vector<152xf32>
      %broadcast_in_dim3A_264 = vector.shape_cast %reduce_sum3A_263 : vector<152xf32> to vector<152x1xf32>
      %jit3A_265 = arith.constant 0.000000e+00 : f32
      %broadcast_in_dim3A_266 = vector.broadcast %jit3A_265 : f32 to vector<152x1024xf32>
      %select_n3A_267 = arith.select %eq3A_252, %get3A_13, %broadcast_in_dim3A_266 : vector<152x1024xi1>, vector<152x1024xf32>
      %reduce_sum3A_268 = arith.constant dense<0.000000e+00> : vector<152xf32>
      %reduce_sum3A_269 = vector.multi_reduction <add>, %select_n3A_267, %reduce_sum3A_268 [1] : vector<152x1024xf32> to vector<152xf32>
      %broadcast_in_dim3A_270 = vector.shape_cast %reduce_sum3A_269 : vector<152xf32> to vector<152x1xf32>
      %jit3A_271 = arith.constant 0.000000e+00 : f32
      %broadcast_in_dim3A_272 = vector.broadcast %jit3A_271 : f32 to vector<152x1024xf32>
      %select_n3A_273 = arith.select %eq3A_252, %get3A_18, %broadcast_in_dim3A_272 : vector<152x1024xi1>, vector<152x1024xf32>
      %reduce_sum3A_274 = arith.constant dense<0.000000e+00> : vector<152xf32>
      %reduce_sum3A_275 = vector.multi_reduction <add>, %select_n3A_273, %reduce_sum3A_274 [1] : vector<152x1024xf32> to vector<152xf32>
      %broadcast_in_dim3A_276 = vector.shape_cast %reduce_sum3A_275 : vector<152xf32> to vector<152x1xf32>
      %sub3A_277 = arith.subf %broadcast_in_dim3A_270, %broadcast_in_dim3A_258 : vector<152x1xf32>
      %sub3A_278 = arith.subf %broadcast_in_dim3A_276, %broadcast_in_dim3A_264 : vector<152x1xf32>
      %mul3A_279 = arith.mulf %sub3A_277, %sub3A_278 : vector<152x1xf32>
      %min3A_280 = vector.broadcast %broadcast_in_dim3A_270 : vector<152x1xf32> to vector<152x1024xf32>
      %min3A_281 = arith.minimumf %min3A_280, %get3A_13 : vector<152x1024xf32>
      %max3A_282 = vector.broadcast %broadcast_in_dim3A_258 : vector<152x1xf32> to vector<152x1024xf32>
      %max3A_283 = arith.maximumf %max3A_282, %get3A_3 : vector<152x1024xf32>
      %sub3A_284 = arith.subf %min3A_281, %max3A_283 : vector<152x1024xf32>
      %max3A_285 = arith.constant 0.000000e+00 : f32
      %max3A_286 = vector.broadcast %max3A_285 : f32 to vector<152x1024xf32>
      %max3A_287 = arith.maximumf %sub3A_284, %max3A_286 : vector<152x1024xf32>
      %min3A_288 = vector.broadcast %broadcast_in_dim3A_276 : vector<152x1xf32> to vector<152x1024xf32>
      %min3A_289 = arith.minimumf %min3A_288, %get3A_18 : vector<152x1024xf32>
      %max3A_290 = vector.broadcast %broadcast_in_dim3A_264 : vector<152x1xf32> to vector<152x1024xf32>
      %max3A_291 = arith.maximumf %max3A_290, %get3A_8 : vector<152x1024xf32>
      %sub3A_292 = arith.subf %min3A_289, %max3A_291 : vector<152x1024xf32>
      %max3A_293 = arith.constant 0.000000e+00 : f32
      %max3A_294 = vector.broadcast %max3A_293 : f32 to vector<152x1024xf32>
      %max3A_295 = arith.maximumf %sub3A_292, %max3A_294 : vector<152x1024xf32>
      %mul3A_296 = arith.mulf %max3A_287, %max3A_295 : vector<152x1024xf32>
      %add3A_297 = vector.broadcast %mul3A_279 : vector<152x1xf32> to vector<152x1024xf32>
      %add3A_298 = arith.addf %add3A_297, %mul3A : vector<152x1024xf32>
      %sub3A_299 = arith.subf %add3A_298, %mul3A_296 : vector<152x1024xf32>
      %max3A_300 = arith.constant 1.000000e-10 : f32
      %max3A_301 = vector.broadcast %max3A_300 : f32 to vector<152x1024xf32>
      %max3A_302 = arith.maximumf %sub3A_299, %max3A_301 : vector<152x1024xf32>
      %div3A_303 = arith.divf %mul3A_296, %max3A_302 : vector<152x1024xf32>
      %gt3A_304 = arith.constant 3.000000e-01 : f32
      %gt3A_305 = vector.broadcast %gt3A_304 : f32 to vector<152x1024xf32>
      %gt3A_306 = arith.cmpf ogt, %div3A_303, %gt3A_305 : vector<152x1024xf32>
      %and3A_307 = vector.broadcast %gt3A_242 : vector<152x1xi1> to vector<152x1024xi1>
      %and3A_308 = arith.andi %gt3A_306, %and3A_307 : vector<152x1024xi1>
      %and3A_309 = vector.broadcast %gt3A_242 : vector<152x1xi1> to vector<152x1024xi1>
      %and3A_310 = arith.andi %eq3A_252, %and3A_309 : vector<152x1024xi1>
      %neg3A_311 = arith.constant 0.000000e+00 : f32
      %neg3A_312 = vector.broadcast %neg3A_311 : f32 to vector<152x1xf32>
      %neg3A_313 = arith.subf %neg3A_312, %broadcast_in_dim3A_239 : vector<152x1xf32>
      %jit3A_314 = arith.constant -1.000000e+30 : f32
      %broadcast_in_dim3A_315 = vector.broadcast %jit3A_314 : f32 to vector<152x1024xf32>
      %select_n3A_316 = arith.select %and3A_308, %broadcast_in_dim3A_315, %select_n3A_224 : vector<152x1024xi1>, vector<152x1024xf32>
      %broadcast_in_dim3A_317 = vector.shape_cast %neg3A_313 : vector<152x1xf32> to vector<152x1xf32>
      %broadcast_in_dim3A_318 = vector.broadcast %broadcast_in_dim3A_317 : vector<152x1xf32> to vector<152x1024xf32>
      %select_n3A_319 = arith.select %and3A_310, %broadcast_in_dim3A_318, %select_n3A_316 : vector<152x1024xi1>, vector<152x1024xf32>
      %reduce_or3A_320 = arith.constant 1.000000e+00 : f32
      %reduce_or3A_321 = arith.constant 0.000000e+00 : f32
      %reduce_or3A_322 = vector.broadcast %reduce_or3A_320 : f32 to vector<152x1xf32>
      %reduce_or3A_323 = vector.broadcast %reduce_or3A_321 : f32 to vector<152x1xf32>
      %reduce_or3A_324 = arith.select %gt3A_242, %reduce_or3A_322, %reduce_or3A_323 : vector<152x1xi1>, vector<152x1xf32>
      %reduce_or3A_325 = vector.shape_cast %reduce_or3A_324 : vector<152x1xf32> to vector<1x152x1xf32>
      %reduce_or3A_326 = arith.constant dense<0xFF800000> : vector<1xf32>
      %reduce_or3A_327 = vector.multi_reduction <maximumf>, %reduce_or3A_325, %reduce_or3A_326 [1, 2] : vector<1x152x1xf32> to vector<1xf32>
      %reduce_or3A_328 = vector.shape_cast %reduce_or3A_327 : vector<1xf32> to vector<1x1x1xf32>
      %reduce_or3A_329 = vector.extract %reduce_or3A_328[0, 0, 0] : f32 from vector<1x1x1xf32>
      %reduce_or3A_330 = arith.constant 0.000000e+00 : f32
      %reduce_or3A_331 = arith.cmpf ogt, %reduce_or3A_329, %reduce_or3A_330 : f32
      %reduce_max3A_332 = arith.constant dense<0xFF800000> : vector<152xf32>
      %reduce_max3A_333 = vector.multi_reduction <maximumf>, %select_n3A_319, %reduce_max3A_332 [1] : vector<152x1024xf32> to vector<152xf32>
      %broadcast_in_dim3A_334 = vector.shape_cast %reduce_max3A_333 : vector<152xf32> to vector<152x1xf32>
      %gt3A_335 = arith.constant 0.000000e+00 : f32
      %gt3A_336 = vector.broadcast %gt3A_335 : f32 to vector<152x1xf32>
      %gt3A_337 = arith.cmpf ogt, %broadcast_in_dim3A_334, %gt3A_336 : vector<152x1xf32>
      %eq3A_338 = vector.broadcast %broadcast_in_dim3A_334 : vector<152x1xf32> to vector<152x1024xf32>
      %eq3A_339 = arith.cmpf oeq, %select_n3A_319, %eq3A_338 : vector<152x1024xf32>
      %jit3A_340 = arith.constant 1023 : i32
      %broadcast_in_dim3A_341 = vector.broadcast %jit3A_340 : i32 to vector<152x1024xi32>
      %select_n3A_342 = arith.select %eq3A_339, %iota3A, %broadcast_in_dim3A_341 : vector<152x1024xi1>, vector<152x1024xi32>
      %reduce_min3A_343 = arith.constant dense<2147483647> : vector<152xi32>
      %reduce_min3A_344 = vector.multi_reduction <minsi>, %select_n3A_342, %reduce_min3A_343 [1] : vector<152x1024xi32> to vector<152xi32>
      %broadcast_in_dim3A_345 = vector.shape_cast %reduce_min3A_344 : vector<152xi32> to vector<152x1xi32>
      %eq3A_346 = vector.broadcast %broadcast_in_dim3A_345 : vector<152x1xi32> to vector<152x1024xi32>
      %eq3A_347 = arith.cmpi eq, %iota3A, %eq3A_346 : vector<152x1024xi32>
      %jit3A_348 = arith.constant 0.000000e+00 : f32
      %broadcast_in_dim3A_349 = vector.broadcast %jit3A_348 : f32 to vector<152x1024xf32>
      %select_n3A_350 = arith.select %eq3A_347, %get3A_3, %broadcast_in_dim3A_349 : vector<152x1024xi1>, vector<152x1024xf32>
      %reduce_sum3A_351 = arith.constant dense<0.000000e+00> : vector<152xf32>
      %reduce_sum3A_352 = vector.multi_reduction <add>, %select_n3A_350, %reduce_sum3A_351 [1] : vector<152x1024xf32> to vector<152xf32>
      %broadcast_in_dim3A_353 = vector.shape_cast %reduce_sum3A_352 : vector<152xf32> to vector<152x1xf32>
      %jit3A_354 = arith.constant 0.000000e+00 : f32
      %broadcast_in_dim3A_355 = vector.broadcast %jit3A_354 : f32 to vector<152x1024xf32>
      %select_n3A_356 = arith.select %eq3A_347, %get3A_8, %broadcast_in_dim3A_355 : vector<152x1024xi1>, vector<152x1024xf32>
      %reduce_sum3A_357 = arith.constant dense<0.000000e+00> : vector<152xf32>
      %reduce_sum3A_358 = vector.multi_reduction <add>, %select_n3A_356, %reduce_sum3A_357 [1] : vector<152x1024xf32> to vector<152xf32>
      %broadcast_in_dim3A_359 = vector.shape_cast %reduce_sum3A_358 : vector<152xf32> to vector<152x1xf32>
      %jit3A_360 = arith.constant 0.000000e+00 : f32
      %broadcast_in_dim3A_361 = vector.broadcast %jit3A_360 : f32 to vector<152x1024xf32>
      %select_n3A_362 = arith.select %eq3A_347, %get3A_13, %broadcast_in_dim3A_361 : vector<152x1024xi1>, vector<152x1024xf32>
      %reduce_sum3A_363 = arith.constant dense<0.000000e+00> : vector<152xf32>
      %reduce_sum3A_364 = vector.multi_reduction <add>, %select_n3A_362, %reduce_sum3A_363 [1] : vector<152x1024xf32> to vector<152xf32>
      %broadcast_in_dim3A_365 = vector.shape_cast %reduce_sum3A_364 : vector<152xf32> to vector<152x1xf32>
      %jit3A_366 = arith.constant 0.000000e+00 : f32
      %broadcast_in_dim3A_367 = vector.broadcast %jit3A_366 : f32 to vector<152x1024xf32>
      %select_n3A_368 = arith.select %eq3A_347, %get3A_18, %broadcast_in_dim3A_367 : vector<152x1024xi1>, vector<152x1024xf32>
      %reduce_sum3A_369 = arith.constant dense<0.000000e+00> : vector<152xf32>
      %reduce_sum3A_370 = vector.multi_reduction <add>, %select_n3A_368, %reduce_sum3A_369 [1] : vector<152x1024xf32> to vector<152xf32>
      %broadcast_in_dim3A_371 = vector.shape_cast %reduce_sum3A_370 : vector<152xf32> to vector<152x1xf32>
      %sub3A_372 = arith.subf %broadcast_in_dim3A_365, %broadcast_in_dim3A_353 : vector<152x1xf32>
      %sub3A_373 = arith.subf %broadcast_in_dim3A_371, %broadcast_in_dim3A_359 : vector<152x1xf32>
      %mul3A_374 = arith.mulf %sub3A_372, %sub3A_373 : vector<152x1xf32>
      %min3A_375 = vector.broadcast %broadcast_in_dim3A_365 : vector<152x1xf32> to vector<152x1024xf32>
      %min3A_376 = arith.minimumf %min3A_375, %get3A_13 : vector<152x1024xf32>
      %max3A_377 = vector.broadcast %broadcast_in_dim3A_353 : vector<152x1xf32> to vector<152x1024xf32>
      %max3A_378 = arith.maximumf %max3A_377, %get3A_3 : vector<152x1024xf32>
      %sub3A_379 = arith.subf %min3A_376, %max3A_378 : vector<152x1024xf32>
      %max3A_380 = arith.constant 0.000000e+00 : f32
      %max3A_381 = vector.broadcast %max3A_380 : f32 to vector<152x1024xf32>
      %max3A_382 = arith.maximumf %sub3A_379, %max3A_381 : vector<152x1024xf32>
      %min3A_383 = vector.broadcast %broadcast_in_dim3A_371 : vector<152x1xf32> to vector<152x1024xf32>
      %min3A_384 = arith.minimumf %min3A_383, %get3A_18 : vector<152x1024xf32>
      %max3A_385 = vector.broadcast %broadcast_in_dim3A_359 : vector<152x1xf32> to vector<152x1024xf32>
      %max3A_386 = arith.maximumf %max3A_385, %get3A_8 : vector<152x1024xf32>
      %sub3A_387 = arith.subf %min3A_384, %max3A_386 : vector<152x1024xf32>
      %max3A_388 = arith.constant 0.000000e+00 : f32
      %max3A_389 = vector.broadcast %max3A_388 : f32 to vector<152x1024xf32>
      %max3A_390 = arith.maximumf %sub3A_387, %max3A_389 : vector<152x1024xf32>
      %mul3A_391 = arith.mulf %max3A_382, %max3A_390 : vector<152x1024xf32>
      %add3A_392 = vector.broadcast %mul3A_374 : vector<152x1xf32> to vector<152x1024xf32>
      %add3A_393 = arith.addf %add3A_392, %mul3A : vector<152x1024xf32>
      %sub3A_394 = arith.subf %add3A_393, %mul3A_391 : vector<152x1024xf32>
      %max3A_395 = arith.constant 1.000000e-10 : f32
      %max3A_396 = vector.broadcast %max3A_395 : f32 to vector<152x1024xf32>
      %max3A_397 = arith.maximumf %sub3A_394, %max3A_396 : vector<152x1024xf32>
      %div3A_398 = arith.divf %mul3A_391, %max3A_397 : vector<152x1024xf32>
      %gt3A_399 = arith.constant 3.000000e-01 : f32
      %gt3A_400 = vector.broadcast %gt3A_399 : f32 to vector<152x1024xf32>
      %gt3A_401 = arith.cmpf ogt, %div3A_398, %gt3A_400 : vector<152x1024xf32>
      %and3A_402 = vector.broadcast %gt3A_337 : vector<152x1xi1> to vector<152x1024xi1>
      %and3A_403 = arith.andi %gt3A_401, %and3A_402 : vector<152x1024xi1>
      %and3A_404 = vector.broadcast %gt3A_337 : vector<152x1xi1> to vector<152x1024xi1>
      %and3A_405 = arith.andi %eq3A_347, %and3A_404 : vector<152x1024xi1>
      %neg3A_406 = arith.constant 0.000000e+00 : f32
      %neg3A_407 = vector.broadcast %neg3A_406 : f32 to vector<152x1xf32>
      %neg3A_408 = arith.subf %neg3A_407, %broadcast_in_dim3A_334 : vector<152x1xf32>
      %jit3A_409 = arith.constant -1.000000e+30 : f32
      %broadcast_in_dim3A_410 = vector.broadcast %jit3A_409 : f32 to vector<152x1024xf32>
      %select_n3A_411 = arith.select %and3A_403, %broadcast_in_dim3A_410, %select_n3A_319 : vector<152x1024xi1>, vector<152x1024xf32>
      %broadcast_in_dim3A_412 = vector.shape_cast %neg3A_408 : vector<152x1xf32> to vector<152x1xf32>
      %broadcast_in_dim3A_413 = vector.broadcast %broadcast_in_dim3A_412 : vector<152x1xf32> to vector<152x1024xf32>
      %select_n3A_414 = arith.select %and3A_405, %broadcast_in_dim3A_413, %select_n3A_411 : vector<152x1024xi1>, vector<152x1024xf32>
      %reduce_or3A_415 = arith.constant 1.000000e+00 : f32
      %reduce_or3A_416 = arith.constant 0.000000e+00 : f32
      %reduce_or3A_417 = vector.broadcast %reduce_or3A_415 : f32 to vector<152x1xf32>
      %reduce_or3A_418 = vector.broadcast %reduce_or3A_416 : f32 to vector<152x1xf32>
      %reduce_or3A_419 = arith.select %gt3A_337, %reduce_or3A_417, %reduce_or3A_418 : vector<152x1xi1>, vector<152x1xf32>
      %reduce_or3A_420 = vector.shape_cast %reduce_or3A_419 : vector<152x1xf32> to vector<1x152x1xf32>
      %reduce_or3A_421 = arith.constant dense<0xFF800000> : vector<1xf32>
      %reduce_or3A_422 = vector.multi_reduction <maximumf>, %reduce_or3A_420, %reduce_or3A_421 [1, 2] : vector<1x152x1xf32> to vector<1xf32>
      %reduce_or3A_423 = vector.shape_cast %reduce_or3A_422 : vector<1xf32> to vector<1x1x1xf32>
      %reduce_or3A_424 = vector.extract %reduce_or3A_423[0, 0, 0] : f32 from vector<1x1x1xf32>
      %reduce_or3A_425 = arith.constant 0.000000e+00 : f32
      %reduce_or3A_426 = arith.cmpf ogt, %reduce_or3A_424, %reduce_or3A_425 : f32
      %reduce_max3A_427 = arith.constant dense<0xFF800000> : vector<152xf32>
      %reduce_max3A_428 = vector.multi_reduction <maximumf>, %select_n3A_414, %reduce_max3A_427 [1] : vector<152x1024xf32> to vector<152xf32>
      %broadcast_in_dim3A_429 = vector.shape_cast %reduce_max3A_428 : vector<152xf32> to vector<152x1xf32>
      %gt3A_430 = arith.constant 0.000000e+00 : f32
      %gt3A_431 = vector.broadcast %gt3A_430 : f32 to vector<152x1xf32>
      %gt3A_432 = arith.cmpf ogt, %broadcast_in_dim3A_429, %gt3A_431 : vector<152x1xf32>
      %eq3A_433 = vector.broadcast %broadcast_in_dim3A_429 : vector<152x1xf32> to vector<152x1024xf32>
      %eq3A_434 = arith.cmpf oeq, %select_n3A_414, %eq3A_433 : vector<152x1024xf32>
      %jit3A_435 = arith.constant 1023 : i32
      %broadcast_in_dim3A_436 = vector.broadcast %jit3A_435 : i32 to vector<152x1024xi32>
      %select_n3A_437 = arith.select %eq3A_434, %iota3A, %broadcast_in_dim3A_436 : vector<152x1024xi1>, vector<152x1024xi32>
      %reduce_min3A_438 = arith.constant dense<2147483647> : vector<152xi32>
      %reduce_min3A_439 = vector.multi_reduction <minsi>, %select_n3A_437, %reduce_min3A_438 [1] : vector<152x1024xi32> to vector<152xi32>
      %broadcast_in_dim3A_440 = vector.shape_cast %reduce_min3A_439 : vector<152xi32> to vector<152x1xi32>
      %eq3A_441 = vector.broadcast %broadcast_in_dim3A_440 : vector<152x1xi32> to vector<152x1024xi32>
      %eq3A_442 = arith.cmpi eq, %iota3A, %eq3A_441 : vector<152x1024xi32>
      %jit3A_443 = arith.constant 0.000000e+00 : f32
      %broadcast_in_dim3A_444 = vector.broadcast %jit3A_443 : f32 to vector<152x1024xf32>
      %select_n3A_445 = arith.select %eq3A_442, %get3A_3, %broadcast_in_dim3A_444 : vector<152x1024xi1>, vector<152x1024xf32>
      %reduce_sum3A_446 = arith.constant dense<0.000000e+00> : vector<152xf32>
      %reduce_sum3A_447 = vector.multi_reduction <add>, %select_n3A_445, %reduce_sum3A_446 [1] : vector<152x1024xf32> to vector<152xf32>
      %broadcast_in_dim3A_448 = vector.shape_cast %reduce_sum3A_447 : vector<152xf32> to vector<152x1xf32>
      %jit3A_449 = arith.constant 0.000000e+00 : f32
      %broadcast_in_dim3A_450 = vector.broadcast %jit3A_449 : f32 to vector<152x1024xf32>
      %select_n3A_451 = arith.select %eq3A_442, %get3A_8, %broadcast_in_dim3A_450 : vector<152x1024xi1>, vector<152x1024xf32>
      %reduce_sum3A_452 = arith.constant dense<0.000000e+00> : vector<152xf32>
      %reduce_sum3A_453 = vector.multi_reduction <add>, %select_n3A_451, %reduce_sum3A_452 [1] : vector<152x1024xf32> to vector<152xf32>
      %broadcast_in_dim3A_454 = vector.shape_cast %reduce_sum3A_453 : vector<152xf32> to vector<152x1xf32>
      %jit3A_455 = arith.constant 0.000000e+00 : f32
      %broadcast_in_dim3A_456 = vector.broadcast %jit3A_455 : f32 to vector<152x1024xf32>
      %select_n3A_457 = arith.select %eq3A_442, %get3A_13, %broadcast_in_dim3A_456 : vector<152x1024xi1>, vector<152x1024xf32>
      %reduce_sum3A_458 = arith.constant dense<0.000000e+00> : vector<152xf32>
      %reduce_sum3A_459 = vector.multi_reduction <add>, %select_n3A_457, %reduce_sum3A_458 [1] : vector<152x1024xf32> to vector<152xf32>
      %broadcast_in_dim3A_460 = vector.shape_cast %reduce_sum3A_459 : vector<152xf32> to vector<152x1xf32>
      %jit3A_461 = arith.constant 0.000000e+00 : f32
      %broadcast_in_dim3A_462 = vector.broadcast %jit3A_461 : f32 to vector<152x1024xf32>
      %select_n3A_463 = arith.select %eq3A_442, %get3A_18, %broadcast_in_dim3A_462 : vector<152x1024xi1>, vector<152x1024xf32>
      %reduce_sum3A_464 = arith.constant dense<0.000000e+00> : vector<152xf32>
      %reduce_sum3A_465 = vector.multi_reduction <add>, %select_n3A_463, %reduce_sum3A_464 [1] : vector<152x1024xf32> to vector<152xf32>
      %broadcast_in_dim3A_466 = vector.shape_cast %reduce_sum3A_465 : vector<152xf32> to vector<152x1xf32>
      %sub3A_467 = arith.subf %broadcast_in_dim3A_460, %broadcast_in_dim3A_448 : vector<152x1xf32>
      %sub3A_468 = arith.subf %broadcast_in_dim3A_466, %broadcast_in_dim3A_454 : vector<152x1xf32>
      %mul3A_469 = arith.mulf %sub3A_467, %sub3A_468 : vector<152x1xf32>
      %min3A_470 = vector.broadcast %broadcast_in_dim3A_460 : vector<152x1xf32> to vector<152x1024xf32>
      %min3A_471 = arith.minimumf %min3A_470, %get3A_13 : vector<152x1024xf32>
      %max3A_472 = vector.broadcast %broadcast_in_dim3A_448 : vector<152x1xf32> to vector<152x1024xf32>
      %max3A_473 = arith.maximumf %max3A_472, %get3A_3 : vector<152x1024xf32>
      %sub3A_474 = arith.subf %min3A_471, %max3A_473 : vector<152x1024xf32>
      %max3A_475 = arith.constant 0.000000e+00 : f32
      %max3A_476 = vector.broadcast %max3A_475 : f32 to vector<152x1024xf32>
      %max3A_477 = arith.maximumf %sub3A_474, %max3A_476 : vector<152x1024xf32>
      %min3A_478 = vector.broadcast %broadcast_in_dim3A_466 : vector<152x1xf32> to vector<152x1024xf32>
      %min3A_479 = arith.minimumf %min3A_478, %get3A_18 : vector<152x1024xf32>
      %max3A_480 = vector.broadcast %broadcast_in_dim3A_454 : vector<152x1xf32> to vector<152x1024xf32>
      %max3A_481 = arith.maximumf %max3A_480, %get3A_8 : vector<152x1024xf32>
      %sub3A_482 = arith.subf %min3A_479, %max3A_481 : vector<152x1024xf32>
      %max3A_483 = arith.constant 0.000000e+00 : f32
      %max3A_484 = vector.broadcast %max3A_483 : f32 to vector<152x1024xf32>
      %max3A_485 = arith.maximumf %sub3A_482, %max3A_484 : vector<152x1024xf32>
      %mul3A_486 = arith.mulf %max3A_477, %max3A_485 : vector<152x1024xf32>
      %add3A_487 = vector.broadcast %mul3A_469 : vector<152x1xf32> to vector<152x1024xf32>
      %add3A_488 = arith.addf %add3A_487, %mul3A : vector<152x1024xf32>
      %sub3A_489 = arith.subf %add3A_488, %mul3A_486 : vector<152x1024xf32>
      %max3A_490 = arith.constant 1.000000e-10 : f32
      %max3A_491 = vector.broadcast %max3A_490 : f32 to vector<152x1024xf32>
      %max3A_492 = arith.maximumf %sub3A_489, %max3A_491 : vector<152x1024xf32>
      %div3A_493 = arith.divf %mul3A_486, %max3A_492 : vector<152x1024xf32>
      %gt3A_494 = arith.constant 3.000000e-01 : f32
      %gt3A_495 = vector.broadcast %gt3A_494 : f32 to vector<152x1024xf32>
      %gt3A_496 = arith.cmpf ogt, %div3A_493, %gt3A_495 : vector<152x1024xf32>
      %and3A_497 = vector.broadcast %gt3A_432 : vector<152x1xi1> to vector<152x1024xi1>
      %and3A_498 = arith.andi %gt3A_496, %and3A_497 : vector<152x1024xi1>
      %and3A_499 = vector.broadcast %gt3A_432 : vector<152x1xi1> to vector<152x1024xi1>
      %and3A_500 = arith.andi %eq3A_442, %and3A_499 : vector<152x1024xi1>
      %neg3A_501 = arith.constant 0.000000e+00 : f32
      %neg3A_502 = vector.broadcast %neg3A_501 : f32 to vector<152x1xf32>
      %neg3A_503 = arith.subf %neg3A_502, %broadcast_in_dim3A_429 : vector<152x1xf32>
      %jit3A_504 = arith.constant -1.000000e+30 : f32
      %broadcast_in_dim3A_505 = vector.broadcast %jit3A_504 : f32 to vector<152x1024xf32>
      %select_n3A_506 = arith.select %and3A_498, %broadcast_in_dim3A_505, %select_n3A_414 : vector<152x1024xi1>, vector<152x1024xf32>
      %broadcast_in_dim3A_507 = vector.shape_cast %neg3A_503 : vector<152x1xf32> to vector<152x1xf32>
      %broadcast_in_dim3A_508 = vector.broadcast %broadcast_in_dim3A_507 : vector<152x1xf32> to vector<152x1024xf32>
      %select_n3A_509 = arith.select %and3A_500, %broadcast_in_dim3A_508, %select_n3A_506 : vector<152x1024xi1>, vector<152x1024xf32>
      %reduce_or3A_510 = arith.constant 1.000000e+00 : f32
      %reduce_or3A_511 = arith.constant 0.000000e+00 : f32
      %reduce_or3A_512 = vector.broadcast %reduce_or3A_510 : f32 to vector<152x1xf32>
      %reduce_or3A_513 = vector.broadcast %reduce_or3A_511 : f32 to vector<152x1xf32>
      %reduce_or3A_514 = arith.select %gt3A_432, %reduce_or3A_512, %reduce_or3A_513 : vector<152x1xi1>, vector<152x1xf32>
      %reduce_or3A_515 = vector.shape_cast %reduce_or3A_514 : vector<152x1xf32> to vector<1x152x1xf32>
      %reduce_or3A_516 = arith.constant dense<0xFF800000> : vector<1xf32>
      %reduce_or3A_517 = vector.multi_reduction <maximumf>, %reduce_or3A_515, %reduce_or3A_516 [1, 2] : vector<1x152x1xf32> to vector<1xf32>
      %reduce_or3A_518 = vector.shape_cast %reduce_or3A_517 : vector<1xf32> to vector<1x1x1xf32>
      %reduce_or3A_519 = vector.extract %reduce_or3A_518[0, 0, 0] : f32 from vector<1x1x1xf32>
      %reduce_or3A_520 = arith.constant 0.000000e+00 : f32
      %reduce_or3A_521 = arith.cmpf ogt, %reduce_or3A_519, %reduce_or3A_520 : f32
      %reduce_max3A_522 = arith.constant dense<0xFF800000> : vector<152xf32>
      %reduce_max3A_523 = vector.multi_reduction <maximumf>, %select_n3A_509, %reduce_max3A_522 [1] : vector<152x1024xf32> to vector<152xf32>
      %broadcast_in_dim3A_524 = vector.shape_cast %reduce_max3A_523 : vector<152xf32> to vector<152x1xf32>
      %gt3A_525 = arith.constant 0.000000e+00 : f32
      %gt3A_526 = vector.broadcast %gt3A_525 : f32 to vector<152x1xf32>
      %gt3A_527 = arith.cmpf ogt, %broadcast_in_dim3A_524, %gt3A_526 : vector<152x1xf32>
      %eq3A_528 = vector.broadcast %broadcast_in_dim3A_524 : vector<152x1xf32> to vector<152x1024xf32>
      %eq3A_529 = arith.cmpf oeq, %select_n3A_509, %eq3A_528 : vector<152x1024xf32>
      %jit3A_530 = arith.constant 1023 : i32
      %broadcast_in_dim3A_531 = vector.broadcast %jit3A_530 : i32 to vector<152x1024xi32>
      %select_n3A_532 = arith.select %eq3A_529, %iota3A, %broadcast_in_dim3A_531 : vector<152x1024xi1>, vector<152x1024xi32>
      %reduce_min3A_533 = arith.constant dense<2147483647> : vector<152xi32>
      %reduce_min3A_534 = vector.multi_reduction <minsi>, %select_n3A_532, %reduce_min3A_533 [1] : vector<152x1024xi32> to vector<152xi32>
      %broadcast_in_dim3A_535 = vector.shape_cast %reduce_min3A_534 : vector<152xi32> to vector<152x1xi32>
      %eq3A_536 = vector.broadcast %broadcast_in_dim3A_535 : vector<152x1xi32> to vector<152x1024xi32>
      %eq3A_537 = arith.cmpi eq, %iota3A, %eq3A_536 : vector<152x1024xi32>
      %jit3A_538 = arith.constant 0.000000e+00 : f32
      %broadcast_in_dim3A_539 = vector.broadcast %jit3A_538 : f32 to vector<152x1024xf32>
      %select_n3A_540 = arith.select %eq3A_537, %get3A_3, %broadcast_in_dim3A_539 : vector<152x1024xi1>, vector<152x1024xf32>
      %reduce_sum3A_541 = arith.constant dense<0.000000e+00> : vector<152xf32>
      %reduce_sum3A_542 = vector.multi_reduction <add>, %select_n3A_540, %reduce_sum3A_541 [1] : vector<152x1024xf32> to vector<152xf32>
      %broadcast_in_dim3A_543 = vector.shape_cast %reduce_sum3A_542 : vector<152xf32> to vector<152x1xf32>
      %jit3A_544 = arith.constant 0.000000e+00 : f32
      %broadcast_in_dim3A_545 = vector.broadcast %jit3A_544 : f32 to vector<152x1024xf32>
      %select_n3A_546 = arith.select %eq3A_537, %get3A_8, %broadcast_in_dim3A_545 : vector<152x1024xi1>, vector<152x1024xf32>
      %reduce_sum3A_547 = arith.constant dense<0.000000e+00> : vector<152xf32>
      %reduce_sum3A_548 = vector.multi_reduction <add>, %select_n3A_546, %reduce_sum3A_547 [1] : vector<152x1024xf32> to vector<152xf32>
      %broadcast_in_dim3A_549 = vector.shape_cast %reduce_sum3A_548 : vector<152xf32> to vector<152x1xf32>
      %jit3A_550 = arith.constant 0.000000e+00 : f32
      %broadcast_in_dim3A_551 = vector.broadcast %jit3A_550 : f32 to vector<152x1024xf32>
      %select_n3A_552 = arith.select %eq3A_537, %get3A_13, %broadcast_in_dim3A_551 : vector<152x1024xi1>, vector<152x1024xf32>
      %reduce_sum3A_553 = arith.constant dense<0.000000e+00> : vector<152xf32>
      %reduce_sum3A_554 = vector.multi_reduction <add>, %select_n3A_552, %reduce_sum3A_553 [1] : vector<152x1024xf32> to vector<152xf32>
      %broadcast_in_dim3A_555 = vector.shape_cast %reduce_sum3A_554 : vector<152xf32> to vector<152x1xf32>
      %jit3A_556 = arith.constant 0.000000e+00 : f32
      %broadcast_in_dim3A_557 = vector.broadcast %jit3A_556 : f32 to vector<152x1024xf32>
      %select_n3A_558 = arith.select %eq3A_537, %get3A_18, %broadcast_in_dim3A_557 : vector<152x1024xi1>, vector<152x1024xf32>
      %reduce_sum3A_559 = arith.constant dense<0.000000e+00> : vector<152xf32>
      %reduce_sum3A_560 = vector.multi_reduction <add>, %select_n3A_558, %reduce_sum3A_559 [1] : vector<152x1024xf32> to vector<152xf32>
      %broadcast_in_dim3A_561 = vector.shape_cast %reduce_sum3A_560 : vector<152xf32> to vector<152x1xf32>
      %sub3A_562 = arith.subf %broadcast_in_dim3A_555, %broadcast_in_dim3A_543 : vector<152x1xf32>
      %sub3A_563 = arith.subf %broadcast_in_dim3A_561, %broadcast_in_dim3A_549 : vector<152x1xf32>
      %mul3A_564 = arith.mulf %sub3A_562, %sub3A_563 : vector<152x1xf32>
      %min3A_565 = vector.broadcast %broadcast_in_dim3A_555 : vector<152x1xf32> to vector<152x1024xf32>
      %min3A_566 = arith.minimumf %min3A_565, %get3A_13 : vector<152x1024xf32>
      %max3A_567 = vector.broadcast %broadcast_in_dim3A_543 : vector<152x1xf32> to vector<152x1024xf32>
      %max3A_568 = arith.maximumf %max3A_567, %get3A_3 : vector<152x1024xf32>
      %sub3A_569 = arith.subf %min3A_566, %max3A_568 : vector<152x1024xf32>
      %max3A_570 = arith.constant 0.000000e+00 : f32
      %max3A_571 = vector.broadcast %max3A_570 : f32 to vector<152x1024xf32>
      %max3A_572 = arith.maximumf %sub3A_569, %max3A_571 : vector<152x1024xf32>
      %min3A_573 = vector.broadcast %broadcast_in_dim3A_561 : vector<152x1xf32> to vector<152x1024xf32>
      %min3A_574 = arith.minimumf %min3A_573, %get3A_18 : vector<152x1024xf32>
      %max3A_575 = vector.broadcast %broadcast_in_dim3A_549 : vector<152x1xf32> to vector<152x1024xf32>
      %max3A_576 = arith.maximumf %max3A_575, %get3A_8 : vector<152x1024xf32>
      %sub3A_577 = arith.subf %min3A_574, %max3A_576 : vector<152x1024xf32>
      %max3A_578 = arith.constant 0.000000e+00 : f32
      %max3A_579 = vector.broadcast %max3A_578 : f32 to vector<152x1024xf32>
      %max3A_580 = arith.maximumf %sub3A_577, %max3A_579 : vector<152x1024xf32>
      %mul3A_581 = arith.mulf %max3A_572, %max3A_580 : vector<152x1024xf32>
      %add3A_582 = vector.broadcast %mul3A_564 : vector<152x1xf32> to vector<152x1024xf32>
      %add3A_583 = arith.addf %add3A_582, %mul3A : vector<152x1024xf32>
      %sub3A_584 = arith.subf %add3A_583, %mul3A_581 : vector<152x1024xf32>
      %max3A_585 = arith.constant 1.000000e-10 : f32
      %max3A_586 = vector.broadcast %max3A_585 : f32 to vector<152x1024xf32>
      %max3A_587 = arith.maximumf %sub3A_584, %max3A_586 : vector<152x1024xf32>
      %div3A_588 = arith.divf %mul3A_581, %max3A_587 : vector<152x1024xf32>
      %gt3A_589 = arith.constant 3.000000e-01 : f32
      %gt3A_590 = vector.broadcast %gt3A_589 : f32 to vector<152x1024xf32>
      %gt3A_591 = arith.cmpf ogt, %div3A_588, %gt3A_590 : vector<152x1024xf32>
      %and3A_592 = vector.broadcast %gt3A_527 : vector<152x1xi1> to vector<152x1024xi1>
      %and3A_593 = arith.andi %gt3A_591, %and3A_592 : vector<152x1024xi1>
      %and3A_594 = vector.broadcast %gt3A_527 : vector<152x1xi1> to vector<152x1024xi1>
      %and3A_595 = arith.andi %eq3A_537, %and3A_594 : vector<152x1024xi1>
      %neg3A_596 = arith.constant 0.000000e+00 : f32
      %neg3A_597 = vector.broadcast %neg3A_596 : f32 to vector<152x1xf32>
      %neg3A_598 = arith.subf %neg3A_597, %broadcast_in_dim3A_524 : vector<152x1xf32>
      %jit3A_599 = arith.constant -1.000000e+30 : f32
      %broadcast_in_dim3A_600 = vector.broadcast %jit3A_599 : f32 to vector<152x1024xf32>
      %select_n3A_601 = arith.select %and3A_593, %broadcast_in_dim3A_600, %select_n3A_509 : vector<152x1024xi1>, vector<152x1024xf32>
      %broadcast_in_dim3A_602 = vector.shape_cast %neg3A_598 : vector<152x1xf32> to vector<152x1xf32>
      %broadcast_in_dim3A_603 = vector.broadcast %broadcast_in_dim3A_602 : vector<152x1xf32> to vector<152x1024xf32>
      %select_n3A_604 = arith.select %and3A_595, %broadcast_in_dim3A_603, %select_n3A_601 : vector<152x1024xi1>, vector<152x1024xf32>
      %reduce_or3A_605 = arith.constant 1.000000e+00 : f32
      %reduce_or3A_606 = arith.constant 0.000000e+00 : f32
      %reduce_or3A_607 = vector.broadcast %reduce_or3A_605 : f32 to vector<152x1xf32>
      %reduce_or3A_608 = vector.broadcast %reduce_or3A_606 : f32 to vector<152x1xf32>
      %reduce_or3A_609 = arith.select %gt3A_527, %reduce_or3A_607, %reduce_or3A_608 : vector<152x1xi1>, vector<152x1xf32>
      %reduce_or3A_610 = vector.shape_cast %reduce_or3A_609 : vector<152x1xf32> to vector<1x152x1xf32>
      %reduce_or3A_611 = arith.constant dense<0xFF800000> : vector<1xf32>
      %reduce_or3A_612 = vector.multi_reduction <maximumf>, %reduce_or3A_610, %reduce_or3A_611 [1, 2] : vector<1x152x1xf32> to vector<1xf32>
      %reduce_or3A_613 = vector.shape_cast %reduce_or3A_612 : vector<1xf32> to vector<1x1x1xf32>
      %reduce_or3A_614 = vector.extract %reduce_or3A_613[0, 0, 0] : f32 from vector<1x1x1xf32>
      %reduce_or3A_615 = arith.constant 0.000000e+00 : f32
      %reduce_or3A_616 = arith.cmpf ogt, %reduce_or3A_614, %reduce_or3A_615 : f32
      %reduce_max3A_617 = arith.constant dense<0xFF800000> : vector<152xf32>
      %reduce_max3A_618 = vector.multi_reduction <maximumf>, %select_n3A_604, %reduce_max3A_617 [1] : vector<152x1024xf32> to vector<152xf32>
      %broadcast_in_dim3A_619 = vector.shape_cast %reduce_max3A_618 : vector<152xf32> to vector<152x1xf32>
      %gt3A_620 = arith.constant 0.000000e+00 : f32
      %gt3A_621 = vector.broadcast %gt3A_620 : f32 to vector<152x1xf32>
      %gt3A_622 = arith.cmpf ogt, %broadcast_in_dim3A_619, %gt3A_621 : vector<152x1xf32>
      %eq3A_623 = vector.broadcast %broadcast_in_dim3A_619 : vector<152x1xf32> to vector<152x1024xf32>
      %eq3A_624 = arith.cmpf oeq, %select_n3A_604, %eq3A_623 : vector<152x1024xf32>
      %jit3A_625 = arith.constant 1023 : i32
      %broadcast_in_dim3A_626 = vector.broadcast %jit3A_625 : i32 to vector<152x1024xi32>
      %select_n3A_627 = arith.select %eq3A_624, %iota3A, %broadcast_in_dim3A_626 : vector<152x1024xi1>, vector<152x1024xi32>
      %reduce_min3A_628 = arith.constant dense<2147483647> : vector<152xi32>
      %reduce_min3A_629 = vector.multi_reduction <minsi>, %select_n3A_627, %reduce_min3A_628 [1] : vector<152x1024xi32> to vector<152xi32>
      %broadcast_in_dim3A_630 = vector.shape_cast %reduce_min3A_629 : vector<152xi32> to vector<152x1xi32>
      %eq3A_631 = vector.broadcast %broadcast_in_dim3A_630 : vector<152x1xi32> to vector<152x1024xi32>
      %eq3A_632 = arith.cmpi eq, %iota3A, %eq3A_631 : vector<152x1024xi32>
      %jit3A_633 = arith.constant 0.000000e+00 : f32
      %broadcast_in_dim3A_634 = vector.broadcast %jit3A_633 : f32 to vector<152x1024xf32>
      %select_n3A_635 = arith.select %eq3A_632, %get3A_3, %broadcast_in_dim3A_634 : vector<152x1024xi1>, vector<152x1024xf32>
      %reduce_sum3A_636 = arith.constant dense<0.000000e+00> : vector<152xf32>
      %reduce_sum3A_637 = vector.multi_reduction <add>, %select_n3A_635, %reduce_sum3A_636 [1] : vector<152x1024xf32> to vector<152xf32>
      %broadcast_in_dim3A_638 = vector.shape_cast %reduce_sum3A_637 : vector<152xf32> to vector<152x1xf32>
      %jit3A_639 = arith.constant 0.000000e+00 : f32
      %broadcast_in_dim3A_640 = vector.broadcast %jit3A_639 : f32 to vector<152x1024xf32>
      %select_n3A_641 = arith.select %eq3A_632, %get3A_8, %broadcast_in_dim3A_640 : vector<152x1024xi1>, vector<152x1024xf32>
      %reduce_sum3A_642 = arith.constant dense<0.000000e+00> : vector<152xf32>
      %reduce_sum3A_643 = vector.multi_reduction <add>, %select_n3A_641, %reduce_sum3A_642 [1] : vector<152x1024xf32> to vector<152xf32>
      %broadcast_in_dim3A_644 = vector.shape_cast %reduce_sum3A_643 : vector<152xf32> to vector<152x1xf32>
      %jit3A_645 = arith.constant 0.000000e+00 : f32
      %broadcast_in_dim3A_646 = vector.broadcast %jit3A_645 : f32 to vector<152x1024xf32>
      %select_n3A_647 = arith.select %eq3A_632, %get3A_13, %broadcast_in_dim3A_646 : vector<152x1024xi1>, vector<152x1024xf32>
      %reduce_sum3A_648 = arith.constant dense<0.000000e+00> : vector<152xf32>
      %reduce_sum3A_649 = vector.multi_reduction <add>, %select_n3A_647, %reduce_sum3A_648 [1] : vector<152x1024xf32> to vector<152xf32>
      %broadcast_in_dim3A_650 = vector.shape_cast %reduce_sum3A_649 : vector<152xf32> to vector<152x1xf32>
      %jit3A_651 = arith.constant 0.000000e+00 : f32
      %broadcast_in_dim3A_652 = vector.broadcast %jit3A_651 : f32 to vector<152x1024xf32>
      %select_n3A_653 = arith.select %eq3A_632, %get3A_18, %broadcast_in_dim3A_652 : vector<152x1024xi1>, vector<152x1024xf32>
      %reduce_sum3A_654 = arith.constant dense<0.000000e+00> : vector<152xf32>
      %reduce_sum3A_655 = vector.multi_reduction <add>, %select_n3A_653, %reduce_sum3A_654 [1] : vector<152x1024xf32> to vector<152xf32>
      %broadcast_in_dim3A_656 = vector.shape_cast %reduce_sum3A_655 : vector<152xf32> to vector<152x1xf32>
      %sub3A_657 = arith.subf %broadcast_in_dim3A_650, %broadcast_in_dim3A_638 : vector<152x1xf32>
      %sub3A_658 = arith.subf %broadcast_in_dim3A_656, %broadcast_in_dim3A_644 : vector<152x1xf32>
      %mul3A_659 = arith.mulf %sub3A_657, %sub3A_658 : vector<152x1xf32>
      %min3A_660 = vector.broadcast %broadcast_in_dim3A_650 : vector<152x1xf32> to vector<152x1024xf32>
      %min3A_661 = arith.minimumf %min3A_660, %get3A_13 : vector<152x1024xf32>
      %max3A_662 = vector.broadcast %broadcast_in_dim3A_638 : vector<152x1xf32> to vector<152x1024xf32>
      %max3A_663 = arith.maximumf %max3A_662, %get3A_3 : vector<152x1024xf32>
      %sub3A_664 = arith.subf %min3A_661, %max3A_663 : vector<152x1024xf32>
      %max3A_665 = arith.constant 0.000000e+00 : f32
      %max3A_666 = vector.broadcast %max3A_665 : f32 to vector<152x1024xf32>
      %max3A_667 = arith.maximumf %sub3A_664, %max3A_666 : vector<152x1024xf32>
      %min3A_668 = vector.broadcast %broadcast_in_dim3A_656 : vector<152x1xf32> to vector<152x1024xf32>
      %min3A_669 = arith.minimumf %min3A_668, %get3A_18 : vector<152x1024xf32>
      %max3A_670 = vector.broadcast %broadcast_in_dim3A_644 : vector<152x1xf32> to vector<152x1024xf32>
      %max3A_671 = arith.maximumf %max3A_670, %get3A_8 : vector<152x1024xf32>
      %sub3A_672 = arith.subf %min3A_669, %max3A_671 : vector<152x1024xf32>
      %max3A_673 = arith.constant 0.000000e+00 : f32
      %max3A_674 = vector.broadcast %max3A_673 : f32 to vector<152x1024xf32>
      %max3A_675 = arith.maximumf %sub3A_672, %max3A_674 : vector<152x1024xf32>
      %mul3A_676 = arith.mulf %max3A_667, %max3A_675 : vector<152x1024xf32>
      %add3A_677 = vector.broadcast %mul3A_659 : vector<152x1xf32> to vector<152x1024xf32>
      %add3A_678 = arith.addf %add3A_677, %mul3A : vector<152x1024xf32>
      %sub3A_679 = arith.subf %add3A_678, %mul3A_676 : vector<152x1024xf32>
      %max3A_680 = arith.constant 1.000000e-10 : f32
      %max3A_681 = vector.broadcast %max3A_680 : f32 to vector<152x1024xf32>
      %max3A_682 = arith.maximumf %sub3A_679, %max3A_681 : vector<152x1024xf32>
      %div3A_683 = arith.divf %mul3A_676, %max3A_682 : vector<152x1024xf32>
      %gt3A_684 = arith.constant 3.000000e-01 : f32
      %gt3A_685 = vector.broadcast %gt3A_684 : f32 to vector<152x1024xf32>
      %gt3A_686 = arith.cmpf ogt, %div3A_683, %gt3A_685 : vector<152x1024xf32>
      %and3A_687 = vector.broadcast %gt3A_622 : vector<152x1xi1> to vector<152x1024xi1>
      %and3A_688 = arith.andi %gt3A_686, %and3A_687 : vector<152x1024xi1>
      %and3A_689 = vector.broadcast %gt3A_622 : vector<152x1xi1> to vector<152x1024xi1>
      %and3A_690 = arith.andi %eq3A_632, %and3A_689 : vector<152x1024xi1>
      %neg3A_691 = arith.constant 0.000000e+00 : f32
      %neg3A_692 = vector.broadcast %neg3A_691 : f32 to vector<152x1xf32>
      %neg3A_693 = arith.subf %neg3A_692, %broadcast_in_dim3A_619 : vector<152x1xf32>
      %jit3A_694 = arith.constant -1.000000e+30 : f32
      %broadcast_in_dim3A_695 = vector.broadcast %jit3A_694 : f32 to vector<152x1024xf32>
      %select_n3A_696 = arith.select %and3A_688, %broadcast_in_dim3A_695, %select_n3A_604 : vector<152x1024xi1>, vector<152x1024xf32>
      %broadcast_in_dim3A_697 = vector.shape_cast %neg3A_693 : vector<152x1xf32> to vector<152x1xf32>
      %broadcast_in_dim3A_698 = vector.broadcast %broadcast_in_dim3A_697 : vector<152x1xf32> to vector<152x1024xf32>
      %select_n3A_699 = arith.select %and3A_690, %broadcast_in_dim3A_698, %select_n3A_696 : vector<152x1024xi1>, vector<152x1024xf32>
      %reduce_or3A_700 = arith.constant 1.000000e+00 : f32
      %reduce_or3A_701 = arith.constant 0.000000e+00 : f32
      %reduce_or3A_702 = vector.broadcast %reduce_or3A_700 : f32 to vector<152x1xf32>
      %reduce_or3A_703 = vector.broadcast %reduce_or3A_701 : f32 to vector<152x1xf32>
      %reduce_or3A_704 = arith.select %gt3A_622, %reduce_or3A_702, %reduce_or3A_703 : vector<152x1xi1>, vector<152x1xf32>
      %reduce_or3A_705 = vector.shape_cast %reduce_or3A_704 : vector<152x1xf32> to vector<1x152x1xf32>
      %reduce_or3A_706 = arith.constant dense<0xFF800000> : vector<1xf32>
      %reduce_or3A_707 = vector.multi_reduction <maximumf>, %reduce_or3A_705, %reduce_or3A_706 [1, 2] : vector<1x152x1xf32> to vector<1xf32>
      %reduce_or3A_708 = vector.shape_cast %reduce_or3A_707 : vector<1xf32> to vector<1x1x1xf32>
      %reduce_or3A_709 = vector.extract %reduce_or3A_708[0, 0, 0] : f32 from vector<1x1x1xf32>
      %reduce_or3A_710 = arith.constant 0.000000e+00 : f32
      %reduce_or3A_711 = arith.cmpf ogt, %reduce_or3A_709, %reduce_or3A_710 : f32
      %reduce_max3A_712 = arith.constant dense<0xFF800000> : vector<152xf32>
      %reduce_max3A_713 = vector.multi_reduction <maximumf>, %select_n3A_699, %reduce_max3A_712 [1] : vector<152x1024xf32> to vector<152xf32>
      %broadcast_in_dim3A_714 = vector.shape_cast %reduce_max3A_713 : vector<152xf32> to vector<152x1xf32>
      %gt3A_715 = arith.constant 0.000000e+00 : f32
      %gt3A_716 = vector.broadcast %gt3A_715 : f32 to vector<152x1xf32>
      %gt3A_717 = arith.cmpf ogt, %broadcast_in_dim3A_714, %gt3A_716 : vector<152x1xf32>
      %eq3A_718 = vector.broadcast %broadcast_in_dim3A_714 : vector<152x1xf32> to vector<152x1024xf32>
      %eq3A_719 = arith.cmpf oeq, %select_n3A_699, %eq3A_718 : vector<152x1024xf32>
      %jit3A_720 = arith.constant 1023 : i32
      %broadcast_in_dim3A_721 = vector.broadcast %jit3A_720 : i32 to vector<152x1024xi32>
      %select_n3A_722 = arith.select %eq3A_719, %iota3A, %broadcast_in_dim3A_721 : vector<152x1024xi1>, vector<152x1024xi32>
      %reduce_min3A_723 = arith.constant dense<2147483647> : vector<152xi32>
      %reduce_min3A_724 = vector.multi_reduction <minsi>, %select_n3A_722, %reduce_min3A_723 [1] : vector<152x1024xi32> to vector<152xi32>
      %broadcast_in_dim3A_725 = vector.shape_cast %reduce_min3A_724 : vector<152xi32> to vector<152x1xi32>
      %eq3A_726 = vector.broadcast %broadcast_in_dim3A_725 : vector<152x1xi32> to vector<152x1024xi32>
      %eq3A_727 = arith.cmpi eq, %iota3A, %eq3A_726 : vector<152x1024xi32>
      %jit3A_728 = arith.constant 0.000000e+00 : f32
      %broadcast_in_dim3A_729 = vector.broadcast %jit3A_728 : f32 to vector<152x1024xf32>
      %select_n3A_730 = arith.select %eq3A_727, %get3A_3, %broadcast_in_dim3A_729 : vector<152x1024xi1>, vector<152x1024xf32>
      %reduce_sum3A_731 = arith.constant dense<0.000000e+00> : vector<152xf32>
      %reduce_sum3A_732 = vector.multi_reduction <add>, %select_n3A_730, %reduce_sum3A_731 [1] : vector<152x1024xf32> to vector<152xf32>
      %broadcast_in_dim3A_733 = vector.shape_cast %reduce_sum3A_732 : vector<152xf32> to vector<152x1xf32>
      %jit3A_734 = arith.constant 0.000000e+00 : f32
      %broadcast_in_dim3A_735 = vector.broadcast %jit3A_734 : f32 to vector<152x1024xf32>
      %select_n3A_736 = arith.select %eq3A_727, %get3A_8, %broadcast_in_dim3A_735 : vector<152x1024xi1>, vector<152x1024xf32>
      %reduce_sum3A_737 = arith.constant dense<0.000000e+00> : vector<152xf32>
      %reduce_sum3A_738 = vector.multi_reduction <add>, %select_n3A_736, %reduce_sum3A_737 [1] : vector<152x1024xf32> to vector<152xf32>
      %broadcast_in_dim3A_739 = vector.shape_cast %reduce_sum3A_738 : vector<152xf32> to vector<152x1xf32>
      %jit3A_740 = arith.constant 0.000000e+00 : f32
      %broadcast_in_dim3A_741 = vector.broadcast %jit3A_740 : f32 to vector<152x1024xf32>
      %select_n3A_742 = arith.select %eq3A_727, %get3A_13, %broadcast_in_dim3A_741 : vector<152x1024xi1>, vector<152x1024xf32>
      %reduce_sum3A_743 = arith.constant dense<0.000000e+00> : vector<152xf32>
      %reduce_sum3A_744 = vector.multi_reduction <add>, %select_n3A_742, %reduce_sum3A_743 [1] : vector<152x1024xf32> to vector<152xf32>
      %broadcast_in_dim3A_745 = vector.shape_cast %reduce_sum3A_744 : vector<152xf32> to vector<152x1xf32>
      %jit3A_746 = arith.constant 0.000000e+00 : f32
      %broadcast_in_dim3A_747 = vector.broadcast %jit3A_746 : f32 to vector<152x1024xf32>
      %select_n3A_748 = arith.select %eq3A_727, %get3A_18, %broadcast_in_dim3A_747 : vector<152x1024xi1>, vector<152x1024xf32>
      %reduce_sum3A_749 = arith.constant dense<0.000000e+00> : vector<152xf32>
      %reduce_sum3A_750 = vector.multi_reduction <add>, %select_n3A_748, %reduce_sum3A_749 [1] : vector<152x1024xf32> to vector<152xf32>
      %broadcast_in_dim3A_751 = vector.shape_cast %reduce_sum3A_750 : vector<152xf32> to vector<152x1xf32>
      %sub3A_752 = arith.subf %broadcast_in_dim3A_745, %broadcast_in_dim3A_733 : vector<152x1xf32>
      %sub3A_753 = arith.subf %broadcast_in_dim3A_751, %broadcast_in_dim3A_739 : vector<152x1xf32>
      %mul3A_754 = arith.mulf %sub3A_752, %sub3A_753 : vector<152x1xf32>
      %min3A_755 = vector.broadcast %broadcast_in_dim3A_745 : vector<152x1xf32> to vector<152x1024xf32>
      %min3A_756 = arith.minimumf %min3A_755, %get3A_13 : vector<152x1024xf32>
      %max3A_757 = vector.broadcast %broadcast_in_dim3A_733 : vector<152x1xf32> to vector<152x1024xf32>
      %max3A_758 = arith.maximumf %max3A_757, %get3A_3 : vector<152x1024xf32>
      %sub3A_759 = arith.subf %min3A_756, %max3A_758 : vector<152x1024xf32>
      %max3A_760 = arith.constant 0.000000e+00 : f32
      %max3A_761 = vector.broadcast %max3A_760 : f32 to vector<152x1024xf32>
      %max3A_762 = arith.maximumf %sub3A_759, %max3A_761 : vector<152x1024xf32>
      %min3A_763 = vector.broadcast %broadcast_in_dim3A_751 : vector<152x1xf32> to vector<152x1024xf32>
      %min3A_764 = arith.minimumf %min3A_763, %get3A_18 : vector<152x1024xf32>
      %max3A_765 = vector.broadcast %broadcast_in_dim3A_739 : vector<152x1xf32> to vector<152x1024xf32>
      %max3A_766 = arith.maximumf %max3A_765, %get3A_8 : vector<152x1024xf32>
      %sub3A_767 = arith.subf %min3A_764, %max3A_766 : vector<152x1024xf32>
      %max3A_768 = arith.constant 0.000000e+00 : f32
      %max3A_769 = vector.broadcast %max3A_768 : f32 to vector<152x1024xf32>
      %max3A_770 = arith.maximumf %sub3A_767, %max3A_769 : vector<152x1024xf32>
      %mul3A_771 = arith.mulf %max3A_762, %max3A_770 : vector<152x1024xf32>
      %add3A_772 = vector.broadcast %mul3A_754 : vector<152x1xf32> to vector<152x1024xf32>
      %add3A_773 = arith.addf %add3A_772, %mul3A : vector<152x1024xf32>
      %sub3A_774 = arith.subf %add3A_773, %mul3A_771 : vector<152x1024xf32>
      %max3A_775 = arith.constant 1.000000e-10 : f32
      %max3A_776 = vector.broadcast %max3A_775 : f32 to vector<152x1024xf32>
      %max3A_777 = arith.maximumf %sub3A_774, %max3A_776 : vector<152x1024xf32>
      %div3A_778 = arith.divf %mul3A_771, %max3A_777 : vector<152x1024xf32>
      %gt3A_779 = arith.constant 3.000000e-01 : f32
      %gt3A_780 = vector.broadcast %gt3A_779 : f32 to vector<152x1024xf32>
      %gt3A_781 = arith.cmpf ogt, %div3A_778, %gt3A_780 : vector<152x1024xf32>
      %and3A_782 = vector.broadcast %gt3A_717 : vector<152x1xi1> to vector<152x1024xi1>
      %and3A_783 = arith.andi %gt3A_781, %and3A_782 : vector<152x1024xi1>
      %and3A_784 = vector.broadcast %gt3A_717 : vector<152x1xi1> to vector<152x1024xi1>
      %and3A_785 = arith.andi %eq3A_727, %and3A_784 : vector<152x1024xi1>
      %neg3A_786 = arith.constant 0.000000e+00 : f32
      %neg3A_787 = vector.broadcast %neg3A_786 : f32 to vector<152x1xf32>
      %neg3A_788 = arith.subf %neg3A_787, %broadcast_in_dim3A_714 : vector<152x1xf32>
      %jit3A_789 = arith.constant -1.000000e+30 : f32
      %broadcast_in_dim3A_790 = vector.broadcast %jit3A_789 : f32 to vector<152x1024xf32>
      %select_n3A_791 = arith.select %and3A_783, %broadcast_in_dim3A_790, %select_n3A_699 : vector<152x1024xi1>, vector<152x1024xf32>
      %broadcast_in_dim3A_792 = vector.shape_cast %neg3A_788 : vector<152x1xf32> to vector<152x1xf32>
      %broadcast_in_dim3A_793 = vector.broadcast %broadcast_in_dim3A_792 : vector<152x1xf32> to vector<152x1024xf32>
      %select_n3A_794 = arith.select %and3A_785, %broadcast_in_dim3A_793, %select_n3A_791 : vector<152x1024xi1>, vector<152x1024xf32>
      %reduce_or3A_795 = arith.constant 1.000000e+00 : f32
      %reduce_or3A_796 = arith.constant 0.000000e+00 : f32
      %reduce_or3A_797 = vector.broadcast %reduce_or3A_795 : f32 to vector<152x1xf32>
      %reduce_or3A_798 = vector.broadcast %reduce_or3A_796 : f32 to vector<152x1xf32>
      %reduce_or3A_799 = arith.select %gt3A_717, %reduce_or3A_797, %reduce_or3A_798 : vector<152x1xi1>, vector<152x1xf32>
      %reduce_or3A_800 = vector.shape_cast %reduce_or3A_799 : vector<152x1xf32> to vector<1x152x1xf32>
      %reduce_or3A_801 = arith.constant dense<0xFF800000> : vector<1xf32>
      %reduce_or3A_802 = vector.multi_reduction <maximumf>, %reduce_or3A_800, %reduce_or3A_801 [1, 2] : vector<1x152x1xf32> to vector<1xf32>
      %reduce_or3A_803 = vector.shape_cast %reduce_or3A_802 : vector<1xf32> to vector<1x1x1xf32>
      %reduce_or3A_804 = vector.extract %reduce_or3A_803[0, 0, 0] : f32 from vector<1x1x1xf32>
      %reduce_or3A_805 = arith.constant 0.000000e+00 : f32
      %reduce_or3A_806 = arith.cmpf ogt, %reduce_or3A_804, %reduce_or3A_805 : f32
      scf.yield %select_n3A_794, %reduce_or3A_806 : vector<152x1024xf32>, i1
    }
    %gt3A = arith.constant -1.000000e+29 : f32
    %gt3A_32 = vector.broadcast %gt3A : f32 to vector<152x1024xf32>
    %gt3A_33 = arith.cmpf ogt, %while3A_31#0, %gt3A_32 : vector<152x1024xf32>
    %jit3A_34 = arith.constant 0.000000e+00 : f32
    %broadcast_in_dim3A_35 = vector.broadcast %jit3A_34 : f32 to vector<152x1024xf32>
    %select_n3A_36 = arith.select %gt3A_33, %get3A_29, %broadcast_in_dim3A_35 : vector<152x1024xi1>, vector<152x1024xf32>
    %jit3A_37 = arith.constant -1.000000e+00 : f32
    %broadcast_in_dim3A_38 = vector.broadcast %jit3A_37 : f32 to vector<152x1024xf32>
    %select_n3A_39 = arith.select %and3A_26, %select_n3A_36, %broadcast_in_dim3A_38 : vector<152x1024xi1>, vector<152x1024xf32>
    %reduce_max3A = arith.constant dense<0xFF800000> : vector<1024xf32>
    %reduce_max3A_40 = vector.multi_reduction <maximumf>, %select_n3A_39, %reduce_max3A [0] : vector<152x1024xf32> to vector<1024xf32>
    %broadcast_in_dim3A_41 = vector.shape_cast %reduce_max3A_40 : vector<1024xf32> to vector<1x1024xf32>
    %eq3A = vector.broadcast %broadcast_in_dim3A_41 : vector<1x1024xf32> to vector<152x1024xf32>
    %eq3A_42 = arith.cmpf oeq, %select_n3A_39, %eq3A : vector<152x1024xf32>
    %jit3A_43 = arith.constant 2048 : i32
    %broadcast_in_dim3A_44 = vector.broadcast %jit3A_43 : i32 to vector<152x1024xi32>
    %select_n3A_45 = arith.select %eq3A_42, %iota3A_19, %broadcast_in_dim3A_44 : vector<152x1024xi1>, vector<152x1024xi32>
    %reduce_min3A = arith.constant dense<2147483647> : vector<1024xi32>
    %reduce_min3A_46 = vector.multi_reduction <minsi>, %select_n3A_45, %reduce_min3A [0] : vector<152x1024xi32> to vector<1024xi32>
    %broadcast_in_dim3A_47 = vector.shape_cast %reduce_min3A_46 : vector<1024xi32> to vector<1x1024xi32>
    %broadcast_in_dim3A_48 = vector.shape_cast %broadcast_in_dim3A_47 : vector<1x1024xi32> to vector<1x1024xi32>
    %broadcast_in_dim3A_49 = vector.broadcast %broadcast_in_dim3A_48 : vector<1x1024xi32> to vector<8x1024xi32>
    %swap3A = arith.constant 0 : index
    %swap3A_50 = arith.constant 0 : index
    %swap3A_51 = vector.load %arg2[%swap3A, %swap3A_50] : memref<8x1024xi32, #tpu.memory_space<vmem>>, vector<8x1024xi32>
    tpu.vector_store %arg2[%swap3A, %swap3A_50], %broadcast_in_dim3A_49 {strides = array<i32>} : memref<8x1024xi32, #tpu.memory_space<vmem>>, vector<8x1024xi32>,
    return
  }
}

module attributes {stable_mosaic.version = 14 : i64} {
  func.func @_fold_body(%arg0: memref<4096x512xf32, #tpu.memory_space<vmem>>, %arg1: memref<512x512xf32, #tpu.memory_space<vmem>>, %arg2: memref<8x512xf32, #tpu.memory_space<vmem>>, %arg3: memref<8x512xf32, #tpu.memory_space<vmem>>, %arg4: memref<4096x512xbf16, #tpu.memory_space<vmem>>, %arg5: memref<8x512xf32, #tpu.memory_space<vmem>>) attributes {dimension_semantics = [], scalar_prefetch = 0 : i64, scratch_operands = 0 : i64, tpu.core_type = #tpu.core_type<tc>} {
    %get3A = arith.constant 0 : index
    %get3A_0 = arith.constant 0 : index
    %get3A_1 = vector.load %arg0[%get3A, %get3A_0] : memref<4096x512xf32, #tpu.memory_space<vmem>>, vector<4096x512xf32>
    %convert_element_type3A = arith.truncf %get3A_1 : vector<4096x512xf32> to vector<4096x512xbf16>
    %get3A_2 = arith.constant 0 : index
    %get3A_3 = arith.constant 0 : index
    %get3A_4 = vector.load %arg1[%get3A_2, %get3A_3] : memref<512x512xf32, #tpu.memory_space<vmem>>, vector<512x512xf32>
    %convert_element_type3A_5 = arith.truncf %get3A_4 : vector<512x512xf32> to vector<512x512xbf16>
    %dot_general3A = arith.constant dense<0.000000e+00> : vector<4096x512xf32>
    %dot_general3A_6 = tpu.matmul %convert_element_type3A, %convert_element_type3A_5, %dot_general3A {dimension_numbers = #tpu.dot_dimension_numbers<[1], [0], [0], [1], [0, 0, 1, 1], [], []>, transpose_lhs_hint = false} : vector<4096x512xbf16>, vector<512x512xbf16>, vector<4096x512xf32> -> vector<4096x512xf32>
    %convert_element_type3A_7 = arith.truncf %dot_general3A_6 : vector<4096x512xf32> to vector<4096x512xbf16>
    %swap3A = arith.constant 0 : index
    %swap3A_8 = arith.constant 0 : index
    %swap3A_9 = vector.load %arg4[%swap3A, %swap3A_8] : memref<4096x512xbf16, #tpu.memory_space<vmem>>, vector<4096x512xbf16>
    tpu.vector_store %arg4[%swap3A, %swap3A_8], %convert_element_type3A_7 {strides = array<i32>} : memref<4096x512xbf16, #tpu.memory_space<vmem>>, vector<4096x512xbf16>,
    %get3A_10 = arith.constant 0 : index
    %get3A_11 = arith.constant 0 : index
    %get3A_12 = vector.load %arg2[%get3A_10, %get3A_11] : memref<8x512xf32, #tpu.memory_space<vmem>>, vector<8x512xf32>
    %get3A_13 = arith.constant 0 : index
    %get3A_14 = arith.constant 0 : index
    %get3A_15 = vector.load %arg1[%get3A_13, %get3A_14] : memref<512x512xf32, #tpu.memory_space<vmem>>, vector<512x512xf32>
    %dot_general3A_16 = arith.constant dense<0.000000e+00> : vector<8x512xf32>
    %dot_general3A_17 = tpu.matmul %get3A_12, %get3A_15, %dot_general3A_16 {dimension_numbers = #tpu.dot_dimension_numbers<[1], [0], [0], [1], [0, 0, 1, 1], [], []>, transpose_lhs_hint = false} : vector<8x512xf32>, vector<512x512xf32>, vector<8x512xf32> -> vector<8x512xf32>
    %get3A_18 = arith.constant 0 : index
    %get3A_19 = arith.constant 0 : index
    %get3A_20 = vector.load %arg3[%get3A_18, %get3A_19] : memref<8x512xf32, #tpu.memory_space<vmem>>, vector<8x512xf32>
    %add3A = arith.addf %dot_general3A_17, %get3A_20 : vector<8x512xf32>
    %swap3A_21 = arith.constant 0 : index
    %swap3A_22 = arith.constant 0 : index
    %swap3A_23 = vector.load %arg5[%swap3A_21, %swap3A_22] : memref<8x512xf32, #tpu.memory_space<vmem>>, vector<8x512xf32>
    tpu.vector_store %arg5[%swap3A_21, %swap3A_22], %add3A {strides = array<i32>} : memref<8x512xf32, #tpu.memory_space<vmem>>, vector<8x512xf32>,
    return
  }
}

module attributes {stable_mosaic.version = 14 : i64} {
  func.func @_rel_body(%arg0: i32, %arg1: memref<400x4096xf32, #tpu.memory_space<vmem>>, %arg2: memref<4096x512xbf16, #tpu.memory_space<vmem>>, %arg3: memref<400x512xf32, #tpu.memory_space<vmem>>, %arg4: memref<400x512xf32, #tpu.memory_space<vmem>>, %arg5: memref<8x512xf32, #tpu.memory_space<vmem>>, %arg6: memref<512x51xf32, #tpu.memory_space<vmem>>, %arg7: memref<1x51xf32, #tpu.memory_space<vmem>>, %arg8: memref<400x51xf32, #tpu.memory_space<vmem>>) attributes {dimension_semantics = [#tpu.dimension_semantics<arbitrary>], iteration_bounds = array<i64: 25>, scalar_prefetch = 0 : i64, scratch_operands = 0 : i64, tpu.core_type = #tpu.core_type<tc>, window_params = [{transform_indices = @transform_0, window_bounds = array<i64: 400, 4096>}, {pipeline_mode = #tpu.pipeline_mode<synchronous>, transform_indices = @transform_1, window_bounds = array<i64: 4096, 512>}, {transform_indices = @transform_2, window_bounds = array<i64: 400, 512>}, {transform_indices = @transform_3, window_bounds = array<i64: 400, 512>}, {pipeline_mode = #tpu.pipeline_mode<synchronous>, transform_indices = @transform_4, window_bounds = array<i64: 8, 512>}, {pipeline_mode = #tpu.pipeline_mode<synchronous>, transform_indices = @transform_5, window_bounds = array<i64: 512, 51>}, {pipeline_mode = #tpu.pipeline_mode<synchronous>, transform_indices = @transform_6, window_bounds = array<i64: 1, 51>}, {transform_indices = @transform_7, window_bounds = array<i64: 400, 51>}]} {
    %get3A = arith.constant 0 : index
    %get3A_0 = arith.constant 0 : index
    %get3A_1 = vector.load %arg1[%get3A, %get3A_0] : memref<400x4096xf32, #tpu.memory_space<vmem>>, vector<400x4096xf32>
    %convert_element_type3A = arith.truncf %get3A_1 : vector<400x4096xf32> to vector<400x4096xbf16>
    %get3A_2 = arith.constant 0 : index
    %get3A_3 = arith.constant 0 : index
    %get3A_4 = vector.load %arg2[%get3A_2, %get3A_3] : memref<4096x512xbf16, #tpu.memory_space<vmem>>, vector<4096x512xbf16>
    %dot_general3A = arith.constant dense<0.000000e+00> : vector<400x512xf32>
    %dot_general3A_5 = tpu.matmul %convert_element_type3A, %get3A_4, %dot_general3A {dimension_numbers = #tpu.dot_dimension_numbers<[1], [0], [0], [1], [0, 0, 1, 1], [], []>, transpose_lhs_hint = false} : vector<400x4096xbf16>, vector<4096x512xbf16>, vector<400x512xf32> -> vector<400x512xf32>
    %get3A_6 = arith.constant 0 : index
    %get3A_7 = arith.constant 0 : index
    %get3A_8 = vector.load %arg3[%get3A_6, %get3A_7] : memref<400x512xf32, #tpu.memory_space<vmem>>, vector<400x512xf32>
    %add3A = arith.addf %dot_general3A_5, %get3A_8 : vector<400x512xf32>
    %get3A_9 = arith.constant 0 : index
    %get3A_10 = arith.constant 0 : index
    %get3A_11 = vector.load %arg4[%get3A_9, %get3A_10] : memref<400x512xf32, #tpu.memory_space<vmem>>, vector<400x512xf32>
    %add3A_12 = arith.addf %add3A, %get3A_11 : vector<400x512xf32>
    %get3A_13 = arith.constant 0 : index
    %get3A_14 = arith.constant 0 : index
    %get3A_15 = vector.load %arg5[%get3A_13, %get3A_14] : memref<8x512xf32, #tpu.memory_space<vmem>>, vector<1x512xf32>
    %add3A_16 = vector.broadcast %get3A_15 : vector<1x512xf32> to vector<400x512xf32>
    %add3A_17 = arith.addf %add3A_12, %add3A_16 : vector<400x512xf32>
    %max3A = arith.constant 0.000000e+00 : f32
    %max3A_18 = vector.broadcast %max3A : f32 to vector<400x512xf32>
    %max3A_19 = arith.maximumf %add3A_17, %max3A_18 : vector<400x512xf32>
    %get3A_20 = arith.constant 0 : index
    %get3A_21 = arith.constant 0 : index
    %get3A_22 = vector.load %arg6[%get3A_20, %get3A_21] : memref<512x51xf32, #tpu.memory_space<vmem>>, vector<512x51xf32>
    %dot_general3A_23 = arith.constant dense<0.000000e+00> : vector<400x51xf32>
    %dot_general3A_24 = tpu.matmul %max3A_19, %get3A_22, %dot_general3A_23 {dimension_numbers = #tpu.dot_dimension_numbers<[1], [0], [0], [1], [0, 0, 1, 1], [], []>, transpose_lhs_hint = false} : vector<400x512xf32>, vector<512x51xf32>, vector<400x51xf32> -> vector<400x51xf32>
    %get3A_25 = arith.constant 0 : index
    %get3A_26 = arith.constant 0 : index
    %get3A_27 = vector.load %arg7[%get3A_25, %get3A_26] : memref<1x51xf32, #tpu.memory_space<vmem>>, vector<1x51xf32>
    %add3A_28 = vector.broadcast %get3A_27 : vector<1x51xf32> to vector<400x51xf32>
    %add3A_29 = arith.addf %dot_general3A_24, %add3A_28 : vector<400x51xf32>
    %swap3A = arith.constant 0 : index
    %swap3A_30 = arith.constant 0 : index
    %swap3A_31 = vector.load %arg8[%swap3A, %swap3A_30] : memref<400x51xf32, #tpu.memory_space<vmem>>, vector<400x51xf32>
    tpu.vector_store %arg8[%swap3A, %swap3A_30], %add3A_29 {strides = array<i32>} : memref<400x51xf32, #tpu.memory_space<vmem>>, vector<400x51xf32>,
    return
  }
  func.func @transform_0(%arg0: i32) -> (i32, i32) {
    %c0_i32 = arith.constant 0 : i32
    %c0_i32_0 = arith.constant 0 : i32
    return %arg0, %c0_i32 : i32, i32
  }
  func.func @transform_1(%arg0: i32) -> (i32, i32) {
    %c0_i32 = arith.constant 0 : i32
    %c0_i32_0 = arith.constant 0 : i32
    %c0_i32_1 = arith.constant 0 : i32
    return %c0_i32, %c0_i32_0 : i32, i32
  }
  func.func @transform_2(%arg0: i32) -> (i32, i32) {
    %c0_i32 = arith.constant 0 : i32
    %c0_i32_0 = arith.constant 0 : i32
    return %arg0, %c0_i32 : i32, i32
  }
  func.func @transform_3(%arg0: i32) -> (i32, i32) {
    %c0_i32 = arith.constant 0 : i32
    %c0_i32_0 = arith.constant 0 : i32
    return %arg0, %c0_i32 : i32, i32
  }
  func.func @transform_4(%arg0: i32) -> (i32, i32) {
    %c0_i32 = arith.constant 0 : i32
    %c0_i32_0 = arith.constant 0 : i32
    %c0_i32_1 = arith.constant 0 : i32
    return %c0_i32, %c0_i32_0 : i32, i32
  }
  func.func @transform_5(%arg0: i32) -> (i32, i32) {
    %c0_i32 = arith.constant 0 : i32
    %c0_i32_0 = arith.constant 0 : i32
    %c0_i32_1 = arith.constant 0 : i32
    return %c0_i32, %c0_i32_0 : i32, i32
  }
  func.func @transform_6(%arg0: i32) -> (i32, i32) {
    %c0_i32 = arith.constant 0 : i32
    %c0_i32_0 = arith.constant 0 : i32
    %c0_i32_1 = arith.constant 0 : i32
    return %c0_i32, %c0_i32_0 : i32, i32
  }
  func.func @transform_7(%arg0: i32) -> (i32, i32) {
    %c0_i32 = arith.constant 0 : i32
    %c0_i32_0 = arith.constant 0 : i32
    return %arg0, %c0_i32 : i32, i32
  }
}

</mosaic_0001>

<sc_bundles>
// kernel: kernel.7.cloned.1.call-start
scs
__scs_entry_jumppad:
0x0: {  	(pc) =	sbr.rel $0x88, $3  }
0x1: {  	(tag) =	ssettag $0x0;
	lr =	simm.s32 $0x1  }
0x2: {  	[smem:$0x3F90] =	sst lr;
	_ =	strace $0xD0000000  }
0x3: {  	_ = 	snop  }
0x4: {  	_ = 	snop  }
0x5: {  	_ = 	snop  }
0x6: {  	_ = 	snop  }
0x7: {  	_ = 	snop  }
__scs_overlays_trampoline_lowered:
0x8: {  	[smem:$0x3F9F] =	sst s0  }
0x9: {  	[smem:$0x3FA0] =	sst s1  }
0xa: {  	[smem:$0x3FA1] =	sst s2  }
0xb: {  	[smem:$0x3FA2] =	sst s3  }
0xc: {  	[smem:$0x3FA3] =	sst s4  }
0xd: {  	[smem:$0x3FA4] =	sst s5  }
0xe: {  	[smem:$0x3FA5] =	sst s6  }
0xf: {  	[smem:$0x3FA6] =	sst s7  }
0x10: {  	[smem:$0x3FA7] =	sst s8  }
0x11: {  	[smem:$0x3FA8] =	sst s9;
	s0 =	simm.s32 @!p0 $0x0  }
0x12: {  	s1 =	sld [smem:$0x3F8E];
	s0 =	simm.s32 @p0 $0x1  }
0x13: {  	[smem:$0x3FA9] =	sst s0;
	s0 =	simm.s32 @!p1 $0x0  }
0x14: {  	s2 =	sld [smem:$0x3F8D];
	s0 =	simm.s32 @p1 $0x1  }
0x15: {  	[smem:$0x3FAA] =	sst s0;
	s0 =	simm.s32 @!p2 $0x0  }
0x16: {  	s3 =	sld [smem:$0x3FDB];
	s0 =	simm.s32 @p2 $0x1  }
0x17: {  	s4 =	simm.s32 $0x1BF5;
	[smem:$0x3FAC] =	sst s0  }
0x18: {  	s0 =	sld [smem:$0x3F8F];
	_ =	swait.ge [sflag:s4], $0x0  }
0x19: {  	s7 =	sld [smem:$0x3F90]  }
0x1a: {  	s8 =	sadd.s32 $0xFFFFE003, lr  }
0x1b: {  	s9 =	sadd.s32 $0xFFFFFEF7, lr;
	s5 =	simm.s32 $0xFFFFFFFF;
	p2 =	slt.u32 s8, $0xFFFFF086  }
0x1c: {  	p1 =	slt.u32 s9, $0xF7A;
	s5 =	simm.s32 @!p2 $0x0  }
0x1d: {  	s5 =	simm.s32 @p1 $0x1;
	p0 =	seq.s32 s7, s2  }
0x1e: {  	s7 =	smul.u32 @!p0 $0xF7A, s2;
	p2 =	seq.s32 @!p0 s5, $0x0  }
0x1f: {  	s9 =	smul.u32 $0xF7A, s1;
	s8 =	simm.s32 @!p0 $0x1BF5;
	p2 =	por !p2, p0  }
0x20: {  	[sflag:s8] =	ssyncset.s32 @!p0 $0xFFFFF086;
	s6 =	sadd.s32 @!p0 s3, s7;
	s7 =	simm.s32 @!p0 $0x108  }
0x21: {  	s3 =	sadd.s32 s3, s9;
	s6 =	sadd.s32 @!p0 $0x88, s6;
	s7 =	simm.s32 @p2 $0x1082  }
0x22: {  	[simem:s7], [sflag:s8] =	dma.local @!p0 [hbm:s6], $0xF7A  }
0x23: {  	s9 =	sor.u32 $0xD0000000, s2;
	s6 =	simm.s32 $0x108;
	_ =	swait.ge @!p0 [sflag:s8], $0x0  }
0x24: {  	s3 =	sadd.s32 $0x88, s3;
	s6 =	simm.s32 @!p1 $0x1082;
	[sflag:s4] =	ssyncset.s32 $0xFFFFF086  }
0x25: {  	[simem:s6], [sflag:s4] =	dma.local [hbm:s3], $0xF7A  }
0x26: {  	[smem:$0x3F90] =	sst s1;
	(tag) =	ssettag s2;
	_ =	strace s9  }
0x27: {  	s1 =	sld [smem:$0x3FA0]  }
0x28: {  	s2 =	sld [smem:$0x3FA1]  }
0x29: {  	s4 =	sld [smem:$0x3FA3]  }
0x2a: {  	p0 =	seq.s32 s5, $0x0;
	s5 =	sld [smem:$0x3FA4]  }
0x2b: {  	s6 =	sld [smem:$0x3FA5]  }
0x2c: {  	s7 =	sld [smem:$0x3FA6]  }
0x2d: {  	s3 =	simm.s32 $0x108;
	s8 =	sld [smem:$0x3FA7]  }
0x2e: {  	s3 =	simm.s32 @!p0 $0x1082;
	s9 =	sld [smem:$0x3FA8]  }
0x2f: {  	lr =	sadd.s32 s0, s3;
	s0 =	sld [smem:$0x3F9F]  }
0x30: {  	s3 =	sld [smem:$0x3FA2]  }
0x31: {  	[smem:$0x3FAB] =	sst s10  }
0x32: {  	s10 =	sld [smem:$0x3FA9];
	_ =	sdelay $0x3  }
0x33: {  	p0 =	seq.s32 s10, $0x1;
	s10 =	sld [smem:$0x3FAB];
	_ =	sdelay $0x3  }
0x34: {  	[smem:$0x3FAB] =	sst s10  }
0x35: {  	s10 =	sld [smem:$0x3FAA];
	_ =	sdelay $0x3  }
0x36: {  	p1 =	seq.s32 s10, $0x1;
	s10 =	sld [smem:$0x3FAB];
	_ =	sdelay $0x3  }
0x37: {  	[smem:$0x3FAB] =	sst s10  }
0x38: {  	s10 =	sld [smem:$0x3FAC]  }
0x39: {  	_ = 	snop;
	(pc) =	sbr.ind lr, $3  }
0x3a: {  	_ = 	snop  }
0x3b: {  	_ = 	snop  }
0x3c: {  	p2 =	seq.s32 s10, $0x1;
	s10 =	sld [smem:$0x3FAB]  }
0x3d: {  	_ =	shalt  }
0x3e: {  	_ =	shalt  }
0x3f: {  	_ =	shalt  }
0x40: {  	_ =	shalt  }
0x41: {  	_ =	shalt  }
0x42: {  	_ =	shalt  }
0x43: {  	_ =	shalt  }
0x44: {  	_ =	shalt  }
0x45: {  	_ =	shalt  }
0x46: {  	_ =	shalt  }
0x47: {  	_ =	shalt  }
0x48: {  	_ =	shalt  }
0x49: {  	_ =	shalt  }
0x4a: {  	_ =	shalt  }
0x4b: {  	_ =	shalt  }
0x4c: {  	_ =	shalt  }
0x4d: {  	_ =	shalt  }
0x4e: {  	_ =	shalt  }
0x4f: {  	_ =	shalt  }
0x50: {  	_ =	shalt  }
0x51: {  	_ =	shalt  }
0x52: {  	_ =	shalt  }
0x53: {  	_ =	shalt  }
0x54: {  	_ =	shalt  }
0x55: {  	_ =	shalt  }
0x56: {  	_ =	shalt  }
0x57: {  	_ =	shalt  }
0x58: {  	_ =	shalt  }
0x59: {  	_ =	shalt  }
0x5a: {  	_ =	shalt  }
0x5b: {  	_ =	shalt  }
0x5c: {  	_ =	shalt  }
0x5d: {  	_ =	shalt  }
0x5e: {  	_ =	shalt  }
0x5f: {  	_ =	shalt  }
0x60: {  	_ =	shalt  }
0x61: {  	_ =	shalt  }
0x62: {  	_ =	shalt  }
0x63: {  	_ =	shalt  }
0x64: {  	_ =	shalt  }
0x65: {  	_ =	shalt  }
0x66: {  	_ =	shalt  }
0x67: {  	_ =	shalt  }
0x68: {  	_ =	shalt  }
0x69: {  	_ =	shalt  }
0x6a: {  	_ =	shalt  }
0x6b: {  	_ =	shalt  }
0x6c: {  	_ =	shalt  }
0x6d: {  	_ =	shalt  }
0x6e: {  	_ =	shalt  }
0x6f: {  	_ =	shalt  }
0x70: {  	_ =	shalt  }
0x71: {  	_ =	shalt  }
0x72: {  	_ =	shalt  }
0x73: {  	_ =	shalt  }
0x74: {  	_ =	shalt  }
0x75: {  	_ =	shalt  }
0x76: {  	_ =	shalt  }
0x77: {  	_ =	shalt  }
0x78: {  	_ =	shalt  }
0x79: {  	_ =	shalt  }
0x7a: {  	_ =	shalt  }
0x7b: {  	_ =	shalt  }
0x7c: {  	_ =	shalt  }
0x7d: {  	_ =	shalt  }
0x7e: {  	_ =	shalt  }
0x7f: {  	_ =	shalt  }
0x80: {  	_ =	shalt  }
0x81: {  	_ =	shalt  }
0x82: {  	_ =	shalt  }
0x83: {  	_ =	shalt  }
0x84: {  	_ =	shalt  }
0x85: {  	_ =	shalt  }
0x86: {  	_ =	shalt  }
0x87: {  	_ =	shalt  }
.Lfunc_end0:
.L_simem_size_0:
called_computation_lowered:
.L_overlay_start_0:
0x88: {  	s2 =	sld [smem:$0x3FD9]  }
0x89: {  	s3 =	sld [smem:$0x3FFE];
	_ =	sdelay $0x1  }
0x8a: {  	s1 =	srdreg.scid  }
0x8b: {  	s0 =	sand.u32 $0x1, s1  }
0x8c: {  	s14 =	sshll.u32 s0, $0xA;
	s2 =	sadd.s32 s3, s2  }
0x8d: {  	s2 =	sadd.s32 s2, s14  }
0x8e: {  	[smem:$0x3FB7] =	sst s2  }
0x8f: {  	_ = 	snop  }
0x90: {  	s2 =	sld [smem:$0x3FD0];
	_ =	sdelay $0x2  }
0x91: {  	s15 =	simm.s32 $0xA;
	s4 =	simm.s32 $0x10  }
0x92: {  	[smem:s4], [sflag:s15] =	dma.local [hbm:s2], $0x1  }
0x93: {  	_ =	swait.eq [sflag:s15], $0x1  }
0x94: {  	[sflag:s15] =	ssyncset.done $0x0  }
0x95: {  	s16 =	sld [smem:$0x10];
	[sflag:s15] =	ssyncadd.s32 $0xFFFFFFFF  }
0x96: {  	s17 =	sld [smem:$0x12];
	(tm) =	ssettm $0x1  }
0x97: {  	s18 =	sld [smem:$0x3FFB];
	_ =	sdelay $0x3  }
0x98: {  	_ =	strace s18  }
0x99: {  	s4 =	sld [smem:$0x3FFC];
	_ =	sdelay $0x3  }
0x9a: {  	_ =	strace s4  }
0x9b: {  	s4 =	sld [smem:$0x3FFD];
	_ =	sdelay $0x3  }
0x9c: {  	_ =	strace s4  }
0x9d: {  	_ =	strace $0x8FFFFFFF  }
0x9e: {  	s19 =	sld [smem:$0x3FDB];
	_ =	sdelay $0x1  }
0x9f: {  	s5 =	simm.s32 $_scs_section_size  }
0xa0: {  	s6 =	simm.s32 $_size__tile_overlayer_lowered;
	s7 =	simm.s32 $_tile_overlayer_lowered  }
0xa1: {  	s22 =	simm.s32 $0x1BFF;
	s21 =	sshll.u32 s7, $0x1;
	s4 =	sadd.s32 s5, s19  }
0xa2: {  	s8 =	simm.s32 $0x0;
	s20 =	sshll.u32 s6, $0x1;
	s6 =	sadd.s32 s21, s4  }
0xa3: {  	[timem:s8], [sflag:s22] =	dma.local [hbm:s6], s20  }
0xa4: {  	_ =	swait.ge [sflag:s22], s20  }
0xa5: {  	s5 =	ssub.s32 $0x0, s20;
	[sflag:s22] =	ssyncset.done $0x0  }
0xa6: {  	[sflag:s22] =	ssyncadd.s32 s5;
	_ =	sdelay $0x1  }
0xa7: {  	s23 =	simm.s32 $0x1B8B  }
0xa8: {  	_ =	swait.ge [sflag:s23], $0x1  }
0xa9: {  	[sflag:s23] =	ssyncset.done $0x0  }
0xaa: {  	s25 =	simm.s32 $0x1B8E;
	s24 =	sld [smem:$0x3FFE];
	[sflag:s23] =	ssyncadd.s32 $0xFFFFFFFF  }
0xab: {  	s26 =	simm.s32 $execute0_lowered;
	[smem:$0x3FD2] =	sst s25  }
0xac: {  	s6 =	sshll.u32 s26, $0x1;
	_ =	strace $0x80000046;
	[dreg:$0x1] =	wrdreg $0xFFFFFFFF  }
0xad: {  	s28 =	simm.s32 $_size_execute0_lowered;
	s4 =	sadd.s32 s4, s6;
	[dreg:$0x0] =	wrdreg $0x0  }
0xae: {  	s6 =	sshll.u32 s28, $0x1;
	[dreg:$0x2] =	wrdreg s4  }
0xaf: {  	[dreg:$0x3] =	wrdreg s6  }
0xb0: {  	[dreg:$0x4] =	wrdreg $0xC0  }
0xb1: {  	_ =	task [dreg:s8], $0x5FFFF  }
0xb2: {  	[dreg:$0x1] =	wrdreg $0xFFFFFFFF  }
0xb3: {  	[dreg:$0x0] =	wrdreg $0x60  }
0xb4: {  	[dreg:$0x2] =	wrdreg s17  }
0xb5: {  	[dreg:$0x3] =	wrdreg s24  }
0xb6: {  	[dreg:$0x4] =	wrdreg s16  }
0xb7: {  	[dreg:$0x5] =	wrdreg $0x9  }
0xb8: {  	_ =	task.clear_ibuf [dreg:s8], $0x6FFFF;
	_ =	strace $0x90000046  }
0xb9: {  	s29 =	simm.s32 $0x9;
	_ =	strace $0x80000048  }
0xba: {  	_ =	swait.ge [sflag:s29], $0x1  }
0xbb: {  	[sflag:s29] =	ssyncadd.s32 $0xFFFFFFFF  }
0xbc: {  	_ =	strace $0x90000048  }
0xbd: {  	_ =	sfence  }
0xbe: {  	s30 =	sld [smem:$0x0];
	_ =	sdelay $0x2  }
0xbf: {  	s31 =	sshll.u32 s1, $0xD;
	s1 =	sshrl.u32 s1, $0x2  }
0xc0: {  	s3 =	sand.u32 $0x4000, s31;
	s1 =	sadd.s32 s1, s30  }
0xc1: {  	s0 =	sor.u32 s3, s0;
	s1 =	sshll.u32 s1, $0x11  }
0xc2: {  	s0 =	sor.u32 s1, s0  }
0xc3: {  	s0 =	sadd.s32 $0x8F2B, s0  }
0xc4: {  	[sflag:s0] =	ssyncadd.remote.s32 $0x1  }
0xc5: {  	_ =	sfence.sel $0xFFFF  }
0xc6: {  	[dreg:$0x0] =	wrdreg $0xFFFFFFFF;
	(pc) =	sbr.abs _section_cstart, $3  }
0xc7: {  	[dreg:$0x1] =	wrdreg $0xFFFFFFFF  }
0xc8: {  	_ =	task.clear_ibuf [dreg:s8], $0x2FFFF;
	_ =	strace $0x9FFFFFFF  }
0xc9: {  	(tm) =	ssettm $0x7FFFFFFF  }
tec
execute0_lowered:
.L_overlay_start_1:
0x0: {  	(tag) =	ssettag $0x1  }
0x1: {  	s1 =	rddreg [dreg:$0x0]  }
0x2: {  	s2 =	srdreg.scid;
	s3 =	stileid.u32  }
0x3: {  	s0 =	rddreg [dreg:$0x1];
	s2 =	sand.u32 $0x1, s2;
	s3 =	sshll.u32 s3, $0x1  }
0x4: {  	s4 =	rddreg [dreg:$0x2];
	s30 =	simm.s32 $0x1;
	s5 =	sor.u32 s2, s3  }
0x5: {  	s29 =	simm.s32 $0x3;
	s8 =	sadd.s32 $0x12A00, s0;
	s6 =	smul.u32 $0x28, s5  }
0x6: {  	s9 =	sadd.s32 $0xB2A00, s0;
	s3 =	simm.s32 $0x0;
	s24 =	smul.u32 $0x5000, s5  }
0x7: {  	[smem:$0x7FF] =	sst s3;
	s5 =	smul.u32 $0x28000, s5;
	s4 =	sadd.s32 s4, s6  }
0x8: {  	_ =	strace $0x80000047;
	s26 =	sadd.s32 s8, s24;
	[dreg:$0x4] =	wrdreg s4  }
0x9: {  	s7 =	sadd.s32 s6, s0;
	s28 =	sadd.s32 s9, s24;
	[dreg:$0x6] =	wrdreg s26  }
0xa: {  	s6 =	sor.u32 $0xA00, s24;
	s25 =	sadd.s32 $0x2A00, s7;
	[dreg:$0x7] =	wrdreg s28  }
0xb: {  	s31 =	simm.s32 $0x5;
	s7 =	sadd.s32 s8, s6;
	[dreg:$0x5] =	wrdreg s25  }
0xc: {  	s5 =	sshrl.u32 s5, $0x3;
	s10 =	sadd.s32 s9, s6;
	[dreg:$0x8] =	wrdreg s7  }
0xd: {  	s11 =	sadd.s32 $0x1400, s5;
	s28 =	simm.s32 $0x180;
	[dreg:$0x9] =	wrdreg s10  }
0xe: {  	s2 =	ssub.s32 $0x2, s2;
	s12 =	sadd.s32 s8, s11;
	[dreg:$0x16] =	wrdreg s28  }
0xf: {  	s14 =	sadd.s32 $0x1E00, s5;
	s13 =	sadd.s32 s9, s11;
	[dreg:$0xa] =	wrdreg s12  }
0x10: {  	s16 =	sadd.s32 $0x2800, s5;
	s15 =	sadd.s32 s8, s14;
	[dreg:$0xb] =	wrdreg s13  }
0x11: {  	s4 =	sadd.s32 $0x3000, s0;
	s6 =	sadd.s32 s9, s14;
	[dreg:$0xc] =	wrdreg s15  }
0x12: {  	s19 =	sadd.s32 $0x3200, s5;
	s17 =	sadd.s32 s8, s16;
	[dreg:$0xd] =	wrdreg s6  }
0x13: {  	s22 =	sadd.s32 $0x3C00, s5;
	s18 =	sadd.s32 s9, s16;
	[dreg:$0xe] =	wrdreg s17  }
0x14: {  	s20 =	sadd.s32 s8, s19;
	s21 =	sadd.s32 s9, s19;
	[dreg:$0xf] =	wrdreg s18  }
0x15: {  	s10 =	sshrl.u32 s2, $0x1;
	s23 =	sadd.s32 s8, s22;
	[dreg:$0x10] =	wrdreg s20  }
0x16: {  	s24 =	sadd.s32 s9, s22;
	s25 =	sadd.s32 $0x4600, s5;
	[dreg:$0x11] =	wrdreg s21  }
0x17: {  	s5 =	sadd.s32 $0x100, s1;
	s11 =	simm.s32 $0x6;
	[dreg:$0x12] =	wrdreg s23  }
0x18: {  	s2 =	ssub.s32 s2, s10;
	[dreg:$0x13] =	wrdreg s24;
	s26 =	sadd.s32 s8, s25  }
0x19: {  	v2 =	vlaneseq.u32;
	s7 =	sadd.s32 s9, s25;
	s6 =	sadd.s32 $0x3100, s0;
	s0 =	simm.s32 $0x2  }
0x1a: {  	vm0 =	vmmov $0xffff;
	v1 =	vshrl.u32 v2, $0x3;
	s10 =	simm.s32 $0x4;
	s12 =	simm.s32 $0x8;
	[dreg:$0x14] =	wrdreg s26  }
0x1b: {  	v0 =	vand.u32 $0x7, v2;
	v2 =	vor.u32 $0x8, v2;
	v1 =	vmul.u32 $0x8, v1;
	[dreg:$0x15] =	wrdreg s7;
	s7 =	smax.u32 s2, $0x1;
	s2 =	simm.s32 $0x7  }
.LBB2_1:
0x1c: {  	s13 =	rddreg [dreg:$0x4];
	s8 =	simm.s32 $0x9  }
0x1d: {  	[tilespmem:s3], [sflag:$0x9] =	stream.linear.gather [hbm4b:s13+s3], $0x140, $0x38;
	[tilespmem:$0x14300] =	vst v63  }
0x1e: {  	_ =	swait.ge [sflag:s8], $0x140  }
0x1f: {  	s22 =	rddreg [dreg:$0x5];
	[sflag:s8] =	ssyncset.done $0x0  }
0x20: {  	s14 =	rddreg [dreg:$0x16];
	[sflag:s8] =	ssyncadd.s32 $0xFFFFFEC0  }
0x21: {  	[tilespmem:s14], [sflag:$0x9] =	stream.linear.gather [hbm4b:s22+s3], $0x140, $0x38;
	[tilespmem:$0x14300] =	vst v63  }
0x22: {  	_ =	swait.ge [sflag:s8], $0x140  }
0x23: {  	[sflag:s8] =	ssyncset.done $0x0  }
0x24: {  	[sflag:s8] =	ssyncadd.s32 $0xFFFFFEC0  }
0x25: {  	v3 =	vld [tilespmem:$0x0];
	_ =	sdelay $0x4  }
0x26: {  	v4 =	vshll.u32 v3, $0x2  }
0x27: {  	v3 =	vand.u32 $0x7, v3;
	v4 =	vand.u32 $0xFFFFFFE0, v4  }
0x28: {  	v3 =	vor.u32 v3, v4  }
0x29: {  	v4 =	vperm.xlane v3, v0;
	_ =	sdelay $0x1  }
0x2a: {  	v4 =	vadd.s32 v1, v4;
	_ =	sdelay $0x1  }
0x2b: {  	v3 =	vperm.xlane v3, v2;
	_ =	sdelay $0x1  }
0x2c: {  	s23 =	simm.s32 $0x300;
	v3 =	vadd.s32 v1, v3  }
0x2d: {  	[tilespmem:s23], [sflag:$0x1] =	stream.indirect_vreg.gather [hbm4b:s1+s3], $0x80, v4, vm0, $0xb8;
	[tilespmem:$0x14300] =	vst v63  }
0x2e: {  	s24 =	simm.s32 $0xB00  }
0x2f: {  	[tilespmem:s24], [sflag:$0x1] =	stream.indirect_vreg.gather [hbm4b:s5+s3], $0x80, v4, vm0, $0xb8;
	[tilespmem:$0x14300] =	vst v63  }
0x30: {  	s25 =	simm.s32 $0x1300  }
0x31: {  	[tilespmem:s25], [sflag:$0x1] =	stream.indirect_vreg.gather [hbm4b:s1+s3], $0x80, v3, vm0, $0xb8;
	[tilespmem:$0x14300] =	vst v63  }
0x32: {  	s26 =	simm.s32 $0x1B00  }
0x33: {  	[tilespmem:s26], [sflag:$0x1] =	stream.indirect_vreg.gather [hbm4b:s5+s3], $0x80, v3, vm0, $0xb8;
	[tilespmem:$0x14300] =	vst v63  }
0x34: {  	v3 =	vld [tilespmem:$0x10];
	_ =	sdelay $0x4  }
0x35: {  	v17 =	vshll.u32 v3, $0x2  }
0x36: {  	v3 =	vand.u32 $0x7, v3;
	v4 =	vand.u32 $0xFFFFFFE0, v17  }
0x37: {  	v3 =	vor.u32 v3, v4  }
0x38: {  	v4 =	vperm.xlane v3, v0;
	_ =	sdelay $0x1  }
0x39: {  	v4 =	vadd.s32 v1, v4;
	_ =	sdelay $0x1  }
0x3a: {  	v3 =	vperm.xlane v3, v2;
	_ =	sdelay $0x1  }
0x3b: {  	s28 =	simm.s32 $0x2300;
	v3 =	vadd.s32 v1, v3  }
0x3c: {  	[tilespmem:s28], [sflag:$0x1] =	stream.indirect_vreg.gather [hbm4b:s1+s3], $0x80, v4, vm0, $0xb8;
	[tilespmem:$0x14300] =	vst v63  }
0x3d: {  	s9 =	simm.s32 $0x2B00  }
0x3e: {  	[tilespmem:s9], [sflag:$0x1] =	stream.indirect_vreg.gather [hbm4b:s5+s3], $0x80, v4, vm0, $0xb8;
	[tilespmem:$0x14300] =	vst v63  }
0x3f: {  	s13 =	simm.s32 $0x3300  }
0x40: {  	[tilespmem:s13], [sflag:$0x1] =	stream.indirect_vreg.gather [hbm4b:s1+s3], $0x80, v3, vm0, $0xb8;
	[tilespmem:$0x14300] =	vst v63  }
0x41: {  	s14 =	simm.s32 $0x3B00  }
0x42: {  	[tilespmem:s14], [sflag:$0x1] =	stream.indirect_vreg.gather [hbm4b:s5+s3], $0x80, v3, vm0, $0xb8;
	[tilespmem:$0x14300] =	vst v63  }
0x43: {  	v3 =	vld.msk [tilespmem:$0x20], $0xff;
	_ =	sdelay $0x4  }
0x44: {  	v18 =	vshll.u32 v3, $0x2  }
0x45: {  	v3 =	vand.u32 $0x7, v3;
	v4 =	vand.u32 $0xFFFFFFE0, v18  }
0x46: {  	v3 =	vor.u32 v3, v4  }
0x47: {  	v3 =	vperm.xlane v3, v0;
	_ =	sdelay $0x1  }
0x48: {  	v3 =	vadd.s32 v1, v3;
	_ =	sdelay $0x3  }
0x49: {  	s16 =	simm.s32 $0x4300  }
0x4a: {  	[tilespmem:s16], [sflag:$0x1] =	stream.indirect_vreg.gather [hbm4b:s1+s3], $0x80, v3, vm0, $0xb8;
	[tilespmem:$0x14300] =	vst v63  }
0x4b: {  	s18 =	simm.s32 $0x4B00  }
0x4c: {  	[tilespmem:s18], [sflag:$0x1] =	stream.indirect_vreg.gather [hbm4b:s5+s3], $0x80, v3, vm0, $0xb8;
	[tilespmem:$0x14300] =	vst v63  }
0x4d: {  	v3 =	vld [tilespmem:$0x180];
	_ =	sdelay $0x4  }
0x4e: {  	v19 =	vshll.u32 v3, $0x2  }
0x4f: {  	v3 =	vand.u32 $0x7, v3;
	v4 =	vand.u32 $0xFFFFFFE0, v19  }
0x50: {  	v3 =	vor.u32 v3, v4  }
0x51: {  	v4 =	vperm.xlane v3, v0;
	_ =	sdelay $0x1  }
0x52: {  	v4 =	vadd.s32 v1, v4;
	_ =	sdelay $0x1  }
0x53: {  	v3 =	vperm.xlane v3, v2;
	_ =	sdelay $0x1  }
0x54: {  	s19 =	simm.s32 $0xA300;
	v3 =	vadd.s32 v1, v3  }
0x55: {  	[tilespmem:s19], [sflag:$0x3] =	stream.indirect_vreg.gather [hbm4b:s4+s3], $0x80, v4, vm0, $0xb8;
	[tilespmem:$0x14300] =	vst v63  }
0x56: {  	s20 =	simm.s32 $0xAB00  }
0x57: {  	[tilespmem:s20], [sflag:$0x3] =	stream.indirect_vreg.gather [hbm4b:s6+s3], $0x80, v4, vm0, $0xb8;
	[tilespmem:$0x14300] =	vst v63  }
0x58: {  	s21 =	simm.s32 $0xB300  }
0x59: {  	[tilespmem:s21], [sflag:$0x3] =	stream.indirect_vreg.gather [hbm4b:s4+s3], $0x80, v3, vm0, $0xb8;
	[tilespmem:$0x14300] =	vst v63  }
0x5a: {  	s22 =	simm.s32 $0xBB00  }
0x5b: {  	[tilespmem:s22], [sflag:$0x3] =	stream.indirect_vreg.gather [hbm4b:s6+s3], $0x80, v3, vm0, $0xb8;
	[tilespmem:$0x14300] =	vst v63  }
0x5c: {  	v3 =	vld [tilespmem:$0x190];
	_ =	sdelay $0x4  }
0x5d: {  	v20 =	vshll.u32 v3, $0x2  }
0x5e: {  	v3 =	vand.u32 $0x7, v3;
	v4 =	vand.u32 $0xFFFFFFE0, v20  }
0x5f: {  	v3 =	vor.u32 v3, v4  }
0x60: {  	v4 =	vperm.xlane v3, v0;
	_ =	sdelay $0x1  }
0x61: {  	v4 =	vadd.s32 v1, v4;
	_ =	sdelay $0x1  }
0x62: {  	v3 =	vperm.xlane v3, v2;
	_ =	sdelay $0x1  }
0x63: {  	s23 =	simm.s32 $0xC300;
	v3 =	vadd.s32 v1, v3  }
0x64: {  	[tilespmem:s23], [sflag:$0x3] =	stream.indirect_vreg.gather [hbm4b:s4+s3], $0x80, v4, vm0, $0xb8;
	[tilespmem:$0x14300] =	vst v63  }
0x65: {  	s24 =	simm.s32 $0xCB00  }
0x66: {  	[tilespmem:s24], [sflag:$0x3] =	stream.indirect_vreg.gather [hbm4b:s6+s3], $0x80, v4, vm0, $0xb8;
	[tilespmem:$0x14300] =	vst v63  }
0x67: {  	s25 =	simm.s32 $0xD300  }
0x68: {  	[tilespmem:s25], [sflag:$0x3] =	stream.indirect_vreg.gather [hbm4b:s4+s3], $0x80, v3, vm0, $0xb8;
	[tilespmem:$0x14300] =	vst v63  }
0x69: {  	s26 =	simm.s32 $0xDB00  }
0x6a: {  	[tilespmem:s26], [sflag:$0x3] =	stream.indirect_vreg.gather [hbm4b:s6+s3], $0x80, v3, vm0, $0xb8;
	[tilespmem:$0x14300] =	vst v63  }
0x6b: {  	v3 =	vld.msk [tilespmem:$0x1A0], $0xff;
	_ =	sdelay $0x4  }
0x6c: {  	v21 =	vshll.u32 v3, $0x2  }
0x6d: {  	v3 =	vand.u32 $0x7, v3;
	v4 =	vand.u32 $0xFFFFFFE0, v21  }
0x6e: {  	v3 =	vor.u32 v3, v4  }
0x6f: {  	v3 =	vperm.xlane v3, v0;
	_ =	sdelay $0x1  }
0x70: {  	v3 =	vadd.s32 v1, v3;
	_ =	sdelay $0x3  }
0x71: {  	s28 =	simm.s32 $0xE300  }
0x72: {  	[tilespmem:s28], [sflag:$0x3] =	stream.indirect_vreg.gather [hbm4b:s4+s3], $0x80, v3, vm0, $0xb8;
	[tilespmem:$0x14300] =	vst v63  }
0x73: {  	s9 =	simm.s32 $0xEB00  }
0x74: {  	[tilespmem:s9], [sflag:$0x3] =	stream.indirect_vreg.gather [hbm4b:s6+s3], $0x80, v3, vm0, $0xb8;
	[tilespmem:$0x14300] =	vst v63  }
0x75: {  	v3 =	vld [tilespmem:$0x28];
	_ =	sdelay $0x4  }
0x76: {  	v22 =	vshll.u32 v3, $0x2  }
0x77: {  	v3 =	vand.u32 $0x7, v3;
	v4 =	vand.u32 $0xFFFFFFE0, v22  }
0x78: {  	v3 =	vor.u32 v3, v4  }
0x79: {  	v4 =	vperm.xlane v3, v0;
	_ =	sdelay $0x1  }
0x7a: {  	v4 =	vadd.s32 v1, v4;
	_ =	sdelay $0x1  }
0x7b: {  	v3 =	vperm.xlane v3, v2;
	_ =	sdelay $0x1  }
0x7c: {  	s13 =	simm.s32 $0x5300;
	v3 =	vadd.s32 v1, v3  }
0x7d: {  	[tilespmem:s13], [sflag:$0x2] =	stream.indirect_vreg.gather [hbm4b:s1+s3], $0x80, v4, vm0, $0xb8;
	[tilespmem:$0x14300] =	vst v63  }
0x7e: {  	s14 =	simm.s32 $0x5B00  }
0x7f: {  	[tilespmem:s14], [sflag:$0x2] =	stream.indirect_vreg.gather [hbm4b:s5+s3], $0x80, v4, vm0, $0xb8;
	[tilespmem:$0x14300] =	vst v63  }
0x80: {  	s16 =	simm.s32 $0x6300  }
0x81: {  	[tilespmem:s16], [sflag:$0x2] =	stream.indirect_vreg.gather [hbm4b:s1+s3], $0x80, v3, vm0, $0xb8;
	[tilespmem:$0x14300] =	vst v63  }
0x82: {  	s21 =	simm.s32 $0x6B00  }
0x83: {  	[tilespmem:s21], [sflag:$0x2] =	stream.indirect_vreg.gather [hbm4b:s5+s3], $0x80, v3, vm0, $0xb8;
	[tilespmem:$0x14300] =	vst v63  }
0x84: {  	v3 =	vld [tilespmem:$0x38];
	_ =	sdelay $0x4  }
0x85: {  	v23 =	vshll.u32 v3, $0x2  }
0x86: {  	v3 =	vand.u32 $0x7, v3;
	v4 =	vand.u32 $0xFFFFFFE0, v23  }
0x87: {  	v3 =	vor.u32 v3, v4  }
0x88: {  	v4 =	vperm.xlane v3, v0;
	_ =	sdelay $0x1  }
0x89: {  	v4 =	vadd.s32 v1, v4;
	_ =	sdelay $0x1  }
0x8a: {  	v3 =	vperm.xlane v3, v2;
	_ =	sdelay $0x1  }
0x8b: {  	s22 =	simm.s32 $0x7300;
	v3 =	vadd.s32 v1, v3  }
0x8c: {  	[tilespmem:s22], [sflag:$0x2] =	stream.indirect_vreg.gather [hbm4b:s1+s3], $0x80, v4, vm0, $0xb8;
	[tilespmem:$0x14300] =	vst v63  }
0x8d: {  	s23 =	simm.s32 $0x7B00  }
0x8e: {  	[tilespmem:s23], [sflag:$0x2] =	stream.indirect_vreg.gather [hbm4b:s5+s3], $0x80, v4, vm0, $0xb8;
	[tilespmem:$0x14300] =	vst v63  }
0x8f: {  	s25 =	simm.s32 $0x8300  }
0x90: {  	[tilespmem:s25], [sflag:$0x2] =	stream.indirect_vreg.gather [hbm4b:s1+s3], $0x80, v3, vm0, $0xb8;
	[tilespmem:$0x14300] =	vst v63  }
0x91: {  	s26 =	simm.s32 $0x8B00  }
0x92: {  	[tilespmem:s26], [sflag:$0x2] =	stream.indirect_vreg.gather [hbm4b:s5+s3], $0x80, v3, vm0, $0xb8;
	[tilespmem:$0x14300] =	vst v63  }
0x93: {  	v3 =	vld.msk [tilespmem:$0x48], $0xff;
	_ =	sdelay $0x4  }
0x94: {  	v24 =	vshll.u32 v3, $0x2  }
0x95: {  	v3 =	vand.u32 $0x7, v3;
	v4 =	vand.u32 $0xFFFFFFE0, v24  }
0x96: {  	v3 =	vor.u32 v3, v4  }
0x97: {  	v3 =	vperm.xlane v3, v0;
	_ =	sdelay $0x1  }
0x98: {  	v3 =	vadd.s32 v1, v3;
	_ =	sdelay $0x3  }
0x99: {  	s8 =	simm.s32 $0x9300  }
0x9a: {  	[tilespmem:s8], [sflag:$0x2] =	stream.indirect_vreg.gather [hbm4b:s1+s3], $0x80, v3, vm0, $0xb8;
	[tilespmem:$0x14300] =	vst v63  }
0x9b: {  	s9 =	simm.s32 $0x9B00  }
0x9c: {  	[tilespmem:s9], [sflag:$0x2] =	stream.indirect_vreg.gather [hbm4b:s5+s3], $0x80, v3, vm0, $0xb8;
	[tilespmem:$0x14300] =	vst v63  }
0x9d: {  	v3 =	vld [tilespmem:$0x1A8];
	_ =	sdelay $0x4  }
0x9e: {  	v25 =	vshll.u32 v3, $0x2  }
0x9f: {  	v3 =	vand.u32 $0x7, v3;
	v4 =	vand.u32 $0xFFFFFFE0, v25  }
0xa0: {  	v3 =	vor.u32 v3, v4  }
0xa1: {  	v4 =	vperm.xlane v3, v0;
	_ =	sdelay $0x1  }
0xa2: {  	v4 =	vadd.s32 v1, v4;
	_ =	sdelay $0x1  }
0xa3: {  	v3 =	vperm.xlane v3, v2;
	_ =	sdelay $0x1  }
0xa4: {  	s8 =	simm.s32 $0xF300;
	v3 =	vadd.s32 v1, v3  }
0xa5: {  	[tilespmem:s8], [sflag:$0x4] =	stream.indirect_vreg.gather [hbm4b:s4+s3], $0x80, v4, vm0, $0xb8;
	[tilespmem:$0x14300] =	vst v63  }
0xa6: {  	s14 =	simm.s32 $0xFB00  }
0xa7: {  	[tilespmem:s14], [sflag:$0x4] =	stream.indirect_vreg.gather [hbm4b:s6+s3], $0x80, v4, vm0, $0xb8;
	[tilespmem:$0x14300] =	vst v63  }
0xa8: {  	s16 =	simm.s32 $0x10300  }
0xa9: {  	[tilespmem:s16], [sflag:$0x4] =	stream.indirect_vreg.gather [hbm4b:s4+s3], $0x80, v3, vm0, $0xb8;
	[tilespmem:$0x14300] =	vst v63  }
0xaa: {  	s21 =	simm.s32 $0x10B00  }
0xab: {  	[tilespmem:s21], [sflag:$0x4] =	stream.indirect_vreg.gather [hbm4b:s6+s3], $0x80, v3, vm0, $0xb8;
	[tilespmem:$0x14300] =	vst v63  }
0xac: {  	v3 =	vld [tilespmem:$0x1B8];
	_ =	sdelay $0x4  }
0xad: {  	v26 =	vshll.u32 v3, $0x2  }
0xae: {  	v3 =	vand.u32 $0x7, v3;
	v4 =	vand.u32 $0xFFFFFFE0, v26  }
0xaf: {  	v3 =	vor.u32 v3, v4  }
0xb0: {  	v4 =	vperm.xlane v3, v0;
	_ =	sdelay $0x1  }
0xb1: {  	v4 =	vadd.s32 v1, v4;
	_ =	sdelay $0x1  }
0xb2: {  	v3 =	vperm.xlane v3, v2;
	_ =	sdelay $0x1  }
0xb3: {  	s22 =	simm.s32 $0x11300;
	v3 =	vadd.s32 v1, v3  }
0xb4: {  	[tilespmem:s22], [sflag:$0x4] =	stream.indirect_vreg.gather [hbm4b:s4+s3], $0x80, v4, vm0, $0xb8;
	[tilespmem:$0x14300] =	vst v63  }
0xb5: {  	s23 =	simm.s32 $0x11B00  }
0xb6: {  	[tilespmem:s23], [sflag:$0x4] =	stream.indirect_vreg.gather [hbm4b:s6+s3], $0x80, v4, vm0, $0xb8;
	[tilespmem:$0x14300] =	vst v63  }
0xb7: {  	s25 =	simm.s32 $0x12300  }
0xb8: {  	[tilespmem:s25], [sflag:$0x4] =	stream.indirect_vreg.gather [hbm4b:s4+s3], $0x80, v3, vm0, $0xb8;
	[tilespmem:$0x14300] =	vst v63  }
0xb9: {  	s26 =	simm.s32 $0x12B00  }
0xba: {  	[tilespmem:s26], [sflag:$0x4] =	stream.indirect_vreg.gather [hbm4b:s6+s3], $0x80, v3, vm0, $0xb8;
	[tilespmem:$0x14300] =	vst v63  }
0xbb: {  	v3 =	vld.msk [tilespmem:$0x1C8], $0xff;
	_ =	sdelay $0x4  }
0xbc: {  	v27 =	vshll.u32 v3, $0x2  }
0xbd: {  	v3 =	vand.u32 $0x7, v3;
	v4 =	vand.u32 $0xFFFFFFE0, v27  }
0xbe: {  	v3 =	vor.u32 v3, v4  }
0xbf: {  	v3 =	vperm.xlane v3, v0;
	_ =	sdelay $0x1  }
0xc0: {  	v3 =	vadd.s32 v1, v3;
	_ =	sdelay $0x3  }
0xc1: {  	s9 =	simm.s32 $0x13300  }
0xc2: {  	[tilespmem:s9], [sflag:$0x4] =	stream.indirect_vreg.gather [hbm4b:s4+s3], $0x80, v3, vm0, $0xb8;
	[tilespmem:$0x14300] =	vst v63  }
0xc3: {  	s14 =	simm.s32 $0x13B00  }
0xc4: {  	[tilespmem:s14], [sflag:$0x4] =	stream.indirect_vreg.gather [hbm4b:s6+s3], $0x80, v3, vm0, $0xb8;
	[tilespmem:$0x14300] =	vst v63  }
0xc5: {  	_ =	swait.ge [sflag:s30], $0x5000  }
0xc6: {  	[sflag:s30] =	ssyncset.done $0x0  }
0xc7: {  	[sflag:s30] =	ssyncadd.s32 $0xFFFFB000  }
0xc8: {  	_ =	swait.ge [sflag:s29], $0x5000  }
0xc9: {  	[sflag:s29] =	ssyncset.done $0x0  }
0xca: {  	s9 =	simm.s32 $0x300;
	s16 =	rddreg [dreg:$0x6];
	[sflag:s29] =	ssyncadd.s32 $0xFFFFB000  }
0xcb: {  	[hbm4b:s16+s3] =	stream.linear.scatter [tilespmem:s9], [sflag:$0x5], $0x5000, $0x38;
	[tilespmem:$0x14300] =	vst v63  }
0xcc: {  	s22 =	simm.s32 $0xA300;
	s21 =	rddreg [dreg:$0x7]  }
0xcd: {  	[hbm4b:s21+s3] =	stream.linear.scatter [tilespmem:s22], [sflag:$0x7], $0x5000, $0x38;
	[tilespmem:$0x14300] =	vst v63  }
0xce: {  	_ =	swait.ge [sflag:s31], $0x5000  }
0xcf: {  	[sflag:s31] =	ssyncset.done $0x0  }
0xd0: {  	[sflag:s31] =	ssyncadd.s32 $0xFFFFB000  }
0xd1: {  	_ =	swait.ge [sflag:s2], $0x5000  }
0xd2: {  	[sflag:s2] =	ssyncset.done $0x0  }
0xd3: {  	[sflag:s2] =	ssyncadd.s32 $0xFFFFB000  }
0xd4: {  	v3 =	vld [tilespmem:$0x50];
	_ =	sdelay $0x4  }
0xd5: {  	v28 =	vshll.u32 v3, $0x2  }
0xd6: {  	v3 =	vand.u32 $0x7, v3;
	v4 =	vand.u32 $0xFFFFFFE0, v28  }
0xd7: {  	v3 =	vor.u32 v3, v4  }
0xd8: {  	v4 =	vperm.xlane v3, v0;
	_ =	sdelay $0x1  }
0xd9: {  	v4 =	vadd.s32 v1, v4;
	_ =	sdelay $0x1  }
0xda: {  	v3 =	vperm.xlane v3, v2;
	_ =	sdelay $0x1  }
0xdb: {  	v3 =	vadd.s32 v1, v3  }
0xdc: {  	[tilespmem:s9], [sflag:$0x1] =	stream.indirect_vreg.gather [hbm4b:s1+s3], $0x80, v4, vm0, $0xb8;
	[tilespmem:$0x14300] =	vst v63  }
0xdd: {  	s16 =	simm.s32 $0xB00  }
0xde: {  	[tilespmem:s16], [sflag:$0x1] =	stream.indirect_vreg.gather [hbm4b:s5+s3], $0x80, v4, vm0, $0xb8;
	[tilespmem:$0x14300] =	vst v63  }
0xdf: {  	s26 =	simm.s32 $0x1300  }
0xe0: {  	[tilespmem:s26], [sflag:$0x1] =	stream.indirect_vreg.gather [hbm4b:s1+s3], $0x80, v3, vm0, $0xb8;
	[tilespmem:$0x14300] =	vst v63  }
0xe1: {  	s15 =	simm.s32 $0x1B00  }
0xe2: {  	[tilespmem:s15], [sflag:$0x1] =	stream.indirect_vreg.gather [hbm4b:s5+s3], $0x80, v3, vm0, $0xb8;
	[tilespmem:$0x14300] =	vst v63  }
0xe3: {  	v3 =	vld [tilespmem:$0x60];
	_ =	sdelay $0x4  }
0xe4: {  	v29 =	vshll.u32 v3, $0x2  }
0xe5: {  	v3 =	vand.u32 $0x7, v3;
	v4 =	vand.u32 $0xFFFFFFE0, v29  }
0xe6: {  	v3 =	vor.u32 v3, v4  }
0xe7: {  	v4 =	vperm.xlane v3, v0;
	_ =	sdelay $0x1  }
0xe8: {  	v4 =	vadd.s32 v1, v4;
	_ =	sdelay $0x1  }
0xe9: {  	v3 =	vperm.xlane v3, v2;
	_ =	sdelay $0x1  }
0xea: {  	s15 =	simm.s32 $0x2300;
	v3 =	vadd.s32 v1, v3  }
0xeb: {  	[tilespmem:s15], [sflag:$0x1] =	stream.indirect_vreg.gather [hbm4b:s1+s3], $0x80, v4, vm0, $0xb8;
	[tilespmem:$0x14300] =	vst v63  }
0xec: {  	s23 =	simm.s32 $0x2B00  }
0xed: {  	[tilespmem:s23], [sflag:$0x1] =	stream.indirect_vreg.gather [hbm4b:s5+s3], $0x80, v4, vm0, $0xb8;
	[tilespmem:$0x14300] =	vst v63  }
0xee: {  	s25 =	simm.s32 $0x3300  }
0xef: {  	[tilespmem:s25], [sflag:$0x1] =	stream.indirect_vreg.gather [hbm4b:s1+s3], $0x80, v3, vm0, $0xb8;
	[tilespmem:$0x14300] =	vst v63  }
0xf0: {  	s17 =	simm.s32 $0x3B00  }
0xf1: {  	[tilespmem:s17], [sflag:$0x1] =	stream.indirect_vreg.gather [hbm4b:s5+s3], $0x80, v3, vm0, $0xb8;
	[tilespmem:$0x14300] =	vst v63  }
0xf2: {  	v3 =	vld.msk [tilespmem:$0x70], $0xff;
	_ =	sdelay $0x4  }
0xf3: {  	v30 =	vshll.u32 v3, $0x2  }
0xf4: {  	v3 =	vand.u32 $0x7, v3;
	v4 =	vand.u32 $0xFFFFFFE0, v30  }
0xf5: {  	v3 =	vor.u32 v3, v4  }
0xf6: {  	v3 =	vperm.xlane v3, v0;
	_ =	sdelay $0x1  }
0xf7: {  	v3 =	vadd.s32 v1, v3;
	_ =	sdelay $0x3  }
0xf8: {  	s26 =	simm.s32 $0x4300  }
0xf9: {  	[tilespmem:s26], [sflag:$0x1] =	stream.indirect_vreg.gather [hbm4b:s1+s3], $0x80, v3, vm0, $0xb8;
	[tilespmem:$0x14300] =	vst v63  }
0xfa: {  	s18 =	simm.s32 $0x4B00  }
0xfb: {  	[tilespmem:s18], [sflag:$0x1] =	stream.indirect_vreg.gather [hbm4b:s5+s3], $0x80, v3, vm0, $0xb8;
	[tilespmem:$0x14300] =	vst v63  }
0xfc: {  	v3 =	vld [tilespmem:$0x1D0];
	_ =	sdelay $0x4  }
0xfd: {  	v31 =	vshll.u32 v3, $0x2  }
0xfe: {  	v3 =	vand.u32 $0x7, v3;
	v4 =	vand.u32 $0xFFFFFFE0, v31  }
0xff: {  	v3 =	vor.u32 v3, v4  }
0x100: {  	v4 =	vperm.xlane v3, v0;
	_ =	sdelay $0x1  }
0x101: {  	v4 =	vadd.s32 v1, v4;
	_ =	sdelay $0x1  }
0x102: {  	v3 =	vperm.xlane v3, v2;
	_ =	sdelay $0x1  }
0x103: {  	v3 =	vadd.s32 v1, v3  }
0x104: {  	[tilespmem:s22], [sflag:$0x3] =	stream.indirect_vreg.gather [hbm4b:s4+s3], $0x80, v4, vm0, $0xb8;
	[tilespmem:$0x14300] =	vst v63  }
0x105: {  	s17 =	simm.s32 $0xAB00  }
0x106: {  	[tilespmem:s17], [sflag:$0x3] =	stream.indirect_vreg.gather [hbm4b:s6+s3], $0x80, v4, vm0, $0xb8;
	[tilespmem:$0x14300] =	vst v63  }
0x107: {  	s18 =	simm.s32 $0xB300  }
0x108: {  	[tilespmem:s18], [sflag:$0x3] =	stream.indirect_vreg.gather [hbm4b:s4+s3], $0x80, v3, vm0, $0xb8;
	[tilespmem:$0x14300] =	vst v63  }
0x109: {  	s20 =	simm.s32 $0xBB00  }
0x10a: {  	[tilespmem:s20], [sflag:$0x3] =	stream.indirect_vreg.gather [hbm4b:s6+s3], $0x80, v3, vm0, $0xb8;
	[tilespmem:$0x14300] =	vst v63  }
0x10b: {  	v3 =	vld [tilespmem:$0x1E0];
	_ =	sdelay $0x4  }
0x10c: {  	v32 =	vshll.u32 v3, $0x2  }
0x10d: {  	v3 =	vand.u32 $0x7, v3;
	v4 =	vand.u32 $0xFFFFFFE0, v32  }
0x10e: {  	v3 =	vor.u32 v3, v4  }
0x10f: {  	v4 =	vperm.xlane v3, v0;
	_ =	sdelay $0x1  }
0x110: {  	v4 =	vadd.s32 v1, v4;
	_ =	sdelay $0x1  }
0x111: {  	v3 =	vperm.xlane v3, v2;
	_ =	sdelay $0x1  }
0x112: {  	s20 =	simm.s32 $0xC300;
	v3 =	vadd.s32 v1, v3  }
0x113: {  	[tilespmem:s20], [sflag:$0x3] =	stream.indirect_vreg.gather [hbm4b:s4+s3], $0x80, v4, vm0, $0xb8;
	[tilespmem:$0x14300] =	vst v63  }
0x114: {  	s21 =	simm.s32 $0xCB00  }
0x115: {  	[tilespmem:s21], [sflag:$0x3] =	stream.indirect_vreg.gather [hbm4b:s6+s3], $0x80, v4, vm0, $0xb8;
	[tilespmem:$0x14300] =	vst v63  }
0x116: {  	s22 =	simm.s32 $0xD300  }
0x117: {  	[tilespmem:s22], [sflag:$0x3] =	stream.indirect_vreg.gather [hbm4b:s4+s3], $0x80, v3, vm0, $0xb8;
	[tilespmem:$0x14300] =	vst v63  }
0x118: {  	s24 =	simm.s32 $0xDB00  }
0x119: {  	[tilespmem:s24], [sflag:$0x3] =	stream.indirect_vreg.gather [hbm4b:s6+s3], $0x80, v3, vm0, $0xb8;
	[tilespmem:$0x14300] =	vst v63  }
0x11a: {  	v3 =	vld.msk [tilespmem:$0x1F0], $0xff;
	_ =	sdelay $0x4  }
0x11b: {  	v33 =	vshll.u32 v3, $0x2  }
0x11c: {  	v3 =	vand.u32 $0x7, v3;
	v4 =	vand.u32 $0xFFFFFFE0, v33  }
0x11d: {  	v3 =	vor.u32 v3, v4  }
0x11e: {  	v3 =	vperm.xlane v3, v0;
	_ =	sdelay $0x1  }
0x11f: {  	v3 =	vadd.s32 v1, v3;
	_ =	sdelay $0x3  }
0x120: {  	s24 =	simm.s32 $0xE300  }
0x121: {  	[tilespmem:s24], [sflag:$0x3] =	stream.indirect_vreg.gather [hbm4b:s4+s3], $0x80, v3, vm0, $0xb8;
	[tilespmem:$0x14300] =	vst v63  }
0x122: {  	s14 =	simm.s32 $0xEB00  }
0x123: {  	[tilespmem:s14], [sflag:$0x3] =	stream.indirect_vreg.gather [hbm4b:s6+s3], $0x80, v3, vm0, $0xb8;
	[tilespmem:$0x14300] =	vst v63  }
0x124: {  	_ =	swait.ge [sflag:s0], $0x5000  }
0x125: {  	[sflag:s0] =	ssyncset.done $0x0  }
0x126: {  	[sflag:s0] =	ssyncadd.s32 $0xFFFFB000  }
0x127: {  	_ =	swait.ge [sflag:s10], $0x5000  }
0x128: {  	[sflag:s10] =	ssyncset.done $0x0  }
0x129: {  	s28 =	simm.s32 $0x5300;
	s13 =	rddreg [dreg:$0x8];
	[sflag:s10] =	ssyncadd.s32 $0xFFFFB000  }
0x12a: {  	[hbm4b:s13+s3] =	stream.linear.scatter [tilespmem:s28], [sflag:$0x6], $0x5000, $0x38;
	[tilespmem:$0x14300] =	vst v63  }
0x12b: {  	s14 =	rddreg [dreg:$0x9]  }
0x12c: {  	[hbm4b:s14+s3] =	stream.linear.scatter [tilespmem:s8], [sflag:$0x8], $0x5000, $0x38;
	[tilespmem:$0x14300] =	vst v63  }
0x12d: {  	_ =	swait.ge [sflag:s11], $0x5000  }
0x12e: {  	[sflag:s11] =	ssyncset.done $0x0  }
0x12f: {  	[sflag:s11] =	ssyncadd.s32 $0xFFFFB000  }
0x130: {  	_ =	swait.ge [sflag:s12], $0x5000  }
0x131: {  	[sflag:s12] =	ssyncset.done $0x0  }
0x132: {  	[sflag:s12] =	ssyncadd.s32 $0xFFFFB000  }
0x133: {  	v3 =	vld [tilespmem:$0x78];
	_ =	sdelay $0x4  }
0x134: {  	v34 =	vshll.u32 v3, $0x2  }
0x135: {  	v3 =	vand.u32 $0x7, v3;
	v4 =	vand.u32 $0xFFFFFFE0, v34  }
0x136: {  	v3 =	vor.u32 v3, v4  }
0x137: {  	v4 =	vperm.xlane v3, v0;
	_ =	sdelay $0x1  }
0x138: {  	v4 =	vadd.s32 v1, v4;
	_ =	sdelay $0x1  }
0x139: {  	v3 =	vperm.xlane v3, v2;
	_ =	sdelay $0x1  }
0x13a: {  	v3 =	vadd.s32 v1, v3  }
0x13b: {  	[tilespmem:s28], [sflag:$0x2] =	stream.indirect_vreg.gather [hbm4b:s1+s3], $0x80, v4, vm0, $0xb8;
	[tilespmem:$0x14300] =	vst v63  }
0x13c: {  	s19 =	simm.s32 $0x5B00  }
0x13d: {  	[tilespmem:s19], [sflag:$0x2] =	stream.indirect_vreg.gather [hbm4b:s5+s3], $0x80, v4, vm0, $0xb8;
	[tilespmem:$0x14300] =	vst v63  }
0x13e: {  	s28 =	simm.s32 $0x6300  }
0x13f: {  	[tilespmem:s28], [sflag:$0x2] =	stream.indirect_vreg.gather [hbm4b:s1+s3], $0x80, v3, vm0, $0xb8;
	[tilespmem:$0x14300] =	vst v63  }
0x140: {  	s14 =	simm.s32 $0x6B00  }
0x141: {  	[tilespmem:s14], [sflag:$0x2] =	stream.indirect_vreg.gather [hbm4b:s5+s3], $0x80, v3, vm0, $0xb8;
	[tilespmem:$0x14300] =	vst v63  }
0x142: {  	v3 =	vld [tilespmem:$0x88];
	_ =	sdelay $0x4  }
0x143: {  	v35 =	vshll.u32 v3, $0x2  }
0x144: {  	v3 =	vand.u32 $0x7, v3;
	v4 =	vand.u32 $0xFFFFFFE0, v35  }
0x145: {  	v3 =	vor.u32 v3, v4  }
0x146: {  	v4 =	vperm.xlane v3, v0;
	_ =	sdelay $0x1  }
0x147: {  	v4 =	vadd.s32 v1, v4;
	_ =	sdelay $0x1  }
0x148: {  	v3 =	vperm.xlane v3, v2;
	_ =	sdelay $0x1  }
0x149: {  	s19 =	simm.s32 $0x7300;
	v3 =	vadd.s32 v1, v3  }
0x14a: {  	[tilespmem:s19], [sflag:$0x2] =	stream.indirect_vreg.gather [hbm4b:s1+s3], $0x80, v4, vm0, $0xb8;
	[tilespmem:$0x14300] =	vst v63  }
0x14b: {  	s28 =	simm.s32 $0x7B00  }
0x14c: {  	[tilespmem:s28], [sflag:$0x2] =	stream.indirect_vreg.gather [hbm4b:s5+s3], $0x80, v4, vm0, $0xb8;
	[tilespmem:$0x14300] =	vst v63  }
0x14d: {  	s14 =	simm.s32 $0x8300  }
0x14e: {  	[tilespmem:s14], [sflag:$0x2] =	stream.indirect_vreg.gather [hbm4b:s1+s3], $0x80, v3, vm0, $0xb8;
	[tilespmem:$0x14300] =	vst v63  }
0x14f: {  	s19 =	simm.s32 $0x8B00  }
0x150: {  	[tilespmem:s19], [sflag:$0x2] =	stream.indirect_vreg.gather [hbm4b:s5+s3], $0x80, v3, vm0, $0xb8;
	[tilespmem:$0x14300] =	vst v63  }
0x151: {  	v3 =	vld.msk [tilespmem:$0x98], $0xff;
	_ =	sdelay $0x4  }
0x152: {  	v36 =	vshll.u32 v3, $0x2  }
0x153: {  	v3 =	vand.u32 $0x7, v3;
	v4 =	vand.u32 $0xFFFFFFE0, v36  }
0x154: {  	v3 =	vor.u32 v3, v4  }
0x155: {  	v3 =	vperm.xlane v3, v0;
	_ =	sdelay $0x1  }
0x156: {  	v3 =	vadd.s32 v1, v3;
	_ =	sdelay $0x3  }
0x157: {  	s28 =	simm.s32 $0x9300  }
0x158: {  	[tilespmem:s28], [sflag:$0x2] =	stream.indirect_vreg.gather [hbm4b:s1+s3], $0x80, v3, vm0, $0xb8;
	[tilespmem:$0x14300] =	vst v63  }
0x159: {  	s14 =	simm.s32 $0x9B00  }
0x15a: {  	[tilespmem:s14], [sflag:$0x2] =	stream.indirect_vreg.gather [hbm4b:s5+s3], $0x80, v3, vm0, $0xb8;
	[tilespmem:$0x14300] =	vst v63  }
0x15b: {  	v3 =	vld [tilespmem:$0x1F8];
	_ =	sdelay $0x4  }
0x15c: {  	v37 =	vshll.u32 v3, $0x2  }
0x15d: {  	v3 =	vand.u32 $0x7, v3;
	v4 =	vand.u32 $0xFFFFFFE0, v37  }
0x15e: {  	v3 =	vor.u32 v3, v4  }
0x15f: {  	v4 =	vperm.xlane v3, v0;
	_ =	sdelay $0x1  }
0x160: {  	v4 =	vadd.s32 v1, v4;
	_ =	sdelay $0x1  }
0x161: {  	v3 =	vperm.xlane v3, v2;
	_ =	sdelay $0x1  }
0x162: {  	v3 =	vadd.s32 v1, v3  }
0x163: {  	[tilespmem:s8], [sflag:$0x4] =	stream.indirect_vreg.gather [hbm4b:s4+s3], $0x80, v4, vm0, $0xb8;
	[tilespmem:$0x14300] =	vst v63  }
0x164: {  	s19 =	simm.s32 $0xFB00  }
0x165: {  	[tilespmem:s19], [sflag:$0x4] =	stream.indirect_vreg.gather [hbm4b:s6+s3], $0x80, v4, vm0, $0xb8;
	[tilespmem:$0x14300] =	vst v63  }
0x166: {  	s28 =	simm.s32 $0x10300  }
0x167: {  	[tilespmem:s28], [sflag:$0x4] =	stream.indirect_vreg.gather [hbm4b:s4+s3], $0x80, v3, vm0, $0xb8;
	[tilespmem:$0x14300] =	vst v63  }
0x168: {  	s14 =	simm.s32 $0x10B00  }
0x169: {  	[tilespmem:s14], [sflag:$0x4] =	stream.indirect_vreg.gather [hbm4b:s6+s3], $0x80, v3, vm0, $0xb8;
	[tilespmem:$0x14300] =	vst v63  }
0x16a: {  	v3 =	vld [tilespmem:$0x208];
	_ =	sdelay $0x4  }
0x16b: {  	v38 =	vshll.u32 v3, $0x2  }
0x16c: {  	v3 =	vand.u32 $0x7, v3;
	v4 =	vand.u32 $0xFFFFFFE0, v38  }
0x16d: {  	v3 =	vor.u32 v3, v4  }
0x16e: {  	v4 =	vperm.xlane v3, v0;
	_ =	sdelay $0x1  }
0x16f: {  	v4 =	vadd.s32 v1, v4;
	_ =	sdelay $0x1  }
0x170: {  	v3 =	vperm.xlane v3, v2;
	_ =	sdelay $0x1  }
0x171: {  	s19 =	simm.s32 $0x11300;
	v3 =	vadd.s32 v1, v3  }
0x172: {  	[tilespmem:s19], [sflag:$0x4] =	stream.indirect_vreg.gather [hbm4b:s4+s3], $0x80, v4, vm0, $0xb8;
	[tilespmem:$0x14300] =	vst v63  }
0x173: {  	s28 =	simm.s32 $0x11B00  }
0x174: {  	[tilespmem:s28], [sflag:$0x4] =	stream.indirect_vreg.gather [hbm4b:s6+s3], $0x80, v4, vm0, $0xb8;
	[tilespmem:$0x14300] =	vst v63  }
0x175: {  	s14 =	simm.s32 $0x12300  }
0x176: {  	[tilespmem:s14], [sflag:$0x4] =	stream.indirect_vreg.gather [hbm4b:s4+s3], $0x80, v3, vm0, $0xb8;
	[tilespmem:$0x14300] =	vst v63  }
0x177: {  	s19 =	simm.s32 $0x12B00  }
0x178: {  	[tilespmem:s19], [sflag:$0x4] =	stream.indirect_vreg.gather [hbm4b:s6+s3], $0x80, v3, vm0, $0xb8;
	[tilespmem:$0x14300] =	vst v63  }
0x179: {  	v3 =	vld.msk [tilespmem:$0x218], $0xff;
	_ =	sdelay $0x4  }
0x17a: {  	v39 =	vshll.u32 v3, $0x2  }
0x17b: {  	v3 =	vand.u32 $0x7, v3;
	v4 =	vand.u32 $0xFFFFFFE0, v39  }
0x17c: {  	v3 =	vor.u32 v3, v4  }
0x17d: {  	v3 =	vperm.xlane v3, v0;
	_ =	sdelay $0x1  }
0x17e: {  	v3 =	vadd.s32 v1, v3;
	_ =	sdelay $0x3  }
0x17f: {  	s28 =	simm.s32 $0x13300  }
0x180: {  	[tilespmem:s28], [sflag:$0x4] =	stream.indirect_vreg.gather [hbm4b:s4+s3], $0x80, v3, vm0, $0xb8;
	[tilespmem:$0x14300] =	vst v63  }
0x181: {  	s14 =	simm.s32 $0x13B00  }
0x182: {  	[tilespmem:s14], [sflag:$0x4] =	stream.indirect_vreg.gather [hbm4b:s6+s3], $0x80, v3, vm0, $0xb8;
	[tilespmem:$0x14300] =	vst v63  }
0x183: {  	_ =	swait.ge [sflag:s30], $0x5000  }
0x184: {  	[sflag:s30] =	ssyncset.done $0x0  }
0x185: {  	[sflag:s30] =	ssyncadd.s32 $0xFFFFB000  }
0x186: {  	_ =	swait.ge [sflag:s29], $0x5000  }
0x187: {  	[sflag:s29] =	ssyncset.done $0x0  }
0x188: {  	s19 =	simm.s32 $0x300;
	s13 =	rddreg [dreg:$0xa];
	[sflag:s29] =	ssyncadd.s32 $0xFFFFB000  }
0x189: {  	[hbm4b:s13+s3] =	stream.linear.scatter [tilespmem:s19], [sflag:$0x5], $0x5000, $0x38;
	[tilespmem:$0x14300] =	vst v63  }
0x18a: {  	s9 =	simm.s32 $0xA300;
	s14 =	rddreg [dreg:$0xb]  }
0x18b: {  	[hbm4b:s14+s3] =	stream.linear.scatter [tilespmem:s9], [sflag:$0x7], $0x5000, $0x38;
	[tilespmem:$0x14300] =	vst v63  }
0x18c: {  	_ =	swait.ge [sflag:s31], $0x5000  }
0x18d: {  	[sflag:s31] =	ssyncset.done $0x0  }
0x18e: {  	[sflag:s31] =	ssyncadd.s32 $0xFFFFB000  }
0x18f: {  	_ =	swait.ge [sflag:s2], $0x5000  }
0x190: {  	[sflag:s2] =	ssyncset.done $0x0  }
0x191: {  	[sflag:s2] =	ssyncadd.s32 $0xFFFFB000  }
0x192: {  	v3 =	vld [tilespmem:$0xA0];
	_ =	sdelay $0x4  }
0x193: {  	v40 =	vshll.u32 v3, $0x2  }
0x194: {  	v3 =	vand.u32 $0x7, v3;
	v4 =	vand.u32 $0xFFFFFFE0, v40  }
0x195: {  	v3 =	vor.u32 v3, v4  }
0x196: {  	v4 =	vperm.xlane v3, v0;
	_ =	sdelay $0x1  }
0x197: {  	v4 =	vadd.s32 v1, v4;
	_ =	sdelay $0x1  }
0x198: {  	v3 =	vperm.xlane v3, v2;
	_ =	sdelay $0x1  }
0x199: {  	v3 =	vadd.s32 v1, v3  }
0x19a: {  	[tilespmem:s19], [sflag:$0x1] =	stream.indirect_vreg.gather [hbm4b:s1+s3], $0x80, v4, vm0, $0xb8;
	[tilespmem:$0x14300] =	vst v63  }
0x19b: {  	_ = 	snop  }
0x19c: {  	[tilespmem:s16], [sflag:$0x1] =	stream.indirect_vreg.gather [hbm4b:s5+s3], $0x80, v4, vm0, $0xb8;
	[tilespmem:$0x14300] =	vst v63  }
0x19d: {  	s19 =	simm.s32 $0x1300  }
0x19e: {  	[tilespmem:s19], [sflag:$0x1] =	stream.indirect_vreg.gather [hbm4b:s1+s3], $0x80, v3, vm0, $0xb8;
	[tilespmem:$0x14300] =	vst v63  }
0x19f: {  	s19 =	simm.s32 $0x1B00  }
0x1a0: {  	[tilespmem:s19], [sflag:$0x1] =	stream.indirect_vreg.gather [hbm4b:s5+s3], $0x80, v3, vm0, $0xb8;
	[tilespmem:$0x14300] =	vst v63  }
0x1a1: {  	v3 =	vld [tilespmem:$0xB0];
	_ =	sdelay $0x4  }
0x1a2: {  	v41 =	vshll.u32 v3, $0x2  }
0x1a3: {  	v3 =	vand.u32 $0x7, v3;
	v4 =	vand.u32 $0xFFFFFFE0, v41  }
0x1a4: {  	v3 =	vor.u32 v3, v4  }
0x1a5: {  	v4 =	vperm.xlane v3, v0;
	_ =	sdelay $0x1  }
0x1a6: {  	v4 =	vadd.s32 v1, v4;
	_ =	sdelay $0x1  }
0x1a7: {  	v3 =	vperm.xlane v3, v2;
	_ =	sdelay $0x1  }
0x1a8: {  	v3 =	vadd.s32 v1, v3  }
0x1a9: {  	[tilespmem:s15], [sflag:$0x1] =	stream.indirect_vreg.gather [hbm4b:s1+s3], $0x80, v4, vm0, $0xb8;
	[tilespmem:$0x14300] =	vst v63  }
0x1aa: {  	_ = 	snop  }
0x1ab: {  	[tilespmem:s23], [sflag:$0x1] =	stream.indirect_vreg.gather [hbm4b:s5+s3], $0x80, v4, vm0, $0xb8;
	[tilespmem:$0x14300] =	vst v63  }
0x1ac: {  	_ = 	snop  }
0x1ad: {  	[tilespmem:s25], [sflag:$0x1] =	stream.indirect_vreg.gather [hbm4b:s1+s3], $0x80, v3, vm0, $0xb8;
	[tilespmem:$0x14300] =	vst v63  }
0x1ae: {  	s15 =	simm.s32 $0x3B00  }
0x1af: {  	[tilespmem:s15], [sflag:$0x1] =	stream.indirect_vreg.gather [hbm4b:s5+s3], $0x80, v3, vm0, $0xb8;
	[tilespmem:$0x14300] =	vst v63  }
0x1b0: {  	v3 =	vld.msk [tilespmem:$0xC0], $0xff;
	_ =	sdelay $0x4  }
0x1b1: {  	v42 =	vshll.u32 v3, $0x2  }
0x1b2: {  	v3 =	vand.u32 $0x7, v3;
	v4 =	vand.u32 $0xFFFFFFE0, v42  }
0x1b3: {  	v3 =	vor.u32 v3, v4  }
0x1b4: {  	v3 =	vperm.xlane v3, v0;
	_ =	sdelay $0x1  }
0x1b5: {  	v3 =	vadd.s32 v1, v3;
	_ =	sdelay $0x4  }
0x1b6: {  	[tilespmem:s26], [sflag:$0x1] =	stream.indirect_vreg.gather [hbm4b:s1+s3], $0x80, v3, vm0, $0xb8;
	[tilespmem:$0x14300] =	vst v63  }
0x1b7: {  	s16 =	simm.s32 $0x4B00  }
0x1b8: {  	[tilespmem:s16], [sflag:$0x1] =	stream.indirect_vreg.gather [hbm4b:s5+s3], $0x80, v3, vm0, $0xb8;
	[tilespmem:$0x14300] =	vst v63  }
0x1b9: {  	v3 =	vld [tilespmem:$0x220];
	_ =	sdelay $0x4  }
0x1ba: {  	v43 =	vshll.u32 v3, $0x2  }
0x1bb: {  	v3 =	vand.u32 $0x7, v3;
	v4 =	vand.u32 $0xFFFFFFE0, v43  }
0x1bc: {  	v3 =	vor.u32 v3, v4  }
0x1bd: {  	v4 =	vperm.xlane v3, v0;
	_ =	sdelay $0x1  }
0x1be: {  	v4 =	vadd.s32 v1, v4;
	_ =	sdelay $0x1  }
0x1bf: {  	v3 =	vperm.xlane v3, v2;
	_ =	sdelay $0x1  }
0x1c0: {  	v3 =	vadd.s32 v1, v3  }
0x1c1: {  	[tilespmem:s9], [sflag:$0x3] =	stream.indirect_vreg.gather [hbm4b:s4+s3], $0x80, v4, vm0, $0xb8;
	[tilespmem:$0x14300] =	vst v63  }
0x1c2: {  	_ = 	snop  }
0x1c3: {  	[tilespmem:s17], [sflag:$0x3] =	stream.indirect_vreg.gather [hbm4b:s6+s3], $0x80, v4, vm0, $0xb8;
	[tilespmem:$0x14300] =	vst v63  }
0x1c4: {  	_ = 	snop  }
0x1c5: {  	[tilespmem:s18], [sflag:$0x3] =	stream.indirect_vreg.gather [hbm4b:s4+s3], $0x80, v3, vm0, $0xb8;
	[tilespmem:$0x14300] =	vst v63  }
0x1c6: {  	s17 =	simm.s32 $0xBB00  }
0x1c7: {  	[tilespmem:s17], [sflag:$0x3] =	stream.indirect_vreg.gather [hbm4b:s6+s3], $0x80, v3, vm0, $0xb8;
	[tilespmem:$0x14300] =	vst v63  }
0x1c8: {  	v3 =	vld [tilespmem:$0x230];
	_ =	sdelay $0x4  }
0x1c9: {  	v44 =	vshll.u32 v3, $0x2  }
0x1ca: {  	v3 =	vand.u32 $0x7, v3;
	v4 =	vand.u32 $0xFFFFFFE0, v44  }
0x1cb: {  	v3 =	vor.u32 v3, v4  }
0x1cc: {  	v4 =	vperm.xlane v3, v0;
	_ =	sdelay $0x1  }
0x1cd: {  	v4 =	vadd.s32 v1, v4;
	_ =	sdelay $0x1  }
0x1ce: {  	v3 =	vperm.xlane v3, v2;
	_ =	sdelay $0x1  }
0x1cf: {  	v3 =	vadd.s32 v1, v3  }
0x1d0: {  	[tilespmem:s20], [sflag:$0x3] =	stream.indirect_vreg.gather [hbm4b:s4+s3], $0x80, v4, vm0, $0xb8;
	[tilespmem:$0x14300] =	vst v63  }
0x1d1: {  	_ = 	snop  }
0x1d2: {  	[tilespmem:s21], [sflag:$0x3] =	stream.indirect_vreg.gather [hbm4b:s6+s3], $0x80, v4, vm0, $0xb8;
	[tilespmem:$0x14300] =	vst v63  }
0x1d3: {  	_ = 	snop  }
0x1d4: {  	[tilespmem:s22], [sflag:$0x3] =	stream.indirect_vreg.gather [hbm4b:s4+s3], $0x80, v3, vm0, $0xb8;
	[tilespmem:$0x14300] =	vst v63  }
0x1d5: {  	s18 =	simm.s32 $0xDB00  }
0x1d6: {  	[tilespmem:s18], [sflag:$0x3] =	stream.indirect_vreg.gather [hbm4b:s6+s3], $0x80, v3, vm0, $0xb8;
	[tilespmem:$0x14300] =	vst v63  }
0x1d7: {  	v3 =	vld.msk [tilespmem:$0x240], $0xff;
	_ =	sdelay $0x4  }
0x1d8: {  	v45 =	vshll.u32 v3, $0x2  }
0x1d9: {  	v3 =	vand.u32 $0x7, v3;
	v4 =	vand.u32 $0xFFFFFFE0, v45  }
0x1da: {  	v3 =	vor.u32 v3, v4  }
0x1db: {  	v3 =	vperm.xlane v3, v0;
	_ =	sdelay $0x1  }
0x1dc: {  	v3 =	vadd.s32 v1, v3;
	_ =	sdelay $0x4  }
0x1dd: {  	[tilespmem:s24], [sflag:$0x3] =	stream.indirect_vreg.gather [hbm4b:s4+s3], $0x80, v3, vm0, $0xb8;
	[tilespmem:$0x14300] =	vst v63  }
0x1de: {  	s21 =	simm.s32 $0xEB00  }
0x1df: {  	[tilespmem:s21], [sflag:$0x3] =	stream.indirect_vreg.gather [hbm4b:s6+s3], $0x80, v3, vm0, $0xb8;
	[tilespmem:$0x14300] =	vst v63  }
0x1e0: {  	_ =	swait.ge [sflag:s0], $0x5000  }
0x1e1: {  	[sflag:s0] =	ssyncset.done $0x0  }
0x1e2: {  	[sflag:s0] =	ssyncadd.s32 $0xFFFFB000  }
0x1e3: {  	_ =	swait.ge [sflag:s10], $0x5000  }
0x1e4: {  	[sflag:s10] =	ssyncset.done $0x0  }
0x1e5: {  	s24 =	simm.s32 $0x5300;
	s22 =	rddreg [dreg:$0xc];
	[sflag:s10] =	ssyncadd.s32 $0xFFFFB000  }
0x1e6: {  	[hbm4b:s22+s3] =	stream.linear.scatter [tilespmem:s24], [sflag:$0x6], $0x5000, $0x38;
	[tilespmem:$0x14300] =	vst v63  }
0x1e7: {  	s23 =	rddreg [dreg:$0xd]  }
0x1e8: {  	[hbm4b:s23+s3] =	stream.linear.scatter [tilespmem:s8], [sflag:$0x8], $0x5000, $0x38;
	[tilespmem:$0x14300] =	vst v63  }
0x1e9: {  	_ =	swait.ge [sflag:s11], $0x5000  }
0x1ea: {  	[sflag:s11] =	ssyncset.done $0x0  }
0x1eb: {  	[sflag:s11] =	ssyncadd.s32 $0xFFFFB000  }
0x1ec: {  	_ =	swait.ge [sflag:s12], $0x5000  }
0x1ed: {  	[sflag:s12] =	ssyncset.done $0x0  }
0x1ee: {  	[sflag:s12] =	ssyncadd.s32 $0xFFFFB000  }
0x1ef: {  	v3 =	vld [tilespmem:$0xC8];
	_ =	sdelay $0x4  }
0x1f0: {  	v46 =	vshll.u32 v3, $0x2  }
0x1f1: {  	v3 =	vand.u32 $0x7, v3;
	v4 =	vand.u32 $0xFFFFFFE0, v46  }
0x1f2: {  	v3 =	vor.u32 v3, v4  }
0x1f3: {  	v4 =	vperm.xlane v3, v0;
	_ =	sdelay $0x1  }
0x1f4: {  	v4 =	vadd.s32 v1, v4;
	_ =	sdelay $0x1  }
0x1f5: {  	v3 =	vperm.xlane v3, v2;
	_ =	sdelay $0x1  }
0x1f6: {  	v3 =	vadd.s32 v1, v3  }
0x1f7: {  	[tilespmem:s24], [sflag:$0x2] =	stream.indirect_vreg.gather [hbm4b:s1+s3], $0x80, v4, vm0, $0xb8;
	[tilespmem:$0x14300] =	vst v63  }
0x1f8: {  	s28 =	simm.s32 $0x5B00  }
0x1f9: {  	[tilespmem:s28], [sflag:$0x2] =	stream.indirect_vreg.gather [hbm4b:s5+s3], $0x80, v4, vm0, $0xb8;
	[tilespmem:$0x14300] =	vst v63  }
0x1fa: {  	s25 =	simm.s32 $0x6300  }
0x1fb: {  	[tilespmem:s25], [sflag:$0x2] =	stream.indirect_vreg.gather [hbm4b:s1+s3], $0x80, v3, vm0, $0xb8;
	[tilespmem:$0x14300] =	vst v63  }
0x1fc: {  	s25 =	simm.s32 $0x6B00  }
0x1fd: {  	[tilespmem:s25], [sflag:$0x2] =	stream.indirect_vreg.gather [hbm4b:s5+s3], $0x80, v3, vm0, $0xb8;
	[tilespmem:$0x14300] =	vst v63  }
0x1fe: {  	v3 =	vld [tilespmem:$0xD8];
	_ =	sdelay $0x4  }
0x1ff: {  	v47 =	vshll.u32 v3, $0x2  }
0x200: {  	v3 =	vand.u32 $0x7, v3;
	v4 =	vand.u32 $0xFFFFFFE0, v47  }
0x201: {  	v3 =	vor.u32 v3, v4  }
0x202: {  	v4 =	vperm.xlane v3, v0;
	_ =	sdelay $0x1  }
0x203: {  	v4 =	vadd.s32 v1, v4;
	_ =	sdelay $0x1  }
0x204: {  	v3 =	vperm.xlane v3, v2;
	_ =	sdelay $0x1  }
0x205: {  	s26 =	simm.s32 $0x7300;
	v3 =	vadd.s32 v1, v3  }
0x206: {  	[tilespmem:s26], [sflag:$0x2] =	stream.indirect_vreg.gather [hbm4b:s1+s3], $0x80, v4, vm0, $0xb8;
	[tilespmem:$0x14300] =	vst v63  }
0x207: {  	s9 =	simm.s32 $0x7B00  }
0x208: {  	[tilespmem:s9], [sflag:$0x2] =	stream.indirect_vreg.gather [hbm4b:s5+s3], $0x80, v4, vm0, $0xb8;
	[tilespmem:$0x14300] =	vst v63  }
0x209: {  	s14 =	simm.s32 $0x8300  }
0x20a: {  	[tilespmem:s14], [sflag:$0x2] =	stream.indirect_vreg.gather [hbm4b:s1+s3], $0x80, v3, vm0, $0xb8;
	[tilespmem:$0x14300] =	vst v63  }
0x20b: {  	s26 =	simm.s32 $0x8B00  }
0x20c: {  	[tilespmem:s26], [sflag:$0x2] =	stream.indirect_vreg.gather [hbm4b:s5+s3], $0x80, v3, vm0, $0xb8;
	[tilespmem:$0x14300] =	vst v63  }
0x20d: {  	v3 =	vld.msk [tilespmem:$0xE8], $0xff;
	_ =	sdelay $0x4  }
0x20e: {  	v48 =	vshll.u32 v3, $0x2  }
0x20f: {  	v3 =	vand.u32 $0x7, v3;
	v4 =	vand.u32 $0xFFFFFFE0, v48  }
0x210: {  	v3 =	vor.u32 v3, v4  }
0x211: {  	v3 =	vperm.xlane v3, v0;
	_ =	sdelay $0x1  }
0x212: {  	v3 =	vadd.s32 v1, v3;
	_ =	sdelay $0x3  }
0x213: {  	s20 =	simm.s32 $0x9300  }
0x214: {  	[tilespmem:s20], [sflag:$0x2] =	stream.indirect_vreg.gather [hbm4b:s1+s3], $0x80, v3, vm0, $0xb8;
	[tilespmem:$0x14300] =	vst v63  }
0x215: {  	s21 =	simm.s32 $0x9B00  }
0x216: {  	[tilespmem:s21], [sflag:$0x2] =	stream.indirect_vreg.gather [hbm4b:s5+s3], $0x80, v3, vm0, $0xb8;
	[tilespmem:$0x14300] =	vst v63  }
0x217: {  	v3 =	vld [tilespmem:$0x248];
	_ =	sdelay $0x4  }
0x218: {  	v49 =	vshll.u32 v3, $0x2  }
0x219: {  	v3 =	vand.u32 $0x7, v3;
	v4 =	vand.u32 $0xFFFFFFE0, v49  }
0x21a: {  	v3 =	vor.u32 v3, v4  }
0x21b: {  	v4 =	vperm.xlane v3, v0;
	_ =	sdelay $0x1  }
0x21c: {  	v4 =	vadd.s32 v1, v4;
	_ =	sdelay $0x1  }
0x21d: {  	v3 =	vperm.xlane v3, v2;
	_ =	sdelay $0x1  }
0x21e: {  	v3 =	vadd.s32 v1, v3  }
0x21f: {  	[tilespmem:s8], [sflag:$0x4] =	stream.indirect_vreg.gather [hbm4b:s4+s3], $0x80, v4, vm0, $0xb8;
	[tilespmem:$0x14300] =	vst v63  }
0x220: {  	s22 =	simm.s32 $0xFB00  }
0x221: {  	[tilespmem:s22], [sflag:$0x4] =	stream.indirect_vreg.gather [hbm4b:s6+s3], $0x80, v4, vm0, $0xb8;
	[tilespmem:$0x14300] =	vst v63  }
0x222: {  	s20 =	simm.s32 $0x10300  }
0x223: {  	[tilespmem:s20], [sflag:$0x4] =	stream.indirect_vreg.gather [hbm4b:s4+s3], $0x80, v3, vm0, $0xb8;
	[tilespmem:$0x14300] =	vst v63  }
0x224: {  	s23 =	simm.s32 $0x10B00  }
0x225: {  	[tilespmem:s23], [sflag:$0x4] =	stream.indirect_vreg.gather [hbm4b:s6+s3], $0x80, v3, vm0, $0xb8;
	[tilespmem:$0x14300] =	vst v63  }
0x226: {  	v3 =	vld [tilespmem:$0x258];
	_ =	sdelay $0x4  }
0x227: {  	v50 =	vshll.u32 v3, $0x2  }
0x228: {  	v3 =	vand.u32 $0x7, v3;
	v4 =	vand.u32 $0xFFFFFFE0, v50  }
0x229: {  	v3 =	vor.u32 v3, v4  }
0x22a: {  	v4 =	vperm.xlane v3, v0;
	_ =	sdelay $0x1  }
0x22b: {  	v4 =	vadd.s32 v1, v4;
	_ =	sdelay $0x1  }
0x22c: {  	v3 =	vperm.xlane v3, v2;
	_ =	sdelay $0x1  }
0x22d: {  	s21 =	simm.s32 $0x11300;
	v3 =	vadd.s32 v1, v3  }
0x22e: {  	[tilespmem:s21], [sflag:$0x4] =	stream.indirect_vreg.gather [hbm4b:s4+s3], $0x80, v4, vm0, $0xb8;
	[tilespmem:$0x14300] =	vst v63  }
0x22f: {  	s22 =	simm.s32 $0x11B00  }
0x230: {  	[tilespmem:s22], [sflag:$0x4] =	stream.indirect_vreg.gather [hbm4b:s6+s3], $0x80, v4, vm0, $0xb8;
	[tilespmem:$0x14300] =	vst v63  }
0x231: {  	s23 =	simm.s32 $0x12300  }
0x232: {  	[tilespmem:s23], [sflag:$0x4] =	stream.indirect_vreg.gather [hbm4b:s4+s3], $0x80, v3, vm0, $0xb8;
	[tilespmem:$0x14300] =	vst v63  }
0x233: {  	s24 =	simm.s32 $0x12B00  }
0x234: {  	[tilespmem:s24], [sflag:$0x4] =	stream.indirect_vreg.gather [hbm4b:s6+s3], $0x80, v3, vm0, $0xb8;
	[tilespmem:$0x14300] =	vst v63  }
0x235: {  	v3 =	vld.msk [tilespmem:$0x268], $0xff;
	_ =	sdelay $0x4  }
0x236: {  	v51 =	vshll.u32 v3, $0x2  }
0x237: {  	v3 =	vand.u32 $0x7, v3;
	v4 =	vand.u32 $0xFFFFFFE0, v51  }
0x238: {  	v3 =	vor.u32 v3, v4  }
0x239: {  	v3 =	vperm.xlane v3, v0;
	_ =	sdelay $0x1  }
0x23a: {  	v3 =	vadd.s32 v1, v3;
	_ =	sdelay $0x3  }
0x23b: {  	s24 =	simm.s32 $0x13300  }
0x23c: {  	[tilespmem:s24], [sflag:$0x4] =	stream.indirect_vreg.gather [hbm4b:s4+s3], $0x80, v3, vm0, $0xb8;
	[tilespmem:$0x14300] =	vst v63  }
0x23d: {  	s9 =	simm.s32 $0x13B00  }
0x23e: {  	[tilespmem:s9], [sflag:$0x4] =	stream.indirect_vreg.gather [hbm4b:s6+s3], $0x80, v3, vm0, $0xb8;
	[tilespmem:$0x14300] =	vst v63  }
0x23f: {  	_ =	swait.ge [sflag:s30], $0x5000  }
0x240: {  	[sflag:s30] =	ssyncset.done $0x0  }
0x241: {  	[sflag:s30] =	ssyncadd.s32 $0xFFFFB000  }
0x242: {  	_ =	swait.ge [sflag:s29], $0x5000  }
0x243: {  	[sflag:s29] =	ssyncset.done $0x0  }
0x244: {  	s9 =	simm.s32 $0x300;
	s13 =	rddreg [dreg:$0xe];
	[sflag:s29] =	ssyncadd.s32 $0xFFFFB000  }
0x245: {  	[hbm4b:s13+s3] =	stream.linear.scatter [tilespmem:s9], [sflag:$0x5], $0x5000, $0x38;
	[tilespmem:$0x14300] =	vst v63  }
0x246: {  	s14 =	rddreg [dreg:$0xf];
	s13 =	simm.s32 $0xA300  }
0x247: {  	[hbm4b:s14+s3] =	stream.linear.scatter [tilespmem:s13], [sflag:$0x7], $0x5000, $0x38;
	[tilespmem:$0x14300] =	vst v63  }
0x248: {  	_ =	swait.ge [sflag:s31], $0x5000  }
0x249: {  	[sflag:s31] =	ssyncset.done $0x0  }
0x24a: {  	[sflag:s31] =	ssyncadd.s32 $0xFFFFB000  }
0x24b: {  	_ =	swait.ge [sflag:s2], $0x5000  }
0x24c: {  	[sflag:s2] =	ssyncset.done $0x0  }
0x24d: {  	[sflag:s2] =	ssyncadd.s32 $0xFFFFB000  }
0x24e: {  	v3 =	vld [tilespmem:$0xF0];
	_ =	sdelay $0x4  }
0x24f: {  	v52 =	vshll.u32 v3, $0x2  }
0x250: {  	v3 =	vand.u32 $0x7, v3;
	v4 =	vand.u32 $0xFFFFFFE0, v52  }
0x251: {  	v3 =	vor.u32 v3, v4  }
0x252: {  	v4 =	vperm.xlane v3, v0;
	_ =	sdelay $0x1  }
0x253: {  	v4 =	vadd.s32 v1, v4;
	_ =	sdelay $0x1  }
0x254: {  	v3 =	vperm.xlane v3, v2;
	_ =	sdelay $0x1  }
0x255: {  	v3 =	vadd.s32 v1, v3  }
0x256: {  	[tilespmem:s9], [sflag:$0x1] =	stream.indirect_vreg.gather [hbm4b:s1+s3], $0x80, v4, vm0, $0xb8;
	[tilespmem:$0x14300] =	vst v63  }
0x257: {  	s14 =	simm.s32 $0xB00  }
0x258: {  	[tilespmem:s14], [sflag:$0x1] =	stream.indirect_vreg.gather [hbm4b:s5+s3], $0x80, v4, vm0, $0xb8;
	[tilespmem:$0x14300] =	vst v63  }
0x259: {  	s14 =	simm.s32 $0x1300  }
0x25a: {  	[tilespmem:s14], [sflag:$0x1] =	stream.indirect_vreg.gather [hbm4b:s1+s3], $0x80, v3, vm0, $0xb8;
	[tilespmem:$0x14300] =	vst v63  }
0x25b: {  	_ = 	snop  }
0x25c: {  	[tilespmem:s19], [sflag:$0x1] =	stream.indirect_vreg.gather [hbm4b:s5+s3], $0x80, v3, vm0, $0xb8;
	[tilespmem:$0x14300] =	vst v63  }
0x25d: {  	v3 =	vld [tilespmem:$0x100];
	_ =	sdelay $0x4  }
0x25e: {  	v53 =	vshll.u32 v3, $0x2  }
0x25f: {  	v3 =	vand.u32 $0x7, v3;
	v4 =	vand.u32 $0xFFFFFFE0, v53  }
0x260: {  	v3 =	vor.u32 v3, v4  }
0x261: {  	v4 =	vperm.xlane v3, v0;
	_ =	sdelay $0x1  }
0x262: {  	v4 =	vadd.s32 v1, v4;
	_ =	sdelay $0x1  }
0x263: {  	v3 =	vperm.xlane v3, v2;
	_ =	sdelay $0x1  }
0x264: {  	s14 =	simm.s32 $0x2300;
	v3 =	vadd.s32 v1, v3  }
0x265: {  	[tilespmem:s14], [sflag:$0x1] =	stream.indirect_vreg.gather [hbm4b:s1+s3], $0x80, v4, vm0, $0xb8;
	[tilespmem:$0x14300] =	vst v63  }
0x266: {  	s19 =	simm.s32 $0x2B00  }
0x267: {  	[tilespmem:s19], [sflag:$0x1] =	stream.indirect_vreg.gather [hbm4b:s5+s3], $0x80, v4, vm0, $0xb8;
	[tilespmem:$0x14300] =	vst v63  }
0x268: {  	s14 =	simm.s32 $0x3300  }
0x269: {  	[tilespmem:s14], [sflag:$0x1] =	stream.indirect_vreg.gather [hbm4b:s1+s3], $0x80, v3, vm0, $0xb8;
	[tilespmem:$0x14300] =	vst v63  }
0x26a: {  	_ = 	snop  }
0x26b: {  	[tilespmem:s15], [sflag:$0x1] =	stream.indirect_vreg.gather [hbm4b:s5+s3], $0x80, v3, vm0, $0xb8;
	[tilespmem:$0x14300] =	vst v63  }
0x26c: {  	v3 =	vld.msk [tilespmem:$0x110], $0xff;
	_ =	sdelay $0x4  }
0x26d: {  	v54 =	vshll.u32 v3, $0x2  }
0x26e: {  	v3 =	vand.u32 $0x7, v3;
	v4 =	vand.u32 $0xFFFFFFE0, v54  }
0x26f: {  	v3 =	vor.u32 v3, v4  }
0x270: {  	v3 =	vperm.xlane v3, v0;
	_ =	sdelay $0x1  }
0x271: {  	v3 =	vadd.s32 v1, v3;
	_ =	sdelay $0x3  }
0x272: {  	s19 =	simm.s32 $0x4300  }
0x273: {  	[tilespmem:s19], [sflag:$0x1] =	stream.indirect_vreg.gather [hbm4b:s1+s3], $0x80, v3, vm0, $0xb8;
	[tilespmem:$0x14300] =	vst v63  }
0x274: {  	_ = 	snop  }
0x275: {  	[tilespmem:s16], [sflag:$0x1] =	stream.indirect_vreg.gather [hbm4b:s5+s3], $0x80, v3, vm0, $0xb8;
	[tilespmem:$0x14300] =	vst v63  }
0x276: {  	v3 =	vld [tilespmem:$0x270];
	_ =	sdelay $0x4  }
0x277: {  	v55 =	vshll.u32 v3, $0x2  }
0x278: {  	v3 =	vand.u32 $0x7, v3;
	v4 =	vand.u32 $0xFFFFFFE0, v55  }
0x279: {  	v3 =	vor.u32 v3, v4  }
0x27a: {  	v4 =	vperm.xlane v3, v0;
	_ =	sdelay $0x1  }
0x27b: {  	v4 =	vadd.s32 v1, v4;
	_ =	sdelay $0x1  }
0x27c: {  	v3 =	vperm.xlane v3, v2;
	_ =	sdelay $0x1  }
0x27d: {  	v3 =	vadd.s32 v1, v3  }
0x27e: {  	[tilespmem:s13], [sflag:$0x3] =	stream.indirect_vreg.gather [hbm4b:s4+s3], $0x80, v4, vm0, $0xb8;
	[tilespmem:$0x14300] =	vst v63  }
0x27f: {  	s13 =	simm.s32 $0xAB00  }
0x280: {  	[tilespmem:s13], [sflag:$0x3] =	stream.indirect_vreg.gather [hbm4b:s6+s3], $0x80, v4, vm0, $0xb8;
	[tilespmem:$0x14300] =	vst v63  }
0x281: {  	s14 =	simm.s32 $0xB300  }
0x282: {  	[tilespmem:s14], [sflag:$0x3] =	stream.indirect_vreg.gather [hbm4b:s4+s3], $0x80, v3, vm0, $0xb8;
	[tilespmem:$0x14300] =	vst v63  }
0x283: {  	_ = 	snop  }
0x284: {  	[tilespmem:s17], [sflag:$0x3] =	stream.indirect_vreg.gather [hbm4b:s6+s3], $0x80, v3, vm0, $0xb8;
	[tilespmem:$0x14300] =	vst v63  }
0x285: {  	v3 =	vld [tilespmem:$0x280];
	_ =	sdelay $0x4  }
0x286: {  	v56 =	vshll.u32 v3, $0x2  }
0x287: {  	v3 =	vand.u32 $0x7, v3;
	v4 =	vand.u32 $0xFFFFFFE0, v56  }
0x288: {  	v3 =	vor.u32 v3, v4  }
0x289: {  	v4 =	vperm.xlane v3, v0;
	_ =	sdelay $0x1  }
0x28a: {  	v4 =	vadd.s32 v1, v4;
	_ =	sdelay $0x1  }
0x28b: {  	v3 =	vperm.xlane v3, v2;
	_ =	sdelay $0x1  }
0x28c: {  	s15 =	simm.s32 $0xC300;
	v3 =	vadd.s32 v1, v3  }
0x28d: {  	[tilespmem:s15], [sflag:$0x3] =	stream.indirect_vreg.gather [hbm4b:s4+s3], $0x80, v4, vm0, $0xb8;
	[tilespmem:$0x14300] =	vst v63  }
0x28e: {  	s17 =	simm.s32 $0xCB00  }
0x28f: {  	[tilespmem:s17], [sflag:$0x3] =	stream.indirect_vreg.gather [hbm4b:s6+s3], $0x80, v4, vm0, $0xb8;
	[tilespmem:$0x14300] =	vst v63  }
0x290: {  	s19 =	simm.s32 $0xD300  }
0x291: {  	[tilespmem:s19], [sflag:$0x3] =	stream.indirect_vreg.gather [hbm4b:s4+s3], $0x80, v3, vm0, $0xb8;
	[tilespmem:$0x14300] =	vst v63  }
0x292: {  	_ = 	snop  }
0x293: {  	[tilespmem:s18], [sflag:$0x3] =	stream.indirect_vreg.gather [hbm4b:s6+s3], $0x80, v3, vm0, $0xb8;
	[tilespmem:$0x14300] =	vst v63  }
0x294: {  	v3 =	vld.msk [tilespmem:$0x290], $0xff;
	_ =	sdelay $0x4  }
0x295: {  	v57 =	vshll.u32 v3, $0x2  }
0x296: {  	v3 =	vand.u32 $0x7, v3;
	v4 =	vand.u32 $0xFFFFFFE0, v57  }
0x297: {  	v3 =	vor.u32 v3, v4  }
0x298: {  	v3 =	vperm.xlane v3, v0;
	_ =	sdelay $0x1  }
0x299: {  	v3 =	vadd.s32 v1, v3;
	_ =	sdelay $0x3  }
0x29a: {  	s13 =	simm.s32 $0xE300  }
0x29b: {  	[tilespmem:s13], [sflag:$0x3] =	stream.indirect_vreg.gather [hbm4b:s4+s3], $0x80, v3, vm0, $0xb8;
	[tilespmem:$0x14300] =	vst v63  }
0x29c: {  	s14 =	simm.s32 $0xEB00  }
0x29d: {  	[tilespmem:s14], [sflag:$0x3] =	stream.indirect_vreg.gather [hbm4b:s6+s3], $0x80, v3, vm0, $0xb8;
	[tilespmem:$0x14300] =	vst v63  }
0x29e: {  	_ =	swait.ge [sflag:s0], $0x5000  }
0x29f: {  	[sflag:s0] =	ssyncset.done $0x0  }
0x2a0: {  	[sflag:s0] =	ssyncadd.s32 $0xFFFFB000  }
0x2a1: {  	_ =	swait.ge [sflag:s10], $0x5000  }
0x2a2: {  	[sflag:s10] =	ssyncset.done $0x0  }
0x2a3: {  	s18 =	simm.s32 $0x5300;
	s15 =	rddreg [dreg:$0x10];
	[sflag:s10] =	ssyncadd.s32 $0xFFFFB000  }
0x2a4: {  	[hbm4b:s15+s3] =	stream.linear.scatter [tilespmem:s18], [sflag:$0x6], $0x5000, $0x38;
	[tilespmem:$0x14300] =	vst v63  }
0x2a5: {  	s17 =	rddreg [dreg:$0x11]  }
0x2a6: {  	[hbm4b:s17+s3] =	stream.linear.scatter [tilespmem:s8], [sflag:$0x8], $0x5000, $0x38;
	[tilespmem:$0x14300] =	vst v63  }
0x2a7: {  	_ =	swait.ge [sflag:s11], $0x5000  }
0x2a8: {  	[sflag:s11] =	ssyncset.done $0x0  }
0x2a9: {  	[sflag:s11] =	ssyncadd.s32 $0xFFFFB000  }
0x2aa: {  	_ =	swait.ge [sflag:s12], $0x5000  }
0x2ab: {  	[sflag:s12] =	ssyncset.done $0x0  }
0x2ac: {  	[sflag:s12] =	ssyncadd.s32 $0xFFFFB000  }
0x2ad: {  	v3 =	vld [tilespmem:$0x118];
	_ =	sdelay $0x4  }
0x2ae: {  	v58 =	vshll.u32 v3, $0x2  }
0x2af: {  	v3 =	vand.u32 $0x7, v3;
	v4 =	vand.u32 $0xFFFFFFE0, v58  }
0x2b0: {  	v3 =	vor.u32 v3, v4  }
0x2b1: {  	v4 =	vperm.xlane v3, v0;
	_ =	sdelay $0x1  }
0x2b2: {  	v4 =	vadd.s32 v1, v4;
	_ =	sdelay $0x1  }
0x2b3: {  	v3 =	vperm.xlane v3, v2;
	_ =	sdelay $0x1  }
0x2b4: {  	v3 =	vadd.s32 v1, v3  }
0x2b5: {  	[tilespmem:s18], [sflag:$0x2] =	stream.indirect_vreg.gather [hbm4b:s1+s3], $0x80, v4, vm0, $0xb8;
	[tilespmem:$0x14300] =	vst v63  }
0x2b6: {  	_ = 	snop  }
0x2b7: {  	[tilespmem:s28], [sflag:$0x2] =	stream.indirect_vreg.gather [hbm4b:s5+s3], $0x80, v4, vm0, $0xb8;
	[tilespmem:$0x14300] =	vst v63  }
0x2b8: {  	s19 =	simm.s32 $0x6300  }
0x2b9: {  	[tilespmem:s19], [sflag:$0x2] =	stream.indirect_vreg.gather [hbm4b:s1+s3], $0x80, v3, vm0, $0xb8;
	[tilespmem:$0x14300] =	vst v63  }
0x2ba: {  	_ = 	snop  }
0x2bb: {  	[tilespmem:s25], [sflag:$0x2] =	stream.indirect_vreg.gather [hbm4b:s5+s3], $0x80, v3, vm0, $0xb8;
	[tilespmem:$0x14300] =	vst v63  }
0x2bc: {  	v3 =	vld [tilespmem:$0x128];
	_ =	sdelay $0x4  }
0x2bd: {  	v59 =	vshll.u32 v3, $0x2  }
0x2be: {  	v3 =	vand.u32 $0x7, v3;
	v4 =	vand.u32 $0xFFFFFFE0, v59  }
0x2bf: {  	v3 =	vor.u32 v3, v4  }
0x2c0: {  	v4 =	vperm.xlane v3, v0;
	_ =	sdelay $0x1  }
0x2c1: {  	v4 =	vadd.s32 v1, v4;
	_ =	sdelay $0x1  }
0x2c2: {  	v3 =	vperm.xlane v3, v2;
	_ =	sdelay $0x1  }
0x2c3: {  	s28 =	simm.s32 $0x7300;
	v3 =	vadd.s32 v1, v3  }
0x2c4: {  	[tilespmem:s28], [sflag:$0x2] =	stream.indirect_vreg.gather [hbm4b:s1+s3], $0x80, v4, vm0, $0xb8;
	[tilespmem:$0x14300] =	vst v63  }
0x2c5: {  	s13 =	simm.s32 $0x7B00  }
0x2c6: {  	[tilespmem:s13], [sflag:$0x2] =	stream.indirect_vreg.gather [hbm4b:s5+s3], $0x80, v4, vm0, $0xb8;
	[tilespmem:$0x14300] =	vst v63  }
0x2c7: {  	s14 =	simm.s32 $0x8300  }
0x2c8: {  	[tilespmem:s14], [sflag:$0x2] =	stream.indirect_vreg.gather [hbm4b:s1+s3], $0x80, v3, vm0, $0xb8;
	[tilespmem:$0x14300] =	vst v63  }
0x2c9: {  	_ = 	snop  }
0x2ca: {  	[tilespmem:s26], [sflag:$0x2] =	stream.indirect_vreg.gather [hbm4b:s5+s3], $0x80, v3, vm0, $0xb8;
	[tilespmem:$0x14300] =	vst v63  }
0x2cb: {  	v3 =	vld.msk [tilespmem:$0x138], $0xff;
	_ =	sdelay $0x4  }
0x2cc: {  	v60 =	vshll.u32 v3, $0x2  }
0x2cd: {  	v3 =	vand.u32 $0x7, v3;
	v4 =	vand.u32 $0xFFFFFFE0, v60  }
0x2ce: {  	v3 =	vor.u32 v3, v4  }
0x2cf: {  	v3 =	vperm.xlane v3, v0;
	_ =	sdelay $0x1  }
0x2d0: {  	v3 =	vadd.s32 v1, v3;
	_ =	sdelay $0x3  }
0x2d1: {  	s17 =	simm.s32 $0x9300  }
0x2d2: {  	[tilespmem:s17], [sflag:$0x2] =	stream.indirect_vreg.gather [hbm4b:s1+s3], $0x80, v3, vm0, $0xb8;
	[tilespmem:$0x14300] =	vst v63  }
0x2d3: {  	s18 =	simm.s32 $0x9B00  }
0x2d4: {  	[tilespmem:s18], [sflag:$0x2] =	stream.indirect_vreg.gather [hbm4b:s5+s3], $0x80, v3, vm0, $0xb8;
	[tilespmem:$0x14300] =	vst v63  }
0x2d5: {  	v3 =	vld [tilespmem:$0x298];
	_ =	sdelay $0x4  }
0x2d6: {  	v61 =	vshll.u32 v3, $0x2  }
0x2d7: {  	v3 =	vand.u32 $0x7, v3;
	v4 =	vand.u32 $0xFFFFFFE0, v61  }
0x2d8: {  	v3 =	vor.u32 v3, v4  }
0x2d9: {  	v4 =	vperm.xlane v3, v0;
	_ =	sdelay $0x1  }
0x2da: {  	v4 =	vadd.s32 v1, v4;
	_ =	sdelay $0x1  }
0x2db: {  	v3 =	vperm.xlane v3, v2;
	_ =	sdelay $0x1  }
0x2dc: {  	v3 =	vadd.s32 v1, v3  }
0x2dd: {  	[tilespmem:s8], [sflag:$0x4] =	stream.indirect_vreg.gather [hbm4b:s4+s3], $0x80, v4, vm0, $0xb8;
	[tilespmem:$0x14300] =	vst v63  }
0x2de: {  	s19 =	simm.s32 $0xFB00  }
0x2df: {  	[tilespmem:s19], [sflag:$0x4] =	stream.indirect_vreg.gather [hbm4b:s6+s3], $0x80, v4, vm0, $0xb8;
	[tilespmem:$0x14300] =	vst v63  }
0x2e0: {  	_ = 	snop  }
0x2e1: {  	[tilespmem:s20], [sflag:$0x4] =	stream.indirect_vreg.gather [hbm4b:s4+s3], $0x80, v3, vm0, $0xb8;
	[tilespmem:$0x14300] =	vst v63  }
0x2e2: {  	s20 =	simm.s32 $0x10B00  }
0x2e3: {  	[tilespmem:s20], [sflag:$0x4] =	stream.indirect_vreg.gather [hbm4b:s6+s3], $0x80, v3, vm0, $0xb8;
	[tilespmem:$0x14300] =	vst v63  }
0x2e4: {  	v3 =	vld [tilespmem:$0x2A8];
	_ =	sdelay $0x4  }
0x2e5: {  	v62 =	vshll.u32 v3, $0x2  }
0x2e6: {  	v3 =	vand.u32 $0x7, v3;
	v4 =	vand.u32 $0xFFFFFFE0, v62  }
0x2e7: {  	v3 =	vor.u32 v3, v4  }
0x2e8: {  	v4 =	vperm.xlane v3, v0;
	_ =	sdelay $0x1  }
0x2e9: {  	v4 =	vadd.s32 v1, v4;
	_ =	sdelay $0x1  }
0x2ea: {  	v3 =	vperm.xlane v3, v2;
	_ =	sdelay $0x1  }
0x2eb: {  	v3 =	vadd.s32 v1, v3  }
0x2ec: {  	[tilespmem:s21], [sflag:$0x4] =	stream.indirect_vreg.gather [hbm4b:s4+s3], $0x80, v4, vm0, $0xb8;
	[tilespmem:$0x14300] =	vst v63  }
0x2ed: {  	_ = 	snop  }
0x2ee: {  	[tilespmem:s22], [sflag:$0x4] =	stream.indirect_vreg.gather [hbm4b:s6+s3], $0x80, v4, vm0, $0xb8;
	[tilespmem:$0x14300] =	vst v63  }
0x2ef: {  	_ = 	snop  }
0x2f0: {  	[tilespmem:s23], [sflag:$0x4] =	stream.indirect_vreg.gather [hbm4b:s4+s3], $0x80, v3, vm0, $0xb8;
	[tilespmem:$0x14300] =	vst v63  }
0x2f1: {  	s21 =	simm.s32 $0x12B00  }
0x2f2: {  	[tilespmem:s21], [sflag:$0x4] =	stream.indirect_vreg.gather [hbm4b:s6+s3], $0x80, v3, vm0, $0xb8;
	[tilespmem:$0x14300] =	vst v63  }
0x2f3: {  	v3 =	vld.msk [tilespmem:$0x2B8], $0xff;
	_ =	sdelay $0x4  }
0x2f4: {  	v63 =	vshll.u32 v3, $0x2  }
0x2f5: {  	v3 =	vand.u32 $0x7, v3;
	v4 =	vand.u32 $0xFFFFFFE0, v63  }
0x2f6: {  	v3 =	vor.u32 v3, v4  }
0x2f7: {  	v3 =	vperm.xlane v3, v0;
	_ =	sdelay $0x1  }
0x2f8: {  	v3 =	vadd.s32 v1, v3;
	_ =	sdelay $0x4  }
0x2f9: {  	[tilespmem:s24], [sflag:$0x4] =	stream.indirect_vreg.gather [hbm4b:s4+s3], $0x80, v3, vm0, $0xb8;
	[tilespmem:$0x14300] =	vst v63  }
0x2fa: {  	s22 =	simm.s32 $0x13B00  }
0x2fb: {  	[tilespmem:s22], [sflag:$0x4] =	stream.indirect_vreg.gather [hbm4b:s6+s3], $0x80, v3, vm0, $0xb8;
	[tilespmem:$0x14300] =	vst v63  }
0x2fc: {  	_ =	swait.ge [sflag:s30], $0x5000  }
0x2fd: {  	[sflag:s30] =	ssyncset.done $0x0  }
0x2fe: {  	[sflag:s30] =	ssyncadd.s32 $0xFFFFB000  }
0x2ff: {  	_ =	swait.ge [sflag:s29], $0x5000  }
0x300: {  	[sflag:s29] =	ssyncset.done $0x0  }
0x301: {  	s25 =	simm.s32 $0x300;
	s23 =	rddreg [dreg:$0x12];
	[sflag:s29] =	ssyncadd.s32 $0xFFFFB000  }
0x302: {  	[hbm4b:s23+s3] =	stream.linear.scatter [tilespmem:s25], [sflag:$0x5], $0x5000, $0x38;
	[tilespmem:$0x14300] =	vst v63  }
0x303: {  	s16 =	simm.s32 $0xA300;
	s24 =	rddreg [dreg:$0x13]  }
0x304: {  	[hbm4b:s24+s3] =	stream.linear.scatter [tilespmem:s16], [sflag:$0x7], $0x5000, $0x38;
	[tilespmem:$0x14300] =	vst v63  }
0x305: {  	_ =	swait.ge [sflag:s0], $0x5000  }
0x306: {  	[sflag:s0] =	ssyncset.done $0x0  }
0x307: {  	[sflag:s0] =	ssyncadd.s32 $0xFFFFB000  }
0x308: {  	_ =	swait.ge [sflag:s10], $0x5000  }
0x309: {  	[sflag:s10] =	ssyncset.done $0x0  }
0x30a: {  	s15 =	simm.s32 $0x5300;
	s26 =	rddreg [dreg:$0x14];
	[sflag:s10] =	ssyncadd.s32 $0xFFFFB000  }
0x30b: {  	[hbm4b:s26+s3] =	stream.linear.scatter [tilespmem:s15], [sflag:$0x6], $0x5000, $0x38;
	[tilespmem:$0x14300] =	vst v63  }
0x30c: {  	s28 =	rddreg [dreg:$0x15]  }
0x30d: {  	[hbm4b:s28+s3] =	stream.linear.scatter [tilespmem:s8], [sflag:$0x8], $0x5000, $0x38;
	[tilespmem:$0x14300] =	vst v63  }
0x30e: {  	_ =	swait.ge [sflag:s31], $0x5000  }
0x30f: {  	[sflag:s31] =	ssyncset.done $0x0  }
0x310: {  	[sflag:s31] =	ssyncadd.s32 $0xFFFFB000  }
0x311: {  	_ =	swait.ge [sflag:s2], $0x5000  }
0x312: {  	[sflag:s2] =	ssyncset.done $0x0  }
0x313: {  	[sflag:s2] =	ssyncadd.s32 $0xFFFFB000  }
0x314: {  	p0 =	sne.s32 s7, $0x1;
	_ =	swait.ge [sflag:s11], $0x5000  }
.Ltmp0:
0x315: {  	[sflag:s11] =	ssyncset.done $0x0;
	(pc) =	sbr.rel @p0 .LBB2_1-.Ltmp0, $4  }
0x316: {  	[sflag:s11] =	ssyncadd.s32 $0xFFFFB000  }
0x317: {  	_ =	swait.ge [sflag:s12], $0x5000  }
0x318: {  	[sflag:s12] =	ssyncset.done $0x0  }
0x319: {  	s7 =	sadd.s32 $0xFFFFFFFF, s7;
	[sflag:s12] =	ssyncadd.s32 $0xFFFFB000  }
0x31a: {  	_ =	sfence.sel $0x180000  }
0x31b: {  	[bflag:$0x0] =	sbarrier.arrive $0xFFFF  }
0x31c: {  	_ =	strace $0x90000047  }
0x31d: {  	s0 =	stileid.u32;
	[bflag:$0x2] =	sbarrier.arrive $0xFFFF  }
0x31e: {  	p0 =	sne.s32 s0, $0x0;
	s0 =	rddreg [dreg:$0x3]  }
0x31f: {  	s0 =	sadd.s32 @!p0 $0x100000, s0  }
0x320: {  	[sflag:s0] =	ssyncadd.tile.s32 @!p0 $0x1;
	_ =	shalt  }
.Lfunc_end2:
_tile_overlayer_lowered:
.L_overlay_start_2:
0x321: {  	(tag) =	ssettag $0x2  }
0x322: {  	s0 =	rddreg [dreg:$0x0];
	s2 =	stileid.u32  }
0x323: {  	s1 =	rddreg [dreg:$0x1];
	p0 =	sne.s32 s2, $0x0  }
0x324: {  	s3 =	rddreg [dreg:$0x2];
	[bflag:$0x3] =	sbarrier.arrive $0xFFFF;
	s2 =	simm.s32 @!p0 $0x1C09  }
0x325: {  	[timem:s3], [sflag:s2] =	dma.local @!p0 [hbm:s0], s1  }
0x326: {  	s0 =	simm.s32 @!p0 $0x9  }
0x327: {  	_ =	swait.ge @!p0 [sflag:s0], s1  }
0x328: {  	s1 =	ssub.s32 @!p0 $0x0, s1;
	[sflag:s0] =	ssyncset.done @!p0 $0x0  }
0x329: {  	[sflag:s0] =	ssyncadd.s32 @!p0 s1  }
0x32a: {  	[bflag:$0x3] =	sbarrier.arrive $0xFFFF  }
0x32b: {  	_ =	shalt  }

</sc_bundles>
